<compile_context>
chip_gen: v7x
topology: tpu7x:2x2x1
jax: 0.10.2.dev20260603
libtpu: 0.0.44.dev20260713+nightly
codegen_flags: <defaults>
</compile_context>

<pallas_src>
import functools

import jax
import jax.numpy as jnp
from jax import lax
from jax.experimental import pallas as pl
from jax.experimental.pallas import tpu as pltpu
from jax.experimental.pallas import tpu_sc as plsc

_EMB_LEVELS = 1000000
_EMB_DIM = 16
_L = 16

_C1 = -1640531535
_C2 = 0x45D9F3B


def _hash_vec(xv):
    h = xv * jnp.int32(_C1)
    h = h ^ lax.shift_right_logical(h, 16)
    h = h * jnp.int32(_C2)
    h = h ^ lax.shift_right_logical(h, 16)
    q = lax.shift_right_logical(h, 1)
    r0 = h & jnp.int32(1)
    m = jnp.int32(_EMB_LEVELS)
    return lax.rem(lax.rem(q, m) * jnp.int32(2) + r0, m)


def _body(chunk, n_chunks, x_hbm, seeds_hbm, table_hbm, out_hbm,
          seeds_v, x_d, idx_d, rows_d, gsem, osem):
    info = plsc.get_sparse_core_info()
    nc = info.num_cores
    wid = lax.axis_index("s") * nc + lax.axis_index("c")
    per_w = chunk * n_chunks

    pltpu.sync_copy(seeds_hbm, seeds_v)
    s0 = seeds_v[0, :]
    s1 = seeds_v[1, :]
    m = jnp.int32(_EMB_LEVELS)

    def load_x(c):
        base = wid * per_w + c * chunk
        pltpu.sync_copy(x_hbm.at[pl.ds(base, chunk)], x_d.at[c & 1])

    def hash_chunk(c):
        slot = c & 1

        def grp(g, _):
            xv = x_d[slot, pl.ds(g * _L, _L)]
            h = _hash_vec(xv)
            idx_d[slot, 0, pl.ds(g * _L, _L)] = lax.rem(h + s0, m)
            idx_d[slot, 1, pl.ds(g * _L, _L)] = lax.rem(h + s1, m)
            return _

        lax.fori_loop(0, chunk // _L, grp, None, unroll=4)

    def fire_gathers(c):
        slot = c & 1
        return [
            pltpu.async_copy(table_hbm.at[idx_d.at[slot, s]],
                             rows_d.at[slot, s], gsem)
            for s in (0, 1)
        ]

    def fire_writes(c):
        base = wid * per_w + c * chunk
        slot = c & 1
        return [
            pltpu.async_copy(rows_d.at[slot, s],
                             out_hbm.at[pl.ds(base, chunk), s], osem)
            for s in (0, 1)
        ]

    def drain_writes(c):
        base = wid * per_w + c * chunk
        slot = c & 1
        for s in (0, 1):
            pltpu.make_async_copy(
                rows_d.at[slot, s],
                out_hbm.at[pl.ds(base, chunk), s], osem).wait()

    load_x(0)
    hash_chunk(0)

    def do_chunk(c, _):
        @pl.when(c >= 2)
        def _older():
            drain_writes(c - 2)

        gh = fire_gathers(c)
        cn = jnp.minimum(c + 1, n_chunks - 1)
        load_x(cn)
        hash_chunk(cn)
        for h in gh:
            h.wait()
        fire_writes(c)
        return _

    lax.fori_loop(0, n_chunks, do_chunk, None)
    drain_writes(n_chunks - 2)
    drain_writes(n_chunks - 1)


def kernel(x, fnum, table):
    batch, fields = x.shape
    fpad = 32
    n = batch * fpad
    x_flat = jnp.concatenate([x, x[:, :fpad - fields]], axis=1).reshape(n)
    seeds = jnp.broadcast_to(fnum.reshape(2, 1), (2, _L)).astype(jnp.int32)

    info = plsc.get_sparse_core_info()
    nw = info.num_cores * info.num_subcores
    per_w = n // nw
    assert per_w * nw == n
    chunk = 1024
    n_chunks = per_w // chunk
    assert n_chunks * chunk == per_w

    mesh = plsc.VectorSubcoreMesh(core_axis_name="c", subcore_axis_name="s")
    kfn = pl.kernel(
        functools.partial(_body, chunk, n_chunks),
        out_type=jax.ShapeDtypeStruct((batch * fpad, 8, _EMB_DIM),
                                      jnp.float32),
        mesh=mesh,
        compiler_params=pltpu.CompilerParams(use_tc_tiling_on_sc=False),
        scratch_types=[
            pltpu.VMEM((2, _L), jnp.int32),
            pltpu.VMEM((2, chunk), jnp.int32),
            pltpu.VMEM((2, 2, chunk), jnp.int32),
            pltpu.VMEM((2, 2, chunk, _EMB_DIM), jnp.float32),
            pltpu.SemaphoreType.DMA,
            pltpu.SemaphoreType.DMA,
        ],
    )
    out = kfn(x_flat, seeds, table)
    out = out.reshape(batch, fpad, 8 * _EMB_DIM)
    return out[:, :fields, :2 * _EMB_DIM]

# --- scband reference (transcript-rebuilt; emitter-appended) ---
"""Pipeline reference for scband-unified-embedding-21371757265413 (READ-ONLY COPY).

The authoritative reference and input builder live on the scoring server;
editing this copy changes nothing except your own understanding.
"""

import jax, jax.numpy as jnp
import numpy as np

EMB_LEVELS = 1000000
EMB_DIM = 16
BATCH = 16384
FIELDS = 26
NUM_SEEDS = 2


def _hash_bucket(x):
    # Deterministic integer hash approximating tf.strings.to_hash_bucket_fast
    # (string farmhash replaced by an integer mixing hash; same structure:
    #  x -> hash -> bucket in [0, EMB_LEVELS)).
    h = x.astype(jnp.uint32) * jnp.uint32(2654435761)
    h = h ^ (h >> 16)
    h = h * jnp.uint32(0x45D9F3B)
    h = h ^ (h >> 16)
    return (h % jnp.uint32(EMB_LEVELS)).astype(jnp.int32)


def setup_inputs(seed: int = 0) -> dict:
    key = jax.random.key(seed)
    k1, k2 = jax.random.split(key)
    x = jax.random.randint(k1, (BATCH, FIELDS), 0, EMB_LEVELS, dtype=jnp.int32)
    fnum = jnp.arange(NUM_SEEDS, dtype=jnp.int32)
    table = jax.random.normal(k2, (EMB_LEVELS, EMB_DIM), dtype=jnp.float32) * 0.05
    return {"x": x, "fnum": fnum, "table": table}


def reference(x, fnum, table):
    base = _hash_bucket(x)
    embeddings = []
    for i in range(NUM_SEEDS):
        seed = fnum[i]
        indices = jnp.mod(base + seed, EMB_LEVELS)
        emb = jnp.take(table, indices, axis=0)
        embeddings.append(emb)
    return jnp.concatenate(embeddings, axis=-1)

if __name__ == "__main__":
    import jax
    _d = setup_inputs()
    print(jax.jit(kernel)(*tuple(_d.values())))

</pallas_src>

<mosaic_0001>
#map = affine_map<(d0, d1) -> (0)>
#map1 = affine_map<(d0, d1) -> (0, 0)>
#map2 = affine_map<(d0, d1) -> (0, 0, 0)>
module attributes {stable_mosaic.version = 14 : i64} {
  func.func @_body(%arg0: i32, %arg1: i32, %arg2: memref<524288xi32, #tpu.memory_space<hbm>>, %arg3: memref<2x16xi32, #tpu.memory_space<hbm>>, %arg4: memref<1000000x16xf32, #tpu.memory_space<hbm>>, %arg5: memref<524288x8x16xf32, #tpu.memory_space<hbm>>, %arg6: memref<2x16xi32, #tpu.memory_space<vmem>>, %arg7: memref<2x1024xi32, #tpu.memory_space<vmem>>, %arg8: memref<2x2x1024xi32, #tpu.memory_space<vmem>>, %arg9: memref<2x2x1024x16xf32, #tpu.memory_space<vmem>>, %arg10: memref<!tpu.dma_semaphore, #tpu.memory_space<semaphore_mem>>, %arg11: memref<!tpu.dma_semaphore, #tpu.memory_space<semaphore_mem>>) attributes {dimension_semantics = [#tpu.dimension_semantics<core_parallel>, #tpu.dimension_semantics<subcore_parallel>], iteration_bounds = array<i64: 2, 16>, scalar_prefetch = 0 : i64, scratch_operands = 6 : i64, tpu.core_type = #tpu.core_type<sc_vector_subcore>, window_params = [{transform_indices = #map}, {transform_indices = #map1}, {transform_indices = #map1}, {transform_indices = #map2}]} {
    %mul3A = arith.constant 2 : i32
    %mul3A_0 = arith.muli %arg1, %mul3A : i32
    %add3A = arith.addi %mul3A_0, %arg0 : i32
    "tpu.region"() ({
      %run_scoped3A_100 = tpu.sem_alloc : memref<!tpu.dma_semaphore, #tpu.memory_space<semaphore_mem>>
      tpu.enqueue_dma source(%arg3 : memref<2x16xi32, #tpu.memory_space<hbm>>) target(%arg6 : memref<2x16xi32, #tpu.memory_space<vmem>>) target_semaphore(%run_scoped3A_100 : memref<!tpu.dma_semaphore, #tpu.memory_space<semaphore_mem>>)
      tpu.wait_dma2 semaphore(%run_scoped3A_100 : memref<!tpu.dma_semaphore, #tpu.memory_space<semaphore_mem>>) src(%arg3 : memref<2x16xi32, #tpu.memory_space<hbm>>) dst(%arg6 : memref<2x16xi32, #tpu.memory_space<vmem>>)
      tpu.yield
    }) : () -> ()
    %get3A = arith.constant 0 : i32
    %get3A_1 = arith.index_cast %get3A : i32 to index
    %get3A_2 = arith.constant 0 : index
    %get3A_3 = tpu.vector_load %arg6[%get3A_1, %get3A_2] {strides = array<i32>} : memref<2x16xi32, #tpu.memory_space<vmem>>, vector<1x16xi32>,
    %get3A_4 = vector.shape_cast %get3A_3 : vector<1x16xi32> to vector<16xi32>
    %get3A_5 = arith.constant 1 : i32
    %get3A_6 = arith.index_cast %get3A_5 : i32 to index
    %get3A_7 = arith.constant 0 : index
    %get3A_8 = tpu.vector_load %arg6[%get3A_6, %get3A_7] {strides = array<i32>} : memref<2x16xi32, #tpu.memory_space<vmem>>, vector<1x16xi32>,
    %get3A_9 = vector.shape_cast %get3A_8 : vector<1x16xi32> to vector<16xi32>
    %mul3A_10 = arith.constant 16384 : i32
    %mul3A_11 = arith.muli %add3A, %mul3A_10 : i32
    %add3A_12 = arith.constant 0 : i32
    %add3A_13 = arith.addi %mul3A_11, %add3A_12 : i32
    %run_scoped3A = arith.constant 0 : i32
    "tpu.region"() ({
      %run_scoped3A_100 = tpu.sem_alloc : memref<!tpu.dma_semaphore, #tpu.memory_space<semaphore_mem>>
      %dma_start3A = arith.constant 0 : i32
      %dma_start3A_101 = tpu.memref_slice %arg7[%run_scoped3A, %dma_start3A] : memref<2x1024xi32, #tpu.memory_space<vmem>> -> memref<1x1024xi32, #tpu.memory_space<vmem>>
      %dma_start3A_102 = tpu.memref_squeeze %dma_start3A_101 : memref<1x1024xi32, #tpu.memory_space<vmem>> -> memref<1024xi32, #tpu.memory_space<vmem>>
      %dma_start3A_103 = tpu.memref_slice %arg2[%add3A_13] : memref<524288xi32, #tpu.memory_space<hbm>> -> memref<1024xi32, #tpu.memory_space<hbm>>
      %dma_start3A_104 = arith.constant 0 : i32
      %dma_start3A_105 = tpu.memref_slice %arg7[%run_scoped3A, %dma_start3A_104] : memref<2x1024xi32, #tpu.memory_space<vmem>> -> memref<1x1024xi32, #tpu.memory_space<vmem>>
      %dma_start3A_106 = tpu.memref_squeeze %dma_start3A_105 : memref<1x1024xi32, #tpu.memory_space<vmem>> -> memref<1024xi32, #tpu.memory_space<vmem>>
      %dma_start3A_107 = tpu.memref_slice %arg2[%add3A_13] : memref<524288xi32, #tpu.memory_space<hbm>> -> memref<1024xi32, #tpu.memory_space<hbm>>
      tpu.enqueue_dma source(%dma_start3A_107 : memref<1024xi32, #tpu.memory_space<hbm>>) target(%dma_start3A_106 : memref<1024xi32, #tpu.memory_space<vmem>>) target_semaphore(%run_scoped3A_100 : memref<!tpu.dma_semaphore, #tpu.memory_space<semaphore_mem>>)
      %dma_wait3A_108 = arith.constant 0 : i32
      %dma_wait3A_109 = tpu.memref_slice %arg7[%run_scoped3A, %dma_wait3A_108] : memref<2x1024xi32, #tpu.memory_space<vmem>> -> memref<1x1024xi32, #tpu.memory_space<vmem>>
      %dma_wait3A_110 = tpu.memref_squeeze %dma_wait3A_109 : memref<1x1024xi32, #tpu.memory_space<vmem>> -> memref<1024xi32, #tpu.memory_space<vmem>>
      %dma_wait3A_111 = tpu.memref_slice %arg2[%add3A_13] : memref<524288xi32, #tpu.memory_space<hbm>> -> memref<1024xi32, #tpu.memory_space<hbm>>
      %dma_wait3A_112 = arith.constant 0 : i32
      %dma_wait3A_113 = tpu.memref_slice %arg7[%run_scoped3A, %dma_wait3A_112] : memref<2x1024xi32, #tpu.memory_space<vmem>> -> memref<1x1024xi32, #tpu.memory_space<vmem>>
      %dma_wait3A_114 = tpu.memref_squeeze %dma_wait3A_113 : memref<1x1024xi32, #tpu.memory_space<vmem>> -> memref<1024xi32, #tpu.memory_space<vmem>>
      %dma_wait3A_115 = tpu.memref_slice %arg2[%add3A_13] : memref<524288xi32, #tpu.memory_space<hbm>> -> memref<1024xi32, #tpu.memory_space<hbm>>
      tpu.wait_dma2 semaphore(%run_scoped3A_100 : memref<!tpu.dma_semaphore, #tpu.memory_space<semaphore_mem>>) src(%dma_wait3A_115 : memref<1024xi32, #tpu.memory_space<hbm>>) dst(%dma_wait3A_114 : memref<1024xi32, #tpu.memory_space<vmem>>)
      tpu.yield
    }) : () -> ()
    %scan3A = arith.constant 1000000 : i32
    %scan3A_14 = arith.constant 0 : i32
    %scan3A_15 = arith.constant 64 : i32
    %scan3A_16 = arith.addi %scan3A_14, %scan3A_15 : i32
    %scan3A_17 = arith.constant 4 : i32
    scf.for %scan3A_100 = %scan3A_14 to %scan3A_16 step %scan3A_17  : i32 {
      %mul3A_101 = arith.constant 16 : i32
      %mul3A_102 = arith.muli %scan3A_100, %mul3A_101 : i32
      %get3A_103 = arith.constant 0 : i32
      %get3A_104 = arith.index_cast %get3A_103 : i32 to index
      %get3A_105 = arith.index_cast %mul3A_102 : i32 to index
      %get3A_106 = tpu.vector_load %arg7[%get3A_104, %get3A_105] {strides = array<i32>} : memref<2x1024xi32, #tpu.memory_space<vmem>>, vector<1x16xi32>,
      %get3A_107 = vector.shape_cast %get3A_106 : vector<1x16xi32> to vector<16xi32>
      %mul3A_108 = arith.constant -1640531535 : i32
      %mul3A_109 = vector.broadcast %mul3A_108 : i32 to vector<16xi32>
      %mul3A_110 = arith.muli %get3A_107, %mul3A_109 : vector<16xi32>
      %shift_right_logical3A = arith.constant 16 : i32
      %shift_right_logical3A_111 = vector.broadcast %shift_right_logical3A : i32 to vector<16xi32>
      %shift_right_logical3A_112 = arith.shrui %mul3A_110, %shift_right_logical3A_111 : vector<16xi32>
      %xor3A = arith.xori %mul3A_110, %shift_right_logical3A_112 : vector<16xi32>
      %mul3A_113 = arith.constant 73244475 : i32
      %mul3A_114 = vector.broadcast %mul3A_113 : i32 to vector<16xi32>
      %mul3A_115 = arith.muli %xor3A, %mul3A_114 : vector<16xi32>
      %shift_right_logical3A_116 = arith.constant 16 : i32
      %shift_right_logical3A_117 = vector.broadcast %shift_right_logical3A_116 : i32 to vector<16xi32>
      %shift_right_logical3A_118 = arith.shrui %mul3A_115, %shift_right_logical3A_117 : vector<16xi32>
      %xor3A_119 = arith.xori %mul3A_115, %shift_right_logical3A_118 : vector<16xi32>
      %shift_right_logical3A_120 = arith.constant 1 : i32
      %shift_right_logical3A_121 = vector.broadcast %shift_right_logical3A_120 : i32 to vector<16xi32>
      %shift_right_logical3A_122 = arith.shrui %xor3A_119, %shift_right_logical3A_121 : vector<16xi32>
      %and3A = arith.constant 1 : i32
      %and3A_123 = vector.broadcast %and3A : i32 to vector<16xi32>
      %and3A_124 = arith.andi %xor3A_119, %and3A_123 : vector<16xi32>
      %rem3A = arith.constant 1000000 : i32
      %rem3A_125 = vector.broadcast %rem3A : i32 to vector<16xi32>
      %rem3A_126 = arith.remsi %shift_right_logical3A_122, %rem3A_125 : vector<16xi32>
      %mul3A_127 = arith.constant 2 : i32
      %mul3A_128 = vector.broadcast %mul3A_127 : i32 to vector<16xi32>
      %mul3A_129 = arith.muli %rem3A_126, %mul3A_128 : vector<16xi32>
      %add3A_130 = arith.addi %mul3A_129, %and3A_124 : vector<16xi32>
      %rem3A_131 = arith.constant 1000000 : i32
      %rem3A_132 = vector.broadcast %rem3A_131 : i32 to vector<16xi32>
      %rem3A_133 = arith.remsi %add3A_130, %rem3A_132 : vector<16xi32>
      %add3A_134 = arith.addi %rem3A_133, %get3A_4 : vector<16xi32>
      %rem3A_135 = vector.broadcast %scan3A : i32 to vector<16xi32>
      %rem3A_136 = arith.remsi %add3A_134, %rem3A_135 : vector<16xi32>
      %mul3A_137 = arith.constant 16 : i32
      %mul3A_138 = arith.muli %scan3A_100, %mul3A_137 : i32
      %swap3A = arith.constant 0 : i32
      %swap3A_139 = arith.constant 0 : i32
      %swap3A_140 = arith.index_cast %swap3A : i32 to index
      %swap3A_141 = arith.index_cast %swap3A_139 : i32 to index
      %swap3A_142 = arith.index_cast %mul3A_138 : i32 to index
      %swap3A_143 = tpu.vector_load %arg8[%swap3A_140, %swap3A_141, %swap3A_142] {strides = array<i32>} : memref<2x2x1024xi32, #tpu.memory_space<vmem>>, vector<1x1x16xi32>,
      %swap3A_144 = vector.shape_cast %swap3A_143 : vector<1x1x16xi32> to vector<16xi32>
      %swap3A_145 = vector.shape_cast %rem3A_136 : vector<16xi32> to vector<1x1x16xi32>
      tpu.vector_store %arg8[%swap3A_140, %swap3A_141, %swap3A_142], %swap3A_145 {strides = array<i32>} : memref<2x2x1024xi32, #tpu.memory_space<vmem>>, vector<1x1x16xi32>,
      %add3A_146 = arith.addi %rem3A_133, %get3A_9 : vector<16xi32>
      %rem3A_147 = vector.broadcast %scan3A : i32 to vector<16xi32>
      %rem3A_148 = arith.remsi %add3A_146, %rem3A_147 : vector<16xi32>
      %mul3A_149 = arith.constant 16 : i32
      %mul3A_150 = arith.muli %scan3A_100, %mul3A_149 : i32
      %swap3A_151 = arith.constant 0 : i32
      %swap3A_152 = arith.constant 1 : i32
      %swap3A_153 = arith.index_cast %swap3A_151 : i32 to index
      %swap3A_154 = arith.index_cast %swap3A_152 : i32 to index
      %swap3A_155 = arith.index_cast %mul3A_150 : i32 to index
      %swap3A_156 = tpu.vector_load %arg8[%swap3A_153, %swap3A_154, %swap3A_155] {strides = array<i32>} : memref<2x2x1024xi32, #tpu.memory_space<vmem>>, vector<1x1x16xi32>,
      %swap3A_157 = vector.shape_cast %swap3A_156 : vector<1x1x16xi32> to vector<16xi32>
      %swap3A_158 = vector.shape_cast %rem3A_148 : vector<16xi32> to vector<1x1x16xi32>
      tpu.vector_store %arg8[%swap3A_153, %swap3A_154, %swap3A_155], %swap3A_158 {strides = array<i32>} : memref<2x2x1024xi32, #tpu.memory_space<vmem>>, vector<1x1x16xi32>,
      %scan3A_159 = arith.constant 1 : i32
      %scan3A_160 = arith.addi %scan3A_100, %scan3A_159 : i32
      %mul3A_161 = arith.constant 16 : i32
      %mul3A_162 = arith.muli %scan3A_160, %mul3A_161 : i32
      %get3A_163 = arith.constant 0 : i32
      %get3A_164 = arith.index_cast %get3A_163 : i32 to index
      %get3A_165 = arith.index_cast %mul3A_162 : i32 to index
      %get3A_166 = tpu.vector_load %arg7[%get3A_164, %get3A_165] {strides = array<i32>} : memref<2x1024xi32, #tpu.memory_space<vmem>>, vector<1x16xi32>,
      %get3A_167 = vector.shape_cast %get3A_166 : vector<1x16xi32> to vector<16xi32>
      %mul3A_168 = arith.constant -1640531535 : i32
      %mul3A_169 = vector.broadcast %mul3A_168 : i32 to vector<16xi32>
      %mul3A_170 = arith.muli %get3A_167, %mul3A_169 : vector<16xi32>
      %shift_right_logical3A_171 = arith.constant 16 : i32
      %shift_right_logical3A_172 = vector.broadcast %shift_right_logical3A_171 : i32 to vector<16xi32>
      %shift_right_logical3A_173 = arith.shrui %mul3A_170, %shift_right_logical3A_172 : vector<16xi32>
      %xor3A_174 = arith.xori %mul3A_170, %shift_right_logical3A_173 : vector<16xi32>
      %mul3A_175 = arith.constant 73244475 : i32
      %mul3A_176 = vector.broadcast %mul3A_175 : i32 to vector<16xi32>
      %mul3A_177 = arith.muli %xor3A_174, %mul3A_176 : vector<16xi32>
      %shift_right_logical3A_178 = arith.constant 16 : i32
      %shift_right_logical3A_179 = vector.broadcast %shift_right_logical3A_178 : i32 to vector<16xi32>
      %shift_right_logical3A_180 = arith.shrui %mul3A_177, %shift_right_logical3A_179 : vector<16xi32>
      %xor3A_181 = arith.xori %mul3A_177, %shift_right_logical3A_180 : vector<16xi32>
      %shift_right_logical3A_182 = arith.constant 1 : i32
      %shift_right_logical3A_183 = vector.broadcast %shift_right_logical3A_182 : i32 to vector<16xi32>
      %shift_right_logical3A_184 = arith.shrui %xor3A_181, %shift_right_logical3A_183 : vector<16xi32>
      %and3A_185 = arith.constant 1 : i32
      %and3A_186 = vector.broadcast %and3A_185 : i32 to vector<16xi32>
      %and3A_187 = arith.andi %xor3A_181, %and3A_186 : vector<16xi32>
      %rem3A_188 = arith.constant 1000000 : i32
      %rem3A_189 = vector.broadcast %rem3A_188 : i32 to vector<16xi32>
      %rem3A_190 = arith.remsi %shift_right_logical3A_184, %rem3A_189 : vector<16xi32>
      %mul3A_191 = arith.constant 2 : i32
      %mul3A_192 = vector.broadcast %mul3A_191 : i32 to vector<16xi32>
      %mul3A_193 = arith.muli %rem3A_190, %mul3A_192 : vector<16xi32>
      %add3A_194 = arith.addi %mul3A_193, %and3A_187 : vector<16xi32>
      %rem3A_195 = arith.constant 1000000 : i32
      %rem3A_196 = vector.broadcast %rem3A_195 : i32 to vector<16xi32>
      %rem3A_197 = arith.remsi %add3A_194, %rem3A_196 : vector<16xi32>
      %add3A_198 = arith.addi %rem3A_197, %get3A_4 : vector<16xi32>
      %rem3A_199 = vector.broadcast %scan3A : i32 to vector<16xi32>
      %rem3A_200 = arith.remsi %add3A_198, %rem3A_199 : vector<16xi32>
      %mul3A_201 = arith.constant 16 : i32
      %mul3A_202 = arith.muli %scan3A_160, %mul3A_201 : i32
      %swap3A_203 = arith.constant 0 : i32
      %swap3A_204 = arith.constant 0 : i32
      %swap3A_205 = arith.index_cast %swap3A_203 : i32 to index
      %swap3A_206 = arith.index_cast %swap3A_204 : i32 to index
      %swap3A_207 = arith.index_cast %mul3A_202 : i32 to index
      %swap3A_208 = tpu.vector_load %arg8[%swap3A_205, %swap3A_206, %swap3A_207] {strides = array<i32>} : memref<2x2x1024xi32, #tpu.memory_space<vmem>>, vector<1x1x16xi32>,
      %swap3A_209 = vector.shape_cast %swap3A_208 : vector<1x1x16xi32> to vector<16xi32>
      %swap3A_210 = vector.shape_cast %rem3A_200 : vector<16xi32> to vector<1x1x16xi32>
      tpu.vector_store %arg8[%swap3A_205, %swap3A_206, %swap3A_207], %swap3A_210 {strides = array<i32>} : memref<2x2x1024xi32, #tpu.memory_space<vmem>>, vector<1x1x16xi32>,
      %add3A_211 = arith.addi %rem3A_197, %get3A_9 : vector<16xi32>
      %rem3A_212 = vector.broadcast %scan3A : i32 to vector<16xi32>
      %rem3A_213 = arith.remsi %add3A_211, %rem3A_212 : vector<16xi32>
      %mul3A_214 = arith.constant 16 : i32
      %mul3A_215 = arith.muli %scan3A_160, %mul3A_214 : i32
      %swap3A_216 = arith.constant 0 : i32
      %swap3A_217 = arith.constant 1 : i32
      %swap3A_218 = arith.index_cast %swap3A_216 : i32 to index
      %swap3A_219 = arith.index_cast %swap3A_217 : i32 to index
      %swap3A_220 = arith.index_cast %mul3A_215 : i32 to index
      %swap3A_221 = tpu.vector_load %arg8[%swap3A_218, %swap3A_219, %swap3A_220] {strides = array<i32>} : memref<2x2x1024xi32, #tpu.memory_space<vmem>>, vector<1x1x16xi32>,
      %swap3A_222 = vector.shape_cast %swap3A_221 : vector<1x1x16xi32> to vector<16xi32>
      %swap3A_223 = vector.shape_cast %rem3A_213 : vector<16xi32> to vector<1x1x16xi32>
      tpu.vector_store %arg8[%swap3A_218, %swap3A_219, %swap3A_220], %swap3A_223 {strides = array<i32>} : memref<2x2x1024xi32, #tpu.memory_space<vmem>>, vector<1x1x16xi32>,
      %scan3A_224 = arith.constant 2 : i32
      %scan3A_225 = arith.addi %scan3A_100, %scan3A_224 : i32
      %mul3A_226 = arith.constant 16 : i32
      %mul3A_227 = arith.muli %scan3A_225, %mul3A_226 : i32
      %get3A_228 = arith.constant 0 : i32
      %get3A_229 = arith.index_cast %get3A_228 : i32 to index
      %get3A_230 = arith.index_cast %mul3A_227 : i32 to index
      %get3A_231 = tpu.vector_load %arg7[%get3A_229, %get3A_230] {strides = array<i32>} : memref<2x1024xi32, #tpu.memory_space<vmem>>, vector<1x16xi32>,
      %get3A_232 = vector.shape_cast %get3A_231 : vector<1x16xi32> to vector<16xi32>
      %mul3A_233 = arith.constant -1640531535 : i32
      %mul3A_234 = vector.broadcast %mul3A_233 : i32 to vector<16xi32>
      %mul3A_235 = arith.muli %get3A_232, %mul3A_234 : vector<16xi32>
      %shift_right_logical3A_236 = arith.constant 16 : i32
      %shift_right_logical3A_237 = vector.broadcast %shift_right_logical3A_236 : i32 to vector<16xi32>
      %shift_right_logical3A_238 = arith.shrui %mul3A_235, %shift_right_logical3A_237 : vector<16xi32>
      %xor3A_239 = arith.xori %mul3A_235, %shift_right_logical3A_238 : vector<16xi32>
      %mul3A_240 = arith.constant 73244475 : i32
      %mul3A_241 = vector.broadcast %mul3A_240 : i32 to vector<16xi32>
      %mul3A_242 = arith.muli %xor3A_239, %mul3A_241 : vector<16xi32>
      %shift_right_logical3A_243 = arith.constant 16 : i32
      %shift_right_logical3A_244 = vector.broadcast %shift_right_logical3A_243 : i32 to vector<16xi32>
      %shift_right_logical3A_245 = arith.shrui %mul3A_242, %shift_right_logical3A_244 : vector<16xi32>
      %xor3A_246 = arith.xori %mul3A_242, %shift_right_logical3A_245 : vector<16xi32>
      %shift_right_logical3A_247 = arith.constant 1 : i32
      %shift_right_logical3A_248 = vector.broadcast %shift_right_logical3A_247 : i32 to vector<16xi32>
      %shift_right_logical3A_249 = arith.shrui %xor3A_246, %shift_right_logical3A_248 : vector<16xi32>
      %and3A_250 = arith.constant 1 : i32
      %and3A_251 = vector.broadcast %and3A_250 : i32 to vector<16xi32>
      %and3A_252 = arith.andi %xor3A_246, %and3A_251 : vector<16xi32>
      %rem3A_253 = arith.constant 1000000 : i32
      %rem3A_254 = vector.broadcast %rem3A_253 : i32 to vector<16xi32>
      %rem3A_255 = arith.remsi %shift_right_logical3A_249, %rem3A_254 : vector<16xi32>
      %mul3A_256 = arith.constant 2 : i32
      %mul3A_257 = vector.broadcast %mul3A_256 : i32 to vector<16xi32>
      %mul3A_258 = arith.muli %rem3A_255, %mul3A_257 : vector<16xi32>
      %add3A_259 = arith.addi %mul3A_258, %and3A_252 : vector<16xi32>
      %rem3A_260 = arith.constant 1000000 : i32
      %rem3A_261 = vector.broadcast %rem3A_260 : i32 to vector<16xi32>
      %rem3A_262 = arith.remsi %add3A_259, %rem3A_261 : vector<16xi32>
      %add3A_263 = arith.addi %rem3A_262, %get3A_4 : vector<16xi32>
      %rem3A_264 = vector.broadcast %scan3A : i32 to vector<16xi32>
      %rem3A_265 = arith.remsi %add3A_263, %rem3A_264 : vector<16xi32>
      %mul3A_266 = arith.constant 16 : i32
      %mul3A_267 = arith.muli %scan3A_225, %mul3A_266 : i32
      %swap3A_268 = arith.constant 0 : i32
      %swap3A_269 = arith.constant 0 : i32
      %swap3A_270 = arith.index_cast %swap3A_268 : i32 to index
      %swap3A_271 = arith.index_cast %swap3A_269 : i32 to index
      %swap3A_272 = arith.index_cast %mul3A_267 : i32 to index
      %swap3A_273 = tpu.vector_load %arg8[%swap3A_270, %swap3A_271, %swap3A_272] {strides = array<i32>} : memref<2x2x1024xi32, #tpu.memory_space<vmem>>, vector<1x1x16xi32>,
      %swap3A_274 = vector.shape_cast %swap3A_273 : vector<1x1x16xi32> to vector<16xi32>
      %swap3A_275 = vector.shape_cast %rem3A_265 : vector<16xi32> to vector<1x1x16xi32>
      tpu.vector_store %arg8[%swap3A_270, %swap3A_271, %swap3A_272], %swap3A_275 {strides = array<i32>} : memref<2x2x1024xi32, #tpu.memory_space<vmem>>, vector<1x1x16xi32>,
      %add3A_276 = arith.addi %rem3A_262, %get3A_9 : vector<16xi32>
      %rem3A_277 = vector.broadcast %scan3A : i32 to vector<16xi32>
      %rem3A_278 = arith.remsi %add3A_276, %rem3A_277 : vector<16xi32>
      %mul3A_279 = arith.constant 16 : i32
      %mul3A_280 = arith.muli %scan3A_225, %mul3A_279 : i32
      %swap3A_281 = arith.constant 0 : i32
      %swap3A_282 = arith.constant 1 : i32
      %swap3A_283 = arith.index_cast %swap3A_281 : i32 to index
      %swap3A_284 = arith.index_cast %swap3A_282 : i32 to index
      %swap3A_285 = arith.index_cast %mul3A_280 : i32 to index
      %swap3A_286 = tpu.vector_load %arg8[%swap3A_283, %swap3A_284, %swap3A_285] {strides = array<i32>} : memref<2x2x1024xi32, #tpu.memory_space<vmem>>, vector<1x1x16xi32>,
      %swap3A_287 = vector.shape_cast %swap3A_286 : vector<1x1x16xi32> to vector<16xi32>
      %swap3A_288 = vector.shape_cast %rem3A_278 : vector<16xi32> to vector<1x1x16xi32>
      tpu.vector_store %arg8[%swap3A_283, %swap3A_284, %swap3A_285], %swap3A_288 {strides = array<i32>} : memref<2x2x1024xi32, #tpu.memory_space<vmem>>, vector<1x1x16xi32>,
      %scan3A_289 = arith.constant 3 : i32
      %scan3A_290 = arith.addi %scan3A_100, %scan3A_289 : i32
      %mul3A_291 = arith.constant 16 : i32
      %mul3A_292 = arith.muli %scan3A_290, %mul3A_291 : i32
      %get3A_293 = arith.constant 0 : i32
      %get3A_294 = arith.index_cast %get3A_293 : i32 to index
      %get3A_295 = arith.index_cast %mul3A_292 : i32 to index
      %get3A_296 = tpu.vector_load %arg7[%get3A_294, %get3A_295] {strides = array<i32>} : memref<2x1024xi32, #tpu.memory_space<vmem>>, vector<1x16xi32>,
      %get3A_297 = vector.shape_cast %get3A_296 : vector<1x16xi32> to vector<16xi32>
      %mul3A_298 = arith.constant -1640531535 : i32
      %mul3A_299 = vector.broadcast %mul3A_298 : i32 to vector<16xi32>
      %mul3A_300 = arith.muli %get3A_297, %mul3A_299 : vector<16xi32>
      %shift_right_logical3A_301 = arith.constant 16 : i32
      %shift_right_logical3A_302 = vector.broadcast %shift_right_logical3A_301 : i32 to vector<16xi32>
      %shift_right_logical3A_303 = arith.shrui %mul3A_300, %shift_right_logical3A_302 : vector<16xi32>
      %xor3A_304 = arith.xori %mul3A_300, %shift_right_logical3A_303 : vector<16xi32>
      %mul3A_305 = arith.constant 73244475 : i32
      %mul3A_306 = vector.broadcast %mul3A_305 : i32 to vector<16xi32>
      %mul3A_307 = arith.muli %xor3A_304, %mul3A_306 : vector<16xi32>
      %shift_right_logical3A_308 = arith.constant 16 : i32
      %shift_right_logical3A_309 = vector.broadcast %shift_right_logical3A_308 : i32 to vector<16xi32>
      %shift_right_logical3A_310 = arith.shrui %mul3A_307, %shift_right_logical3A_309 : vector<16xi32>
      %xor3A_311 = arith.xori %mul3A_307, %shift_right_logical3A_310 : vector<16xi32>
      %shift_right_logical3A_312 = arith.constant 1 : i32
      %shift_right_logical3A_313 = vector.broadcast %shift_right_logical3A_312 : i32 to vector<16xi32>
      %shift_right_logical3A_314 = arith.shrui %xor3A_311, %shift_right_logical3A_313 : vector<16xi32>
      %and3A_315 = arith.constant 1 : i32
      %and3A_316 = vector.broadcast %and3A_315 : i32 to vector<16xi32>
      %and3A_317 = arith.andi %xor3A_311, %and3A_316 : vector<16xi32>
      %rem3A_318 = arith.constant 1000000 : i32
      %rem3A_319 = vector.broadcast %rem3A_318 : i32 to vector<16xi32>
      %rem3A_320 = arith.remsi %shift_right_logical3A_314, %rem3A_319 : vector<16xi32>
      %mul3A_321 = arith.constant 2 : i32
      %mul3A_322 = vector.broadcast %mul3A_321 : i32 to vector<16xi32>
      %mul3A_323 = arith.muli %rem3A_320, %mul3A_322 : vector<16xi32>
      %add3A_324 = arith.addi %mul3A_323, %and3A_317 : vector<16xi32>
      %rem3A_325 = arith.constant 1000000 : i32
      %rem3A_326 = vector.broadcast %rem3A_325 : i32 to vector<16xi32>
      %rem3A_327 = arith.remsi %add3A_324, %rem3A_326 : vector<16xi32>
      %add3A_328 = arith.addi %rem3A_327, %get3A_4 : vector<16xi32>
      %rem3A_329 = vector.broadcast %scan3A : i32 to vector<16xi32>
      %rem3A_330 = arith.remsi %add3A_328, %rem3A_329 : vector<16xi32>
      %mul3A_331 = arith.constant 16 : i32
      %mul3A_332 = arith.muli %scan3A_290, %mul3A_331 : i32
      %swap3A_333 = arith.constant 0 : i32
      %swap3A_334 = arith.constant 0 : i32
      %swap3A_335 = arith.index_cast %swap3A_333 : i32 to index
      %swap3A_336 = arith.index_cast %swap3A_334 : i32 to index
      %swap3A_337 = arith.index_cast %mul3A_332 : i32 to index
      %swap3A_338 = tpu.vector_load %arg8[%swap3A_335, %swap3A_336, %swap3A_337] {strides = array<i32>} : memref<2x2x1024xi32, #tpu.memory_space<vmem>>, vector<1x1x16xi32>,
      %swap3A_339 = vector.shape_cast %swap3A_338 : vector<1x1x16xi32> to vector<16xi32>
      %swap3A_340 = vector.shape_cast %rem3A_330 : vector<16xi32> to vector<1x1x16xi32>
      tpu.vector_store %arg8[%swap3A_335, %swap3A_336, %swap3A_337], %swap3A_340 {strides = array<i32>} : memref<2x2x1024xi32, #tpu.memory_space<vmem>>, vector<1x1x16xi32>,
      %add3A_341 = arith.addi %rem3A_327, %get3A_9 : vector<16xi32>
      %rem3A_342 = vector.broadcast %scan3A : i32 to vector<16xi32>
      %rem3A_343 = arith.remsi %add3A_341, %rem3A_342 : vector<16xi32>
      %mul3A_344 = arith.constant 16 : i32
      %mul3A_345 = arith.muli %scan3A_290, %mul3A_344 : i32
      %swap3A_346 = arith.constant 0 : i32
      %swap3A_347 = arith.constant 1 : i32
      %swap3A_348 = arith.index_cast %swap3A_346 : i32 to index
      %swap3A_349 = arith.index_cast %swap3A_347 : i32 to index
      %swap3A_350 = arith.index_cast %mul3A_345 : i32 to index
      %swap3A_351 = tpu.vector_load %arg8[%swap3A_348, %swap3A_349, %swap3A_350] {strides = array<i32>} : memref<2x2x1024xi32, #tpu.memory_space<vmem>>, vector<1x1x16xi32>,
      %swap3A_352 = vector.shape_cast %swap3A_351 : vector<1x1x16xi32> to vector<16xi32>
      %swap3A_353 = vector.shape_cast %rem3A_343 : vector<16xi32> to vector<1x1x16xi32>
      tpu.vector_store %arg8[%swap3A_348, %swap3A_349, %swap3A_350], %swap3A_353 {strides = array<i32>} : memref<2x2x1024xi32, #tpu.memory_space<vmem>>, vector<1x1x16xi32>,
    }
    %scan3A_18 = arith.constant 64 : i32
    %scan3A_19 = arith.constant 1000000 : i32
    %scan3A_20 = arith.constant 0 : i32
    %scan3A_21 = arith.constant 16 : i32
    %scan3A_22 = arith.addi %scan3A_20, %scan3A_21 : i32
    %scan3A_23 = arith.constant 1 : i32
    scf.for %scan3A_100 = %scan3A_20 to %scan3A_22 step %scan3A_23  : i32 {
      %ge3A = arith.constant 2 : i32
      %ge3A_101 = arith.cmpi sge, %scan3A_100, %ge3A : i32
      %convert_element_type3A = arith.extui %ge3A_101 : i1 to i32
      %cond3A = arith.constant 0 : i32
      %cond3A_102 = arith.cmpi ne, %convert_element_type3A, %cond3A : i32
      scf.if %cond3A_102 {
        %sub3A = arith.constant 2 : i32
        %sub3A_207 = arith.subi %scan3A_100, %sub3A : i32
        %mul3A_208 = arith.constant 16384 : i32
        %mul3A_209 = arith.muli %add3A, %mul3A_208 : i32
        %mul3A_210 = arith.constant 1024 : i32
        %mul3A_211 = arith.muli %sub3A_207, %mul3A_210 : i32
        %add3A_212 = arith.addi %mul3A_209, %mul3A_211 : i32
        %and3A_213 = arith.constant 1 : i32
        %and3A_214 = arith.andi %sub3A_207, %and3A_213 : i32
        %dma_wait3A_215 = arith.constant 0 : i32
        %dma_wait3A_216 = arith.constant 0 : i32
        %dma_wait3A_217 = arith.constant 0 : i32
        %dma_wait3A_218 = arith.constant 0 : i32
        %dma_wait3A_219 = tpu.memref_slice %arg9[%and3A_214, %dma_wait3A_215, %dma_wait3A_217, %dma_wait3A_218] : memref<2x2x1024x16xf32, #tpu.memory_space<vmem>> -> memref<1x1x1024x16xf32, #tpu.memory_space<vmem>>
        %dma_wait3A_220 = tpu.memref_squeeze %dma_wait3A_219 : memref<1x1x1024x16xf32, #tpu.memory_space<vmem>> -> memref<1024x16xf32, #tpu.memory_space<vmem>>
        %dma_wait3A_221 = arith.constant 0 : i32
        %dma_wait3A_222 = tpu.memref_slice %arg5[%add3A_212, %dma_wait3A_216, %dma_wait3A_221] : memref<524288x8x16xf32, #tpu.memory_space<hbm>> -> memref<1024x1x16xf32, #tpu.memory_space<hbm>>
        %dma_wait3A_223 = tpu.memref_squeeze %dma_wait3A_222 : memref<1024x1x16xf32, #tpu.memory_space<hbm>> -> memref<1024x16xf32, #tpu.memory_space<hbm>>
        %dma_wait3A_224 = arith.constant 0 : i32
        %dma_wait3A_225 = tpu.memref_slice %arg5[%add3A_212, %dma_wait3A_216, %dma_wait3A_224] : memref<524288x8x16xf32, #tpu.memory_space<hbm>> -> memref<1024x1x16xf32, #tpu.memory_space<hbm>>
        %dma_wait3A_226 = tpu.memref_squeeze %dma_wait3A_225 : memref<1024x1x16xf32, #tpu.memory_space<hbm>> -> memref<1024x16xf32, #tpu.memory_space<hbm>>
        %dma_wait3A_227 = arith.constant 0 : i32
        %dma_wait3A_228 = arith.constant 0 : i32
        %dma_wait3A_229 = tpu.memref_slice %arg9[%and3A_214, %dma_wait3A_215, %dma_wait3A_227, %dma_wait3A_228] : memref<2x2x1024x16xf32, #tpu.memory_space<vmem>> -> memref<1x1x1024x16xf32, #tpu.memory_space<vmem>>
        %dma_wait3A_230 = tpu.memref_squeeze %dma_wait3A_229 : memref<1x1x1024x16xf32, #tpu.memory_space<vmem>> -> memref<1024x16xf32, #tpu.memory_space<vmem>>
        tpu.wait_dma2 semaphore(%arg11 : memref<!tpu.dma_semaphore, #tpu.memory_space<semaphore_mem>>) src(%dma_wait3A_230 : memref<1024x16xf32, #tpu.memory_space<vmem>>) dst(%dma_wait3A_226 : memref<1024x16xf32, #tpu.memory_space<hbm>>)
        %dma_wait3A_231 = arith.constant 1 : i32
        %dma_wait3A_232 = arith.constant 1 : i32
        %dma_wait3A_233 = arith.constant 0 : i32
        %dma_wait3A_234 = arith.constant 0 : i32
        %dma_wait3A_235 = tpu.memref_slice %arg9[%and3A_214, %dma_wait3A_231, %dma_wait3A_233, %dma_wait3A_234] : memref<2x2x1024x16xf32, #tpu.memory_space<vmem>> -> memref<1x1x1024x16xf32, #tpu.memory_space<vmem>>
        %dma_wait3A_236 = tpu.memref_squeeze %dma_wait3A_235 : memref<1x1x1024x16xf32, #tpu.memory_space<vmem>> -> memref<1024x16xf32, #tpu.memory_space<vmem>>
        %dma_wait3A_237 = arith.constant 0 : i32
        %dma_wait3A_238 = tpu.memref_slice %arg5[%add3A_212, %dma_wait3A_232, %dma_wait3A_237] : memref<524288x8x16xf32, #tpu.memory_space<hbm>> -> memref<1024x1x16xf32, #tpu.memory_space<hbm>>
        %dma_wait3A_239 = tpu.memref_squeeze %dma_wait3A_238 : memref<1024x1x16xf32, #tpu.memory_space<hbm>> -> memref<1024x16xf32, #tpu.memory_space<hbm>>
        %dma_wait3A_240 = arith.constant 0 : i32
        %dma_wait3A_241 = tpu.memref_slice %arg5[%add3A_212, %dma_wait3A_232, %dma_wait3A_240] : memref<524288x8x16xf32, #tpu.memory_space<hbm>> -> memref<1024x1x16xf32, #tpu.memory_space<hbm>>
        %dma_wait3A_242 = tpu.memref_squeeze %dma_wait3A_241 : memref<1024x1x16xf32, #tpu.memory_space<hbm>> -> memref<1024x16xf32, #tpu.memory_space<hbm>>
        %dma_wait3A_243 = arith.constant 0 : i32
        %dma_wait3A_244 = arith.constant 0 : i32
        %dma_wait3A_245 = tpu.memref_slice %arg9[%and3A_214, %dma_wait3A_231, %dma_wait3A_243, %dma_wait3A_244] : memref<2x2x1024x16xf32, #tpu.memory_space<vmem>> -> memref<1x1x1024x16xf32, #tpu.memory_space<vmem>>
        %dma_wait3A_246 = tpu.memref_squeeze %dma_wait3A_245 : memref<1x1x1024x16xf32, #tpu.memory_space<vmem>> -> memref<1024x16xf32, #tpu.memory_space<vmem>>
        tpu.wait_dma2 semaphore(%arg11 : memref<!tpu.dma_semaphore, #tpu.memory_space<semaphore_mem>>) src(%dma_wait3A_246 : memref<1024x16xf32, #tpu.memory_space<vmem>>) dst(%dma_wait3A_242 : memref<1024x16xf32, #tpu.memory_space<hbm>>)
      } else {
      }
      %and3A = arith.constant 1 : i32
      %and3A_103 = arith.andi %scan3A_100, %and3A : i32
      %dma_start3A = arith.constant 0 : i32
      %dma_start3A_104 = arith.constant 0 : i32
      %dma_start3A_105 = arith.constant 0 : i32
      %dma_start3A_106 = arith.constant 0 : i32
      %dma_start3A_107 = tpu.memref_slice %arg9[%and3A_103, %dma_start3A_104, %dma_start3A_105, %dma_start3A_106] : memref<2x2x1024x16xf32, #tpu.memory_space<vmem>> -> memref<1x1x1024x16xf32, #tpu.memory_space<vmem>>
      %dma_start3A_108 = tpu.memref_squeeze %dma_start3A_107 : memref<1x1x1024x16xf32, #tpu.memory_space<vmem>> -> memref<1024x16xf32, #tpu.memory_space<vmem>>
      %dma_start3A_109 = arith.constant 0 : i32
      %dma_start3A_110 = tpu.memref_slice %arg8[%and3A_103, %dma_start3A, %dma_start3A_109] : memref<2x2x1024xi32, #tpu.memory_space<vmem>> -> memref<1x1x1024xi32, #tpu.memory_space<vmem>>
      %dma_start3A_111 = tpu.memref_squeeze %dma_start3A_110 : memref<1x1x1024xi32, #tpu.memory_space<vmem>> -> memref<1024xi32, #tpu.memory_space<vmem>>
      %dma_start3A_112 = arith.constant 0 : i32
      %dma_start3A_113 = arith.constant 0 : i32
      %dma_start3A_114 = tpu.memref_slice %arg4[%dma_start3A_112, %dma_start3A_113] : memref<1000000x16xf32, #tpu.memory_space<hbm>> -> memref<1000000x16xf32, #tpu.memory_space<hbm>>
      tpu.enqueue_indirect_dma source(%dma_start3A_114 : memref<1000000x16xf32, #tpu.memory_space<hbm>>) target(%dma_start3A_108 : memref<1024x16xf32, #tpu.memory_space<vmem>>) offsets(%dma_start3A_111 : memref<1024xi32, #tpu.memory_space<vmem>>) semaphore(%arg10 : memref<!tpu.dma_semaphore, #tpu.memory_space<semaphore_mem>>)
      %dma_start3A_115 = arith.constant 1 : i32
      %dma_start3A_116 = arith.constant 1 : i32
      %dma_start3A_117 = arith.constant 0 : i32
      %dma_start3A_118 = arith.constant 0 : i32
      %dma_start3A_119 = tpu.memref_slice %arg9[%and3A_103, %dma_start3A_116, %dma_start3A_117, %dma_start3A_118] : memref<2x2x1024x16xf32, #tpu.memory_space<vmem>> -> memref<1x1x1024x16xf32, #tpu.memory_space<vmem>>
      %dma_start3A_120 = tpu.memref_squeeze %dma_start3A_119 : memref<1x1x1024x16xf32, #tpu.memory_space<vmem>> -> memref<1024x16xf32, #tpu.memory_space<vmem>>
      %dma_start3A_121 = arith.constant 0 : i32
      %dma_start3A_122 = tpu.memref_slice %arg8[%and3A_103, %dma_start3A_115, %dma_start3A_121] : memref<2x2x1024xi32, #tpu.memory_space<vmem>> -> memref<1x1x1024xi32, #tpu.memory_space<vmem>>
      %dma_start3A_123 = tpu.memref_squeeze %dma_start3A_122 : memref<1x1x1024xi32, #tpu.memory_space<vmem>> -> memref<1024xi32, #tpu.memory_space<vmem>>
      %dma_start3A_124 = arith.constant 0 : i32
      %dma_start3A_125 = arith.constant 0 : i32
      %dma_start3A_126 = tpu.memref_slice %arg4[%dma_start3A_124, %dma_start3A_125] : memref<1000000x16xf32, #tpu.memory_space<hbm>> -> memref<1000000x16xf32, #tpu.memory_space<hbm>>
      tpu.enqueue_indirect_dma source(%dma_start3A_126 : memref<1000000x16xf32, #tpu.memory_space<hbm>>) target(%dma_start3A_120 : memref<1024x16xf32, #tpu.memory_space<vmem>>) offsets(%dma_start3A_123 : memref<1024xi32, #tpu.memory_space<vmem>>) semaphore(%arg10 : memref<!tpu.dma_semaphore, #tpu.memory_space<semaphore_mem>>)
      %add3A_127 = arith.constant 1 : i32
      %add3A_128 = arith.addi %scan3A_100, %add3A_127 : i32
      %min3A = arith.constant 15 : i32
      %min3A_129 = arith.minsi %add3A_128, %min3A : i32
      %mul3A_130 = arith.constant 16384 : i32
      %mul3A_131 = arith.muli %add3A, %mul3A_130 : i32
      %mul3A_132 = arith.constant 1024 : i32
      %mul3A_133 = arith.muli %min3A_129, %mul3A_132 : i32
      %add3A_134 = arith.addi %mul3A_131, %mul3A_133 : i32
      %and3A_135 = arith.constant 1 : i32
      %and3A_136 = arith.andi %min3A_129, %and3A_135 : i32
      "tpu.region"() ({
        %run_scoped3A_207 = tpu.sem_alloc : memref<!tpu.dma_semaphore, #tpu.memory_space<semaphore_mem>>
        %dma_start3A_208 = arith.constant 0 : i32
        %dma_start3A_209 = tpu.memref_slice %arg7[%and3A_136, %dma_start3A_208] : memref<2x1024xi32, #tpu.memory_space<vmem>> -> memref<1x1024xi32, #tpu.memory_space<vmem>>
        %dma_start3A_210 = tpu.memref_squeeze %dma_start3A_209 : memref<1x1024xi32, #tpu.memory_space<vmem>> -> memref<1024xi32, #tpu.memory_space<vmem>>
        %dma_start3A_211 = tpu.memref_slice %arg2[%add3A_134] : memref<524288xi32, #tpu.memory_space<hbm>> -> memref<1024xi32, #tpu.memory_space<hbm>>
        %dma_start3A_212 = arith.constant 0 : i32
        %dma_start3A_213 = tpu.memref_slice %arg7[%and3A_136, %dma_start3A_212] : memref<2x1024xi32, #tpu.memory_space<vmem>> -> memref<1x1024xi32, #tpu.memory_space<vmem>>
        %dma_start3A_214 = tpu.memref_squeeze %dma_start3A_213 : memref<1x1024xi32, #tpu.memory_space<vmem>> -> memref<1024xi32, #tpu.memory_space<vmem>>
        %dma_start3A_215 = tpu.memref_slice %arg2[%add3A_134] : memref<524288xi32, #tpu.memory_space<hbm>> -> memref<1024xi32, #tpu.memory_space<hbm>>
        tpu.enqueue_dma source(%dma_start3A_215 : memref<1024xi32, #tpu.memory_space<hbm>>) target(%dma_start3A_214 : memref<1024xi32, #tpu.memory_space<vmem>>) target_semaphore(%run_scoped3A_207 : memref<!tpu.dma_semaphore, #tpu.memory_space<semaphore_mem>>)
        %dma_wait3A_216 = arith.constant 0 : i32
        %dma_wait3A_217 = tpu.memref_slice %arg7[%and3A_136, %dma_wait3A_216] : memref<2x1024xi32, #tpu.memory_space<vmem>> -> memref<1x1024xi32, #tpu.memory_space<vmem>>
        %dma_wait3A_218 = tpu.memref_squeeze %dma_wait3A_217 : memref<1x1024xi32, #tpu.memory_space<vmem>> -> memref<1024xi32, #tpu.memory_space<vmem>>
        %dma_wait3A_219 = tpu.memref_slice %arg2[%add3A_134] : memref<524288xi32, #tpu.memory_space<hbm>> -> memref<1024xi32, #tpu.memory_space<hbm>>
        %dma_wait3A_220 = arith.constant 0 : i32
        %dma_wait3A_221 = tpu.memref_slice %arg7[%and3A_136, %dma_wait3A_220] : memref<2x1024xi32, #tpu.memory_space<vmem>> -> memref<1x1024xi32, #tpu.memory_space<vmem>>
        %dma_wait3A_222 = tpu.memref_squeeze %dma_wait3A_221 : memref<1x1024xi32, #tpu.memory_space<vmem>> -> memref<1024xi32, #tpu.memory_space<vmem>>
        %dma_wait3A_223 = tpu.memref_slice %arg2[%add3A_134] : memref<524288xi32, #tpu.memory_space<hbm>> -> memref<1024xi32, #tpu.memory_space<hbm>>
        tpu.wait_dma2 semaphore(%run_scoped3A_207 : memref<!tpu.dma_semaphore, #tpu.memory_space<semaphore_mem>>) src(%dma_wait3A_223 : memref<1024xi32, #tpu.memory_space<hbm>>) dst(%dma_wait3A_222 : memref<1024xi32, #tpu.memory_space<vmem>>)
        tpu.yield
      }) : () -> ()
      %and3A_137 = arith.constant 1 : i32
      %and3A_138 = arith.andi %min3A_129, %and3A_137 : i32
      %scan3A_139 = arith.constant 0 : i32
      %scan3A_140 = arith.constant 64 : i32
      %scan3A_141 = arith.addi %scan3A_139, %scan3A_140 : i32
      %scan3A_142 = arith.constant 4 : i32
      scf.for %scan3A_207 = %scan3A_139 to %scan3A_141 step %scan3A_142  : i32 {
        %mul3A_208 = arith.constant 16 : i32
        %mul3A_209 = arith.muli %scan3A_207, %mul3A_208 : i32
        %get3A_210 = arith.index_cast %and3A_138 : i32 to index
        %get3A_211 = arith.index_cast %mul3A_209 : i32 to index
        %get3A_212 = tpu.vector_load %arg7[%get3A_210, %get3A_211] {strides = array<i32>} : memref<2x1024xi32, #tpu.memory_space<vmem>>, vector<1x16xi32>,
        %get3A_213 = vector.shape_cast %get3A_212 : vector<1x16xi32> to vector<16xi32>
        %mul3A_214 = arith.constant -1640531535 : i32
        %mul3A_215 = vector.broadcast %mul3A_214 : i32 to vector<16xi32>
        %mul3A_216 = arith.muli %get3A_213, %mul3A_215 : vector<16xi32>
        %shift_right_logical3A = arith.constant 16 : i32
        %shift_right_logical3A_217 = vector.broadcast %shift_right_logical3A : i32 to vector<16xi32>
        %shift_right_logical3A_218 = arith.shrui %mul3A_216, %shift_right_logical3A_217 : vector<16xi32>
        %xor3A = arith.xori %mul3A_216, %shift_right_logical3A_218 : vector<16xi32>
        %mul3A_219 = arith.constant 73244475 : i32
        %mul3A_220 = vector.broadcast %mul3A_219 : i32 to vector<16xi32>
        %mul3A_221 = arith.muli %xor3A, %mul3A_220 : vector<16xi32>
        %shift_right_logical3A_222 = arith.constant 16 : i32
        %shift_right_logical3A_223 = vector.broadcast %shift_right_logical3A_222 : i32 to vector<16xi32>
        %shift_right_logical3A_224 = arith.shrui %mul3A_221, %shift_right_logical3A_223 : vector<16xi32>
        %xor3A_225 = arith.xori %mul3A_221, %shift_right_logical3A_224 : vector<16xi32>
        %shift_right_logical3A_226 = arith.constant 1 : i32
        %shift_right_logical3A_227 = vector.broadcast %shift_right_logical3A_226 : i32 to vector<16xi32>
        %shift_right_logical3A_228 = arith.shrui %xor3A_225, %shift_right_logical3A_227 : vector<16xi32>
        %and3A_229 = arith.constant 1 : i32
        %and3A_230 = vector.broadcast %and3A_229 : i32 to vector<16xi32>
        %and3A_231 = arith.andi %xor3A_225, %and3A_230 : vector<16xi32>
        %rem3A = arith.constant 1000000 : i32
        %rem3A_232 = vector.broadcast %rem3A : i32 to vector<16xi32>
        %rem3A_233 = arith.remsi %shift_right_logical3A_228, %rem3A_232 : vector<16xi32>
        %mul3A_234 = arith.constant 2 : i32
        %mul3A_235 = vector.broadcast %mul3A_234 : i32 to vector<16xi32>
        %mul3A_236 = arith.muli %rem3A_233, %mul3A_235 : vector<16xi32>
        %add3A_237 = arith.addi %mul3A_236, %and3A_231 : vector<16xi32>
        %rem3A_238 = arith.constant 1000000 : i32
        %rem3A_239 = vector.broadcast %rem3A_238 : i32 to vector<16xi32>
        %rem3A_240 = arith.remsi %add3A_237, %rem3A_239 : vector<16xi32>
        %add3A_241 = arith.addi %rem3A_240, %get3A_4 : vector<16xi32>
        %rem3A_242 = vector.broadcast %scan3A_19 : i32 to vector<16xi32>
        %rem3A_243 = arith.remsi %add3A_241, %rem3A_242 : vector<16xi32>
        %mul3A_244 = arith.constant 16 : i32
        %mul3A_245 = arith.muli %scan3A_207, %mul3A_244 : i32
        %swap3A = arith.constant 0 : i32
        %swap3A_246 = arith.index_cast %and3A_138 : i32 to index
        %swap3A_247 = arith.index_cast %swap3A : i32 to index
        %swap3A_248 = arith.index_cast %mul3A_245 : i32 to index
        %swap3A_249 = tpu.vector_load %arg8[%swap3A_246, %swap3A_247, %swap3A_248] {strides = array<i32>} : memref<2x2x1024xi32, #tpu.memory_space<vmem>>, vector<1x1x16xi32>,
        %swap3A_250 = vector.shape_cast %swap3A_249 : vector<1x1x16xi32> to vector<16xi32>
        %swap3A_251 = vector.shape_cast %rem3A_243 : vector<16xi32> to vector<1x1x16xi32>
        tpu.vector_store %arg8[%swap3A_246, %swap3A_247, %swap3A_248], %swap3A_251 {strides = array<i32>} : memref<2x2x1024xi32, #tpu.memory_space<vmem>>, vector<1x1x16xi32>,
        %add3A_252 = arith.addi %rem3A_240, %get3A_9 : vector<16xi32>
        %rem3A_253 = vector.broadcast %scan3A_19 : i32 to vector<16xi32>
        %rem3A_254 = arith.remsi %add3A_252, %rem3A_253 : vector<16xi32>
        %mul3A_255 = arith.constant 16 : i32
        %mul3A_256 = arith.muli %scan3A_207, %mul3A_255 : i32
        %swap3A_257 = arith.constant 1 : i32
        %swap3A_258 = arith.index_cast %and3A_138 : i32 to index
        %swap3A_259 = arith.index_cast %swap3A_257 : i32 to index
        %swap3A_260 = arith.index_cast %mul3A_256 : i32 to index
        %swap3A_261 = tpu.vector_load %arg8[%swap3A_258, %swap3A_259, %swap3A_260] {strides = array<i32>} : memref<2x2x1024xi32, #tpu.memory_space<vmem>>, vector<1x1x16xi32>,
        %swap3A_262 = vector.shape_cast %swap3A_261 : vector<1x1x16xi32> to vector<16xi32>
        %swap3A_263 = vector.shape_cast %rem3A_254 : vector<16xi32> to vector<1x1x16xi32>
        tpu.vector_store %arg8[%swap3A_258, %swap3A_259, %swap3A_260], %swap3A_263 {strides = array<i32>} : memref<2x2x1024xi32, #tpu.memory_space<vmem>>, vector<1x1x16xi32>,
        %scan3A_264 = arith.constant 1 : i32
        %scan3A_265 = arith.addi %scan3A_207, %scan3A_264 : i32
        %mul3A_266 = arith.constant 16 : i32
        %mul3A_267 = arith.muli %scan3A_265, %mul3A_266 : i32
        %get3A_268 = arith.index_cast %and3A_138 : i32 to index
        %get3A_269 = arith.index_cast %mul3A_267 : i32 to index
        %get3A_270 = tpu.vector_load %arg7[%get3A_268, %get3A_269] {strides = array<i32>} : memref<2x1024xi32, #tpu.memory_space<vmem>>, vector<1x16xi32>,
        %get3A_271 = vector.shape_cast %get3A_270 : vector<1x16xi32> to vector<16xi32>
        %mul3A_272 = arith.constant -1640531535 : i32
        %mul3A_273 = vector.broadcast %mul3A_272 : i32 to vector<16xi32>
        %mul3A_274 = arith.muli %get3A_271, %mul3A_273 : vector<16xi32>
        %shift_right_logical3A_275 = arith.constant 16 : i32
        %shift_right_logical3A_276 = vector.broadcast %shift_right_logical3A_275 : i32 to vector<16xi32>
        %shift_right_logical3A_277 = arith.shrui %mul3A_274, %shift_right_logical3A_276 : vector<16xi32>
        %xor3A_278 = arith.xori %mul3A_274, %shift_right_logical3A_277 : vector<16xi32>
        %mul3A_279 = arith.constant 73244475 : i32
        %mul3A_280 = vector.broadcast %mul3A_279 : i32 to vector<16xi32>
        %mul3A_281 = arith.muli %xor3A_278, %mul3A_280 : vector<16xi32>
        %shift_right_logical3A_282 = arith.constant 16 : i32
        %shift_right_logical3A_283 = vector.broadcast %shift_right_logical3A_282 : i32 to vector<16xi32>
        %shift_right_logical3A_284 = arith.shrui %mul3A_281, %shift_right_logical3A_283 : vector<16xi32>
        %xor3A_285 = arith.xori %mul3A_281, %shift_right_logical3A_284 : vector<16xi32>
        %shift_right_logical3A_286 = arith.constant 1 : i32
        %shift_right_logical3A_287 = vector.broadcast %shift_right_logical3A_286 : i32 to vector<16xi32>
        %shift_right_logical3A_288 = arith.shrui %xor3A_285, %shift_right_logical3A_287 : vector<16xi32>
        %and3A_289 = arith.constant 1 : i32
        %and3A_290 = vector.broadcast %and3A_289 : i32 to vector<16xi32>
        %and3A_291 = arith.andi %xor3A_285, %and3A_290 : vector<16xi32>
        %rem3A_292 = arith.constant 1000000 : i32
        %rem3A_293 = vector.broadcast %rem3A_292 : i32 to vector<16xi32>
        %rem3A_294 = arith.remsi %shift_right_logical3A_288, %rem3A_293 : vector<16xi32>
        %mul3A_295 = arith.constant 2 : i32
        %mul3A_296 = vector.broadcast %mul3A_295 : i32 to vector<16xi32>
        %mul3A_297 = arith.muli %rem3A_294, %mul3A_296 : vector<16xi32>
        %add3A_298 = arith.addi %mul3A_297, %and3A_291 : vector<16xi32>
        %rem3A_299 = arith.constant 1000000 : i32
        %rem3A_300 = vector.broadcast %rem3A_299 : i32 to vector<16xi32>
        %rem3A_301 = arith.remsi %add3A_298, %rem3A_300 : vector<16xi32>
        %add3A_302 = arith.addi %rem3A_301, %get3A_4 : vector<16xi32>
        %rem3A_303 = vector.broadcast %scan3A_19 : i32 to vector<16xi32>
        %rem3A_304 = arith.remsi %add3A_302, %rem3A_303 : vector<16xi32>
        %mul3A_305 = arith.constant 16 : i32
        %mul3A_306 = arith.muli %scan3A_265, %mul3A_305 : i32
        %swap3A_307 = arith.constant 0 : i32
        %swap3A_308 = arith.index_cast %and3A_138 : i32 to index
        %swap3A_309 = arith.index_cast %swap3A_307 : i32 to index
        %swap3A_310 = arith.index_cast %mul3A_306 : i32 to index
        %swap3A_311 = tpu.vector_load %arg8[%swap3A_308, %swap3A_309, %swap3A_310] {strides = array<i32>} : memref<2x2x1024xi32, #tpu.memory_space<vmem>>, vector<1x1x16xi32>,
        %swap3A_312 = vector.shape_cast %swap3A_311 : vector<1x1x16xi32> to vector<16xi32>
        %swap3A_313 = vector.shape_cast %rem3A_304 : vector<16xi32> to vector<1x1x16xi32>
        tpu.vector_store %arg8[%swap3A_308, %swap3A_309, %swap3A_310], %swap3A_313 {strides = array<i32>} : memref<2x2x1024xi32, #tpu.memory_space<vmem>>, vector<1x1x16xi32>,
        %add3A_314 = arith.addi %rem3A_301, %get3A_9 : vector<16xi32>
        %rem3A_315 = vector.broadcast %scan3A_19 : i32 to vector<16xi32>
        %rem3A_316 = arith.remsi %add3A_314, %rem3A_315 : vector<16xi32>
        %mul3A_317 = arith.constant 16 : i32
        %mul3A_318 = arith.muli %scan3A_265, %mul3A_317 : i32
        %swap3A_319 = arith.constant 1 : i32
        %swap3A_320 = arith.index_cast %and3A_138 : i32 to index
        %swap3A_321 = arith.index_cast %swap3A_319 : i32 to index
        %swap3A_322 = arith.index_cast %mul3A_318 : i32 to index
        %swap3A_323 = tpu.vector_load %arg8[%swap3A_320, %swap3A_321, %swap3A_322] {strides = array<i32>} : memref<2x2x1024xi32, #tpu.memory_space<vmem>>, vector<1x1x16xi32>,
        %swap3A_324 = vector.shape_cast %swap3A_323 : vector<1x1x16xi32> to vector<16xi32>
        %swap3A_325 = vector.shape_cast %rem3A_316 : vector<16xi32> to vector<1x1x16xi32>
        tpu.vector_store %arg8[%swap3A_320, %swap3A_321, %swap3A_322], %swap3A_325 {strides = array<i32>} : memref<2x2x1024xi32, #tpu.memory_space<vmem>>, vector<1x1x16xi32>,
        %scan3A_326 = arith.constant 2 : i32
        %scan3A_327 = arith.addi %scan3A_207, %scan3A_326 : i32
        %mul3A_328 = arith.constant 16 : i32
        %mul3A_329 = arith.muli %scan3A_327, %mul3A_328 : i32
        %get3A_330 = arith.index_cast %and3A_138 : i32 to index
        %get3A_331 = arith.index_cast %mul3A_329 : i32 to index
        %get3A_332 = tpu.vector_load %arg7[%get3A_330, %get3A_331] {strides = array<i32>} : memref<2x1024xi32, #tpu.memory_space<vmem>>, vector<1x16xi32>,
        %get3A_333 = vector.shape_cast %get3A_332 : vector<1x16xi32> to vector<16xi32>
        %mul3A_334 = arith.constant -1640531535 : i32
        %mul3A_335 = vector.broadcast %mul3A_334 : i32 to vector<16xi32>
        %mul3A_336 = arith.muli %get3A_333, %mul3A_335 : vector<16xi32>
        %shift_right_logical3A_337 = arith.constant 16 : i32
        %shift_right_logical3A_338 = vector.broadcast %shift_right_logical3A_337 : i32 to vector<16xi32>
        %shift_right_logical3A_339 = arith.shrui %mul3A_336, %shift_right_logical3A_338 : vector<16xi32>
        %xor3A_340 = arith.xori %mul3A_336, %shift_right_logical3A_339 : vector<16xi32>
        %mul3A_341 = arith.constant 73244475 : i32
        %mul3A_342 = vector.broadcast %mul3A_341 : i32 to vector<16xi32>
        %mul3A_343 = arith.muli %xor3A_340, %mul3A_342 : vector<16xi32>
        %shift_right_logical3A_344 = arith.constant 16 : i32
        %shift_right_logical3A_345 = vector.broadcast %shift_right_logical3A_344 : i32 to vector<16xi32>
        %shift_right_logical3A_346 = arith.shrui %mul3A_343, %shift_right_logical3A_345 : vector<16xi32>
        %xor3A_347 = arith.xori %mul3A_343, %shift_right_logical3A_346 : vector<16xi32>
        %shift_right_logical3A_348 = arith.constant 1 : i32
        %shift_right_logical3A_349 = vector.broadcast %shift_right_logical3A_348 : i32 to vector<16xi32>
        %shift_right_logical3A_350 = arith.shrui %xor3A_347, %shift_right_logical3A_349 : vector<16xi32>
        %and3A_351 = arith.constant 1 : i32
        %and3A_352 = vector.broadcast %and3A_351 : i32 to vector<16xi32>
        %and3A_353 = arith.andi %xor3A_347, %and3A_352 : vector<16xi32>
        %rem3A_354 = arith.constant 1000000 : i32
        %rem3A_355 = vector.broadcast %rem3A_354 : i32 to vector<16xi32>
        %rem3A_356 = arith.remsi %shift_right_logical3A_350, %rem3A_355 : vector<16xi32>
        %mul3A_357 = arith.constant 2 : i32
        %mul3A_358 = vector.broadcast %mul3A_357 : i32 to vector<16xi32>
        %mul3A_359 = arith.muli %rem3A_356, %mul3A_358 : vector<16xi32>
        %add3A_360 = arith.addi %mul3A_359, %and3A_353 : vector<16xi32>
        %rem3A_361 = arith.constant 1000000 : i32
        %rem3A_362 = vector.broadcast %rem3A_361 : i32 to vector<16xi32>
        %rem3A_363 = arith.remsi %add3A_360, %rem3A_362 : vector<16xi32>
        %add3A_364 = arith.addi %rem3A_363, %get3A_4 : vector<16xi32>
        %rem3A_365 = vector.broadcast %scan3A_19 : i32 to vector<16xi32>
        %rem3A_366 = arith.remsi %add3A_364, %rem3A_365 : vector<16xi32>
        %mul3A_367 = arith.constant 16 : i32
        %mul3A_368 = arith.muli %scan3A_327, %mul3A_367 : i32
        %swap3A_369 = arith.constant 0 : i32
        %swap3A_370 = arith.index_cast %and3A_138 : i32 to index
        %swap3A_371 = arith.index_cast %swap3A_369 : i32 to index
        %swap3A_372 = arith.index_cast %mul3A_368 : i32 to index
        %swap3A_373 = tpu.vector_load %arg8[%swap3A_370, %swap3A_371, %swap3A_372] {strides = array<i32>} : memref<2x2x1024xi32, #tpu.memory_space<vmem>>, vector<1x1x16xi32>,
        %swap3A_374 = vector.shape_cast %swap3A_373 : vector<1x1x16xi32> to vector<16xi32>
        %swap3A_375 = vector.shape_cast %rem3A_366 : vector<16xi32> to vector<1x1x16xi32>
        tpu.vector_store %arg8[%swap3A_370, %swap3A_371, %swap3A_372], %swap3A_375 {strides = array<i32>} : memref<2x2x1024xi32, #tpu.memory_space<vmem>>, vector<1x1x16xi32>,
        %add3A_376 = arith.addi %rem3A_363, %get3A_9 : vector<16xi32>
        %rem3A_377 = vector.broadcast %scan3A_19 : i32 to vector<16xi32>
        %rem3A_378 = arith.remsi %add3A_376, %rem3A_377 : vector<16xi32>
        %mul3A_379 = arith.constant 16 : i32
        %mul3A_380 = arith.muli %scan3A_327, %mul3A_379 : i32
        %swap3A_381 = arith.constant 1 : i32
        %swap3A_382 = arith.index_cast %and3A_138 : i32 to index
        %swap3A_383 = arith.index_cast %swap3A_381 : i32 to index
        %swap3A_384 = arith.index_cast %mul3A_380 : i32 to index
        %swap3A_385 = tpu.vector_load %arg8[%swap3A_382, %swap3A_383, %swap3A_384] {strides = array<i32>} : memref<2x2x1024xi32, #tpu.memory_space<vmem>>, vector<1x1x16xi32>,
        %swap3A_386 = vector.shape_cast %swap3A_385 : vector<1x1x16xi32> to vector<16xi32>
        %swap3A_387 = vector.shape_cast %rem3A_378 : vector<16xi32> to vector<1x1x16xi32>
        tpu.vector_store %arg8[%swap3A_382, %swap3A_383, %swap3A_384], %swap3A_387 {strides = array<i32>} : memref<2x2x1024xi32, #tpu.memory_space<vmem>>, vector<1x1x16xi32>,
        %scan3A_388 = arith.constant 3 : i32
        %scan3A_389 = arith.addi %scan3A_207, %scan3A_388 : i32
        %mul3A_390 = arith.constant 16 : i32
        %mul3A_391 = arith.muli %scan3A_389, %mul3A_390 : i32
        %get3A_392 = arith.index_cast %and3A_138 : i32 to index
        %get3A_393 = arith.index_cast %mul3A_391 : i32 to index
        %get3A_394 = tpu.vector_load %arg7[%get3A_392, %get3A_393] {strides = array<i32>} : memref<2x1024xi32, #tpu.memory_space<vmem>>, vector<1x16xi32>,
        %get3A_395 = vector.shape_cast %get3A_394 : vector<1x16xi32> to vector<16xi32>
        %mul3A_396 = arith.constant -1640531535 : i32
        %mul3A_397 = vector.broadcast %mul3A_396 : i32 to vector<16xi32>
        %mul3A_398 = arith.muli %get3A_395, %mul3A_397 : vector<16xi32>
        %shift_right_logical3A_399 = arith.constant 16 : i32
        %shift_right_logical3A_400 = vector.broadcast %shift_right_logical3A_399 : i32 to vector<16xi32>
        %shift_right_logical3A_401 = arith.shrui %mul3A_398, %shift_right_logical3A_400 : vector<16xi32>
        %xor3A_402 = arith.xori %mul3A_398, %shift_right_logical3A_401 : vector<16xi32>
        %mul3A_403 = arith.constant 73244475 : i32
        %mul3A_404 = vector.broadcast %mul3A_403 : i32 to vector<16xi32>
        %mul3A_405 = arith.muli %xor3A_402, %mul3A_404 : vector<16xi32>
        %shift_right_logical3A_406 = arith.constant 16 : i32
        %shift_right_logical3A_407 = vector.broadcast %shift_right_logical3A_406 : i32 to vector<16xi32>
        %shift_right_logical3A_408 = arith.shrui %mul3A_405, %shift_right_logical3A_407 : vector<16xi32>
        %xor3A_409 = arith.xori %mul3A_405, %shift_right_logical3A_408 : vector<16xi32>
        %shift_right_logical3A_410 = arith.constant 1 : i32
        %shift_right_logical3A_411 = vector.broadcast %shift_right_logical3A_410 : i32 to vector<16xi32>
        %shift_right_logical3A_412 = arith.shrui %xor3A_409, %shift_right_logical3A_411 : vector<16xi32>
        %and3A_413 = arith.constant 1 : i32
        %and3A_414 = vector.broadcast %and3A_413 : i32 to vector<16xi32>
        %and3A_415 = arith.andi %xor3A_409, %and3A_414 : vector<16xi32>
        %rem3A_416 = arith.constant 1000000 : i32
        %rem3A_417 = vector.broadcast %rem3A_416 : i32 to vector<16xi32>
        %rem3A_418 = arith.remsi %shift_right_logical3A_412, %rem3A_417 : vector<16xi32>
        %mul3A_419 = arith.constant 2 : i32
        %mul3A_420 = vector.broadcast %mul3A_419 : i32 to vector<16xi32>
        %mul3A_421 = arith.muli %rem3A_418, %mul3A_420 : vector<16xi32>
        %add3A_422 = arith.addi %mul3A_421, %and3A_415 : vector<16xi32>
        %rem3A_423 = arith.constant 1000000 : i32
        %rem3A_424 = vector.broadcast %rem3A_423 : i32 to vector<16xi32>
        %rem3A_425 = arith.remsi %add3A_422, %rem3A_424 : vector<16xi32>
        %add3A_426 = arith.addi %rem3A_425, %get3A_4 : vector<16xi32>
        %rem3A_427 = vector.broadcast %scan3A_19 : i32 to vector<16xi32>
        %rem3A_428 = arith.remsi %add3A_426, %rem3A_427 : vector<16xi32>
        %mul3A_429 = arith.constant 16 : i32
        %mul3A_430 = arith.muli %scan3A_389, %mul3A_429 : i32
        %swap3A_431 = arith.constant 0 : i32
        %swap3A_432 = arith.index_cast %and3A_138 : i32 to index
        %swap3A_433 = arith.index_cast %swap3A_431 : i32 to index
        %swap3A_434 = arith.index_cast %mul3A_430 : i32 to index
        %swap3A_435 = tpu.vector_load %arg8[%swap3A_432, %swap3A_433, %swap3A_434] {strides = array<i32>} : memref<2x2x1024xi32, #tpu.memory_space<vmem>>, vector<1x1x16xi32>,
        %swap3A_436 = vector.shape_cast %swap3A_435 : vector<1x1x16xi32> to vector<16xi32>
        %swap3A_437 = vector.shape_cast %rem3A_428 : vector<16xi32> to vector<1x1x16xi32>
        tpu.vector_store %arg8[%swap3A_432, %swap3A_433, %swap3A_434], %swap3A_437 {strides = array<i32>} : memref<2x2x1024xi32, #tpu.memory_space<vmem>>, vector<1x1x16xi32>,
        %add3A_438 = arith.addi %rem3A_425, %get3A_9 : vector<16xi32>
        %rem3A_439 = vector.broadcast %scan3A_19 : i32 to vector<16xi32>
        %rem3A_440 = arith.remsi %add3A_438, %rem3A_439 : vector<16xi32>
        %mul3A_441 = arith.constant 16 : i32
        %mul3A_442 = arith.muli %scan3A_389, %mul3A_441 : i32
        %swap3A_443 = arith.constant 1 : i32
        %swap3A_444 = arith.index_cast %and3A_138 : i32 to index
        %swap3A_445 = arith.index_cast %swap3A_443 : i32 to index
        %swap3A_446 = arith.index_cast %mul3A_442 : i32 to index
        %swap3A_447 = tpu.vector_load %arg8[%swap3A_444, %swap3A_445, %swap3A_446] {strides = array<i32>} : memref<2x2x1024xi32, #tpu.memory_space<vmem>>, vector<1x1x16xi32>,
        %swap3A_448 = vector.shape_cast %swap3A_447 : vector<1x1x16xi32> to vector<16xi32>
        %swap3A_449 = vector.shape_cast %rem3A_440 : vector<16xi32> to vector<1x1x16xi32>
        tpu.vector_store %arg8[%swap3A_444, %swap3A_445, %swap3A_446], %swap3A_449 {strides = array<i32>} : memref<2x2x1024xi32, #tpu.memory_space<vmem>>, vector<1x1x16xi32>,
      }
      %scan3A_143 = arith.constant 64 : i32
      %dma_wait3A_144 = arith.constant 0 : i32
      %dma_wait3A_145 = arith.constant 0 : i32
      %dma_wait3A_146 = arith.constant 0 : i32
      %dma_wait3A_147 = arith.constant 0 : i32
      %dma_wait3A_148 = tpu.memref_slice %arg9[%and3A_103, %dma_wait3A_145, %dma_wait3A_146, %dma_wait3A_147] : memref<2x2x1024x16xf32, #tpu.memory_space<vmem>> -> memref<1x1x1024x16xf32, #tpu.memory_space<vmem>>
      %dma_wait3A_149 = tpu.memref_squeeze %dma_wait3A_148 : memref<1x1x1024x16xf32, #tpu.memory_space<vmem>> -> memref<1024x16xf32, #tpu.memory_space<vmem>>
      %dma_wait3A_150 = arith.constant 0 : i32
      %dma_wait3A_151 = tpu.memref_slice %arg8[%and3A_103, %dma_wait3A_144, %dma_wait3A_150] : memref<2x2x1024xi32, #tpu.memory_space<vmem>> -> memref<1x1x1024xi32, #tpu.memory_space<vmem>>
      %dma_wait3A_152 = tpu.memref_squeeze %dma_wait3A_151 : memref<1x1x1024xi32, #tpu.memory_space<vmem>> -> memref<1024xi32, #tpu.memory_space<vmem>>
      %dma_wait3A_153 = arith.constant 0 : i32
      %dma_wait3A_154 = arith.constant 0 : i32
      %dma_wait3A_155 = tpu.memref_slice %arg4[%dma_wait3A_153, %dma_wait3A_154] : memref<1000000x16xf32, #tpu.memory_space<hbm>> -> memref<1000000x16xf32, #tpu.memory_space<hbm>>
      tpu.wait_indirect_dma semaphore(%arg10 : memref<!tpu.dma_semaphore, #tpu.memory_space<semaphore_mem>>) src(%dma_wait3A_155 : memref<1000000x16xf32, #tpu.memory_space<hbm>>) dst(%dma_wait3A_149 : memref<1024x16xf32, #tpu.memory_space<vmem>>)
      %dma_wait3A_156 = arith.constant 1 : i32
      %dma_wait3A_157 = arith.constant 1 : i32
      %dma_wait3A_158 = arith.constant 0 : i32
      %dma_wait3A_159 = arith.constant 0 : i32
      %dma_wait3A_160 = tpu.memref_slice %arg9[%and3A_103, %dma_wait3A_157, %dma_wait3A_158, %dma_wait3A_159] : memref<2x2x1024x16xf32, #tpu.memory_space<vmem>> -> memref<1x1x1024x16xf32, #tpu.memory_space<vmem>>
      %dma_wait3A_161 = tpu.memref_squeeze %dma_wait3A_160 : memref<1x1x1024x16xf32, #tpu.memory_space<vmem>> -> memref<1024x16xf32, #tpu.memory_space<vmem>>
      %dma_wait3A_162 = arith.constant 0 : i32
      %dma_wait3A_163 = tpu.memref_slice %arg8[%and3A_103, %dma_wait3A_156, %dma_wait3A_162] : memref<2x2x1024xi32, #tpu.memory_space<vmem>> -> memref<1x1x1024xi32, #tpu.memory_space<vmem>>
      %dma_wait3A_164 = tpu.memref_squeeze %dma_wait3A_163 : memref<1x1x1024xi32, #tpu.memory_space<vmem>> -> memref<1024xi32, #tpu.memory_space<vmem>>
      %dma_wait3A_165 = arith.constant 0 : i32
      %dma_wait3A_166 = arith.constant 0 : i32
      %dma_wait3A_167 = tpu.memref_slice %arg4[%dma_wait3A_165, %dma_wait3A_166] : memref<1000000x16xf32, #tpu.memory_space<hbm>> -> memref<1000000x16xf32, #tpu.memory_space<hbm>>
      tpu.wait_indirect_dma semaphore(%arg10 : memref<!tpu.dma_semaphore, #tpu.memory_space<semaphore_mem>>) src(%dma_wait3A_167 : memref<1000000x16xf32, #tpu.memory_space<hbm>>) dst(%dma_wait3A_161 : memref<1024x16xf32, #tpu.memory_space<vmem>>)
      %mul3A_168 = arith.constant 16384 : i32
      %mul3A_169 = arith.muli %add3A, %mul3A_168 : i32
      %mul3A_170 = arith.constant 1024 : i32
      %mul3A_171 = arith.muli %scan3A_100, %mul3A_170 : i32
      %add3A_172 = arith.addi %mul3A_169, %mul3A_171 : i32
      %and3A_173 = arith.constant 1 : i32
      %and3A_174 = arith.andi %scan3A_100, %and3A_173 : i32
      %dma_start3A_175 = arith.constant 0 : i32
      %dma_start3A_176 = arith.constant 0 : i32
      %dma_start3A_177 = arith.constant 0 : i32
      %dma_start3A_178 = arith.constant 0 : i32
      %dma_start3A_179 = tpu.memref_slice %arg9[%and3A_174, %dma_start3A_175, %dma_start3A_177, %dma_start3A_178] : memref<2x2x1024x16xf32, #tpu.memory_space<vmem>> -> memref<1x1x1024x16xf32, #tpu.memory_space<vmem>>
      %dma_start3A_180 = tpu.memref_squeeze %dma_start3A_179 : memref<1x1x1024x16xf32, #tpu.memory_space<vmem>> -> memref<1024x16xf32, #tpu.memory_space<vmem>>
      %dma_start3A_181 = arith.constant 0 : i32
      %dma_start3A_182 = tpu.memref_slice %arg5[%add3A_172, %dma_start3A_176, %dma_start3A_181] : memref<524288x8x16xf32, #tpu.memory_space<hbm>> -> memref<1024x1x16xf32, #tpu.memory_space<hbm>>
      %dma_start3A_183 = tpu.memref_squeeze %dma_start3A_182 : memref<1024x1x16xf32, #tpu.memory_space<hbm>> -> memref<1024x16xf32, #tpu.memory_space<hbm>>
      %dma_start3A_184 = arith.constant 0 : i32
      %dma_start3A_185 = tpu.memref_slice %arg5[%add3A_172, %dma_start3A_176, %dma_start3A_184] : memref<524288x8x16xf32, #tpu.memory_space<hbm>> -> memref<1024x1x16xf32, #tpu.memory_space<hbm>>
      %dma_start3A_186 = tpu.memref_squeeze %dma_start3A_185 : memref<1024x1x16xf32, #tpu.memory_space<hbm>> -> memref<1024x16xf32, #tpu.memory_space<hbm>>
      %dma_start3A_187 = arith.constant 0 : i32
      %dma_start3A_188 = arith.constant 0 : i32
      %dma_start3A_189 = tpu.memref_slice %arg9[%and3A_174, %dma_start3A_175, %dma_start3A_187, %dma_start3A_188] : memref<2x2x1024x16xf32, #tpu.memory_space<vmem>> -> memref<1x1x1024x16xf32, #tpu.memory_space<vmem>>
      %dma_start3A_190 = tpu.memref_squeeze %dma_start3A_189 : memref<1x1x1024x16xf32, #tpu.memory_space<vmem>> -> memref<1024x16xf32, #tpu.memory_space<vmem>>
      tpu.enqueue_dma source(%dma_start3A_190 : memref<1024x16xf32, #tpu.memory_space<vmem>>) target(%dma_start3A_186 : memref<1024x16xf32, #tpu.memory_space<hbm>>) target_semaphore(%arg11 : memref<!tpu.dma_semaphore, #tpu.memory_space<semaphore_mem>>)
      %dma_start3A_191 = arith.constant 1 : i32
      %dma_start3A_192 = arith.constant 1 : i32
      %dma_start3A_193 = arith.constant 0 : i32
      %dma_start3A_194 = arith.constant 0 : i32
      %dma_start3A_195 = tpu.memref_slice %arg9[%and3A_174, %dma_start3A_191, %dma_start3A_193, %dma_start3A_194] : memref<2x2x1024x16xf32, #tpu.memory_space<vmem>> -> memref<1x1x1024x16xf32, #tpu.memory_space<vmem>>
      %dma_start3A_196 = tpu.memref_squeeze %dma_start3A_195 : memref<1x1x1024x16xf32, #tpu.memory_space<vmem>> -> memref<1024x16xf32, #tpu.memory_space<vmem>>
      %dma_start3A_197 = arith.constant 0 : i32
      %dma_start3A_198 = tpu.memref_slice %arg5[%add3A_172, %dma_start3A_192, %dma_start3A_197] : memref<524288x8x16xf32, #tpu.memory_space<hbm>> -> memref<1024x1x16xf32, #tpu.memory_space<hbm>>
      %dma_start3A_199 = tpu.memref_squeeze %dma_start3A_198 : memref<1024x1x16xf32, #tpu.memory_space<hbm>> -> memref<1024x16xf32, #tpu.memory_space<hbm>>
      %dma_start3A_200 = arith.constant 0 : i32
      %dma_start3A_201 = tpu.memref_slice %arg5[%add3A_172, %dma_start3A_192, %dma_start3A_200] : memref<524288x8x16xf32, #tpu.memory_space<hbm>> -> memref<1024x1x16xf32, #tpu.memory_space<hbm>>
      %dma_start3A_202 = tpu.memref_squeeze %dma_start3A_201 : memref<1024x1x16xf32, #tpu.memory_space<hbm>> -> memref<1024x16xf32, #tpu.memory_space<hbm>>
      %dma_start3A_203 = arith.constant 0 : i32
      %dma_start3A_204 = arith.constant 0 : i32
      %dma_start3A_205 = tpu.memref_slice %arg9[%and3A_174, %dma_start3A_191, %dma_start3A_203, %dma_start3A_204] : memref<2x2x1024x16xf32, #tpu.memory_space<vmem>> -> memref<1x1x1024x16xf32, #tpu.memory_space<vmem>>
      %dma_start3A_206 = tpu.memref_squeeze %dma_start3A_205 : memref<1x1x1024x16xf32, #tpu.memory_space<vmem>> -> memref<1024x16xf32, #tpu.memory_space<vmem>>
      tpu.enqueue_dma source(%dma_start3A_206 : memref<1024x16xf32, #tpu.memory_space<vmem>>) target(%dma_start3A_202 : memref<1024x16xf32, #tpu.memory_space<hbm>>) target_semaphore(%arg11 : memref<!tpu.dma_semaphore, #tpu.memory_space<semaphore_mem>>)
    }
    %scan3A_24 = arith.constant 16 : i32
    %mul3A_25 = arith.constant 16384 : i32
    %mul3A_26 = arith.muli %add3A, %mul3A_25 : i32
    %add3A_27 = arith.constant 14336 : i32
    %add3A_28 = arith.addi %mul3A_26, %add3A_27 : i32
    %dma_wait3A = arith.constant 0 : i32
    %dma_wait3A_29 = arith.constant 0 : i32
    %dma_wait3A_30 = arith.constant 0 : i32
    %dma_wait3A_31 = arith.constant 0 : i32
    %dma_wait3A_32 = arith.constant 0 : i32
    %dma_wait3A_33 = tpu.memref_slice %arg9[%dma_wait3A, %dma_wait3A_29, %dma_wait3A_31, %dma_wait3A_32] : memref<2x2x1024x16xf32, #tpu.memory_space<vmem>> -> memref<1x1x1024x16xf32, #tpu.memory_space<vmem>>
    %dma_wait3A_34 = tpu.memref_squeeze %dma_wait3A_33 : memref<1x1x1024x16xf32, #tpu.memory_space<vmem>> -> memref<1024x16xf32, #tpu.memory_space<vmem>>
    %dma_wait3A_35 = arith.constant 0 : i32
    %dma_wait3A_36 = tpu.memref_slice %arg5[%add3A_28, %dma_wait3A_30, %dma_wait3A_35] : memref<524288x8x16xf32, #tpu.memory_space<hbm>> -> memref<1024x1x16xf32, #tpu.memory_space<hbm>>
    %dma_wait3A_37 = tpu.memref_squeeze %dma_wait3A_36 : memref<1024x1x16xf32, #tpu.memory_space<hbm>> -> memref<1024x16xf32, #tpu.memory_space<hbm>>
    %dma_wait3A_38 = arith.constant 0 : i32
    %dma_wait3A_39 = tpu.memref_slice %arg5[%add3A_28, %dma_wait3A_30, %dma_wait3A_38] : memref<524288x8x16xf32, #tpu.memory_space<hbm>> -> memref<1024x1x16xf32, #tpu.memory_space<hbm>>
    %dma_wait3A_40 = tpu.memref_squeeze %dma_wait3A_39 : memref<1024x1x16xf32, #tpu.memory_space<hbm>> -> memref<1024x16xf32, #tpu.memory_space<hbm>>
    %dma_wait3A_41 = arith.constant 0 : i32
    %dma_wait3A_42 = arith.constant 0 : i32
    %dma_wait3A_43 = tpu.memref_slice %arg9[%dma_wait3A, %dma_wait3A_29, %dma_wait3A_41, %dma_wait3A_42] : memref<2x2x1024x16xf32, #tpu.memory_space<vmem>> -> memref<1x1x1024x16xf32, #tpu.memory_space<vmem>>
    %dma_wait3A_44 = tpu.memref_squeeze %dma_wait3A_43 : memref<1x1x1024x16xf32, #tpu.memory_space<vmem>> -> memref<1024x16xf32, #tpu.memory_space<vmem>>
    tpu.wait_dma2 semaphore(%arg11 : memref<!tpu.dma_semaphore, #tpu.memory_space<semaphore_mem>>) src(%dma_wait3A_44 : memref<1024x16xf32, #tpu.memory_space<vmem>>) dst(%dma_wait3A_40 : memref<1024x16xf32, #tpu.memory_space<hbm>>)
    %dma_wait3A_45 = arith.constant 0 : i32
    %dma_wait3A_46 = arith.constant 1 : i32
    %dma_wait3A_47 = arith.constant 1 : i32
    %dma_wait3A_48 = arith.constant 0 : i32
    %dma_wait3A_49 = arith.constant 0 : i32
    %dma_wait3A_50 = tpu.memref_slice %arg9[%dma_wait3A_45, %dma_wait3A_46, %dma_wait3A_48, %dma_wait3A_49] : memref<2x2x1024x16xf32, #tpu.memory_space<vmem>> -> memref<1x1x1024x16xf32, #tpu.memory_space<vmem>>
    %dma_wait3A_51 = tpu.memref_squeeze %dma_wait3A_50 : memref<1x1x1024x16xf32, #tpu.memory_space<vmem>> -> memref<1024x16xf32, #tpu.memory_space<vmem>>
    %dma_wait3A_52 = arith.constant 0 : i32
    %dma_wait3A_53 = tpu.memref_slice %arg5[%add3A_28, %dma_wait3A_47, %dma_wait3A_52] : memref<524288x8x16xf32, #tpu.memory_space<hbm>> -> memref<1024x1x16xf32, #tpu.memory_space<hbm>>
    %dma_wait3A_54 = tpu.memref_squeeze %dma_wait3A_53 : memref<1024x1x16xf32, #tpu.memory_space<hbm>> -> memref<1024x16xf32, #tpu.memory_space<hbm>>
    %dma_wait3A_55 = arith.constant 0 : i32
    %dma_wait3A_56 = tpu.memref_slice %arg5[%add3A_28, %dma_wait3A_47, %dma_wait3A_55] : memref<524288x8x16xf32, #tpu.memory_space<hbm>> -> memref<1024x1x16xf32, #tpu.memory_space<hbm>>
    %dma_wait3A_57 = tpu.memref_squeeze %dma_wait3A_56 : memref<1024x1x16xf32, #tpu.memory_space<hbm>> -> memref<1024x16xf32, #tpu.memory_space<hbm>>
    %dma_wait3A_58 = arith.constant 0 : i32
    %dma_wait3A_59 = arith.constant 0 : i32
    %dma_wait3A_60 = tpu.memref_slice %arg9[%dma_wait3A_45, %dma_wait3A_46, %dma_wait3A_58, %dma_wait3A_59] : memref<2x2x1024x16xf32, #tpu.memory_space<vmem>> -> memref<1x1x1024x16xf32, #tpu.memory_space<vmem>>
    %dma_wait3A_61 = tpu.memref_squeeze %dma_wait3A_60 : memref<1x1x1024x16xf32, #tpu.memory_space<vmem>> -> memref<1024x16xf32, #tpu.memory_space<vmem>>
    tpu.wait_dma2 semaphore(%arg11 : memref<!tpu.dma_semaphore, #tpu.memory_space<semaphore_mem>>) src(%dma_wait3A_61 : memref<1024x16xf32, #tpu.memory_space<vmem>>) dst(%dma_wait3A_57 : memref<1024x16xf32, #tpu.memory_space<hbm>>)
    %mul3A_62 = arith.constant 16384 : i32
    %mul3A_63 = arith.muli %add3A, %mul3A_62 : i32
    %add3A_64 = arith.constant 15360 : i32
    %add3A_65 = arith.addi %mul3A_63, %add3A_64 : i32
    %dma_wait3A_66 = arith.constant 1 : i32
    %dma_wait3A_67 = arith.constant 0 : i32
    %dma_wait3A_68 = arith.constant 0 : i32
    %dma_wait3A_69 = arith.constant 0 : i32
    %dma_wait3A_70 = arith.constant 0 : i32
    %dma_wait3A_71 = tpu.memref_slice %arg9[%dma_wait3A_66, %dma_wait3A_67, %dma_wait3A_69, %dma_wait3A_70] : memref<2x2x1024x16xf32, #tpu.memory_space<vmem>> -> memref<1x1x1024x16xf32, #tpu.memory_space<vmem>>
    %dma_wait3A_72 = tpu.memref_squeeze %dma_wait3A_71 : memref<1x1x1024x16xf32, #tpu.memory_space<vmem>> -> memref<1024x16xf32, #tpu.memory_space<vmem>>
    %dma_wait3A_73 = arith.constant 0 : i32
    %dma_wait3A_74 = tpu.memref_slice %arg5[%add3A_65, %dma_wait3A_68, %dma_wait3A_73] : memref<524288x8x16xf32, #tpu.memory_space<hbm>> -> memref<1024x1x16xf32, #tpu.memory_space<hbm>>
    %dma_wait3A_75 = tpu.memref_squeeze %dma_wait3A_74 : memref<1024x1x16xf32, #tpu.memory_space<hbm>> -> memref<1024x16xf32, #tpu.memory_space<hbm>>
    %dma_wait3A_76 = arith.constant 0 : i32
    %dma_wait3A_77 = tpu.memref_slice %arg5[%add3A_65, %dma_wait3A_68, %dma_wait3A_76] : memref<524288x8x16xf32, #tpu.memory_space<hbm>> -> memref<1024x1x16xf32, #tpu.memory_space<hbm>>
    %dma_wait3A_78 = tpu.memref_squeeze %dma_wait3A_77 : memref<1024x1x16xf32, #tpu.memory_space<hbm>> -> memref<1024x16xf32, #tpu.memory_space<hbm>>
    %dma_wait3A_79 = arith.constant 0 : i32
    %dma_wait3A_80 = arith.constant 0 : i32
    %dma_wait3A_81 = tpu.memref_slice %arg9[%dma_wait3A_66, %dma_wait3A_67, %dma_wait3A_79, %dma_wait3A_80] : memref<2x2x1024x16xf32, #tpu.memory_space<vmem>> -> memref<1x1x1024x16xf32, #tpu.memory_space<vmem>>
    %dma_wait3A_82 = tpu.memref_squeeze %dma_wait3A_81 : memref<1x1x1024x16xf32, #tpu.memory_space<vmem>> -> memref<1024x16xf32, #tpu.memory_space<vmem>>
    tpu.wait_dma2 semaphore(%arg11 : memref<!tpu.dma_semaphore, #tpu.memory_space<semaphore_mem>>) src(%dma_wait3A_82 : memref<1024x16xf32, #tpu.memory_space<vmem>>) dst(%dma_wait3A_78 : memref<1024x16xf32, #tpu.memory_space<hbm>>)
    %dma_wait3A_83 = arith.constant 1 : i32
    %dma_wait3A_84 = arith.constant 1 : i32
    %dma_wait3A_85 = arith.constant 1 : i32
    %dma_wait3A_86 = arith.constant 0 : i32
    %dma_wait3A_87 = arith.constant 0 : i32
    %dma_wait3A_88 = tpu.memref_slice %arg9[%dma_wait3A_83, %dma_wait3A_84, %dma_wait3A_86, %dma_wait3A_87] : memref<2x2x1024x16xf32, #tpu.memory_space<vmem>> -> memref<1x1x1024x16xf32, #tpu.memory_space<vmem>>
    %dma_wait3A_89 = tpu.memref_squeeze %dma_wait3A_88 : memref<1x1x1024x16xf32, #tpu.memory_space<vmem>> -> memref<1024x16xf32, #tpu.memory_space<vmem>>
    %dma_wait3A_90 = arith.constant 0 : i32
    %dma_wait3A_91 = tpu.memref_slice %arg5[%add3A_65, %dma_wait3A_85, %dma_wait3A_90] : memref<524288x8x16xf32, #tpu.memory_space<hbm>> -> memref<1024x1x16xf32, #tpu.memory_space<hbm>>
    %dma_wait3A_92 = tpu.memref_squeeze %dma_wait3A_91 : memref<1024x1x16xf32, #tpu.memory_space<hbm>> -> memref<1024x16xf32, #tpu.memory_space<hbm>>
    %dma_wait3A_93 = arith.constant 0 : i32
    %dma_wait3A_94 = tpu.memref_slice %arg5[%add3A_65, %dma_wait3A_85, %dma_wait3A_93] : memref<524288x8x16xf32, #tpu.memory_space<hbm>> -> memref<1024x1x16xf32, #tpu.memory_space<hbm>>
    %dma_wait3A_95 = tpu.memref_squeeze %dma_wait3A_94 : memref<1024x1x16xf32, #tpu.memory_space<hbm>> -> memref<1024x16xf32, #tpu.memory_space<hbm>>
    %dma_wait3A_96 = arith.constant 0 : i32
    %dma_wait3A_97 = arith.constant 0 : i32
    %dma_wait3A_98 = tpu.memref_slice %arg9[%dma_wait3A_83, %dma_wait3A_84, %dma_wait3A_96, %dma_wait3A_97] : memref<2x2x1024x16xf32, #tpu.memory_space<vmem>> -> memref<1x1x1024x16xf32, #tpu.memory_space<vmem>>
    %dma_wait3A_99 = tpu.memref_squeeze %dma_wait3A_98 : memref<1x1x1024x16xf32, #tpu.memory_space<vmem>> -> memref<1024x16xf32, #tpu.memory_space<vmem>>
    tpu.wait_dma2 semaphore(%arg11 : memref<!tpu.dma_semaphore, #tpu.memory_space<semaphore_mem>>) src(%dma_wait3A_99 : memref<1024x16xf32, #tpu.memory_space<vmem>>) dst(%dma_wait3A_95 : memref<1024x16xf32, #tpu.memory_space<hbm>>)
    return
  }
}

</mosaic_0001>

<sc_bundles>
// kernel: kernel.3.cloned.1.call-start
scs
__scs_entry_jumppad:
0x0: {  	(pc) =	sbr.rel $0x88, $3  }
0x1: {  	(tag) =	ssettag $0x0;
	lr =	simm.s32 $0x1  }
0x2: {  	[smem:$0x3F9E] =	sst lr;
	_ =	strace $0xD0000000  }
0x3: {  	_ = 	snop  }
0x4: {  	_ = 	snop  }
0x5: {  	_ = 	snop  }
0x6: {  	_ = 	snop  }
0x7: {  	_ = 	snop  }
__scs_overlays_trampoline_lowered:
0x8: {  	[smem:$0x3FAD] =	sst s0  }
0x9: {  	[smem:$0x3FAE] =	sst s1  }
0xa: {  	[smem:$0x3FAF] =	sst s2  }
0xb: {  	[smem:$0x3FB0] =	sst s3  }
0xc: {  	[smem:$0x3FB1] =	sst s4  }
0xd: {  	[smem:$0x3FB2] =	sst s5  }
0xe: {  	[smem:$0x3FB3] =	sst s6  }
0xf: {  	[smem:$0x3FB4] =	sst s7  }
0x10: {  	[smem:$0x3FB5] =	sst s8  }
0x11: {  	[smem:$0x3FB6] =	sst s9;
	s0 =	simm.s32 @!p0 $0x0  }
0x12: {  	s1 =	sld [smem:$0x3F9C];
	s0 =	simm.s32 @p0 $0x1  }
0x13: {  	[smem:$0x3FB7] =	sst s0;
	s0 =	simm.s32 @!p1 $0x0  }
0x14: {  	s2 =	sld [smem:$0x3F9B];
	s0 =	simm.s32 @p1 $0x1  }
0x15: {  	[smem:$0x3FB8] =	sst s0;
	s0 =	simm.s32 @!p2 $0x0  }
0x16: {  	s3 =	sld [smem:$0x3FDB];
	s0 =	simm.s32 @p2 $0x1  }
0x17: {  	s4 =	simm.s32 $0x1BF5;
	[smem:$0x3FBA] =	sst s0  }
0x18: {  	s0 =	sld [smem:$0x3F9D];
	_ =	swait.ge [sflag:s4], $0x0  }
0x19: {  	s7 =	sld [smem:$0x3F9E]  }
0x1a: {  	s8 =	sadd.s32 $0xFFFFE003, lr  }
0x1b: {  	s9 =	sadd.s32 $0xFFFFFEF7, lr;
	s5 =	simm.s32 $0xFFFFFFFF;
	p2 =	slt.u32 s8, $0xFFFFF086  }
0x1c: {  	p1 =	slt.u32 s9, $0xF7A;
	s5 =	simm.s32 @!p2 $0x0  }
0x1d: {  	s5 =	simm.s32 @p1 $0x1;
	p0 =	seq.s32 s7, s2  }
0x1e: {  	s7 =	smul.u32 @!p0 $0xF7A, s2;
	p2 =	seq.s32 @!p0 s5, $0x0  }
0x1f: {  	s9 =	smul.u32 $0xF7A, s1;
	s8 =	simm.s32 @!p0 $0x1BF5;
	p2 =	por !p2, p0  }
0x20: {  	[sflag:s8] =	ssyncset.s32 @!p0 $0xFFFFF086;
	s6 =	sadd.s32 @!p0 s3, s7;
	s7 =	simm.s32 @!p0 $0x108  }
0x21: {  	s3 =	sadd.s32 s3, s9;
	s6 =	sadd.s32 @!p0 $0x88, s6;
	s7 =	simm.s32 @p2 $0x1082  }
0x22: {  	[simem:s7], [sflag:s8] =	dma.local @!p0 [hbm:s6], $0xF7A  }
0x23: {  	s9 =	sor.u32 $0xD0000000, s2;
	s6 =	simm.s32 $0x108;
	_ =	swait.ge @!p0 [sflag:s8], $0x0  }
0x24: {  	s3 =	sadd.s32 $0x88, s3;
	s6 =	simm.s32 @!p1 $0x1082;
	[sflag:s4] =	ssyncset.s32 $0xFFFFF086  }
0x25: {  	[simem:s6], [sflag:s4] =	dma.local [hbm:s3], $0xF7A  }
0x26: {  	[smem:$0x3F9E] =	sst s1;
	(tag) =	ssettag s2;
	_ =	strace s9  }
0x27: {  	s1 =	sld [smem:$0x3FAE]  }
0x28: {  	s2 =	sld [smem:$0x3FAF]  }
0x29: {  	s4 =	sld [smem:$0x3FB1]  }
0x2a: {  	p0 =	seq.s32 s5, $0x0;
	s5 =	sld [smem:$0x3FB2]  }
0x2b: {  	s6 =	sld [smem:$0x3FB3]  }
0x2c: {  	s7 =	sld [smem:$0x3FB4]  }
0x2d: {  	s3 =	simm.s32 $0x108;
	s8 =	sld [smem:$0x3FB5]  }
0x2e: {  	s3 =	simm.s32 @!p0 $0x1082;
	s9 =	sld [smem:$0x3FB6]  }
0x2f: {  	lr =	sadd.s32 s0, s3;
	s0 =	sld [smem:$0x3FAD]  }
0x30: {  	s3 =	sld [smem:$0x3FB0]  }
0x31: {  	[smem:$0x3FB9] =	sst s10  }
0x32: {  	s10 =	sld [smem:$0x3FB7];
	_ =	sdelay $0x3  }
0x33: {  	p0 =	seq.s32 s10, $0x1;
	s10 =	sld [smem:$0x3FB9];
	_ =	sdelay $0x3  }
0x34: {  	[smem:$0x3FB9] =	sst s10  }
0x35: {  	s10 =	sld [smem:$0x3FB8];
	_ =	sdelay $0x3  }
0x36: {  	p1 =	seq.s32 s10, $0x1;
	s10 =	sld [smem:$0x3FB9];
	_ =	sdelay $0x3  }
0x37: {  	[smem:$0x3FB9] =	sst s10  }
0x38: {  	s10 =	sld [smem:$0x3FBA]  }
0x39: {  	_ = 	snop;
	(pc) =	sbr.ind lr, $3  }
0x3a: {  	_ = 	snop  }
0x3b: {  	_ = 	snop  }
0x3c: {  	p2 =	seq.s32 s10, $0x1;
	s10 =	sld [smem:$0x3FB9]  }
0x3d: {  	_ =	shalt  }
0x3e: {  	_ =	shalt  }
0x3f: {  	_ =	shalt  }
0x40: {  	_ =	shalt  }
0x41: {  	_ =	shalt  }
0x42: {  	_ =	shalt  }
0x43: {  	_ =	shalt  }
0x44: {  	_ =	shalt  }
0x45: {  	_ =	shalt  }
0x46: {  	_ =	shalt  }
0x47: {  	_ =	shalt  }
0x48: {  	_ =	shalt  }
0x49: {  	_ =	shalt  }
0x4a: {  	_ =	shalt  }
0x4b: {  	_ =	shalt  }
0x4c: {  	_ =	shalt  }
0x4d: {  	_ =	shalt  }
0x4e: {  	_ =	shalt  }
0x4f: {  	_ =	shalt  }
0x50: {  	_ =	shalt  }
0x51: {  	_ =	shalt  }
0x52: {  	_ =	shalt  }
0x53: {  	_ =	shalt  }
0x54: {  	_ =	shalt  }
0x55: {  	_ =	shalt  }
0x56: {  	_ =	shalt  }
0x57: {  	_ =	shalt  }
0x58: {  	_ =	shalt  }
0x59: {  	_ =	shalt  }
0x5a: {  	_ =	shalt  }
0x5b: {  	_ =	shalt  }
0x5c: {  	_ =	shalt  }
0x5d: {  	_ =	shalt  }
0x5e: {  	_ =	shalt  }
0x5f: {  	_ =	shalt  }
0x60: {  	_ =	shalt  }
0x61: {  	_ =	shalt  }
0x62: {  	_ =	shalt  }
0x63: {  	_ =	shalt  }
0x64: {  	_ =	shalt  }
0x65: {  	_ =	shalt  }
0x66: {  	_ =	shalt  }
0x67: {  	_ =	shalt  }
0x68: {  	_ =	shalt  }
0x69: {  	_ =	shalt  }
0x6a: {  	_ =	shalt  }
0x6b: {  	_ =	shalt  }
0x6c: {  	_ =	shalt  }
0x6d: {  	_ =	shalt  }
0x6e: {  	_ =	shalt  }
0x6f: {  	_ =	shalt  }
0x70: {  	_ =	shalt  }
0x71: {  	_ =	shalt  }
0x72: {  	_ =	shalt  }
0x73: {  	_ =	shalt  }
0x74: {  	_ =	shalt  }
0x75: {  	_ =	shalt  }
0x76: {  	_ =	shalt  }
0x77: {  	_ =	shalt  }
0x78: {  	_ =	shalt  }
0x79: {  	_ =	shalt  }
0x7a: {  	_ =	shalt  }
0x7b: {  	_ =	shalt  }
0x7c: {  	_ =	shalt  }
0x7d: {  	_ =	shalt  }
0x7e: {  	_ =	shalt  }
0x7f: {  	_ =	shalt  }
0x80: {  	_ =	shalt  }
0x81: {  	_ =	shalt  }
0x82: {  	_ =	shalt  }
0x83: {  	_ =	shalt  }
0x84: {  	_ =	shalt  }
0x85: {  	_ =	shalt  }
0x86: {  	_ =	shalt  }
0x87: {  	_ =	shalt  }
.Lfunc_end0:
.L_simem_size_0:
called_computation.1_lowered:
.L_overlay_start_0:
0x88: {  	s2 =	sld [smem:$0x3FD9]  }
0x89: {  	s3 =	sld [smem:$0x3FFE];
	_ =	sdelay $0x1  }
0x8a: {  	s1 =	srdreg.scid  }
0x8b: {  	s0 =	sand.u32 $0x1, s1  }
0x8c: {  	s17 =	sshll.u32 s0, $0xA;
	s2 =	sadd.s32 s3, s2  }
0x8d: {  	s2 =	sadd.s32 s2, s17  }
0x8e: {  	[smem:$0x3FC5] =	sst s2  }
0x8f: {  	_ = 	snop  }
0x90: {  	s2 =	sld [smem:$0x3FD0];
	(tm) =	ssettm $0x1  }
0x91: {  	s18 =	sld [smem:$0x3FFB];
	_ =	sdelay $0x3  }
0x92: {  	_ =	strace s18  }
0x93: {  	s3 =	sld [smem:$0x3FFC];
	_ =	sdelay $0x3  }
0x94: {  	_ =	strace s3  }
0x95: {  	s3 =	sld [smem:$0x3FFD];
	_ =	sdelay $0x3  }
0x96: {  	_ =	strace s3  }
0x97: {  	_ =	strace $0x8FFFFFFF  }
0x98: {  	s19 =	sld [smem:$0x3FDB];
	_ =	sdelay $0x1  }
0x99: {  	s4 =	simm.s32 $_scs_section_size  }
0x9a: {  	s5 =	simm.s32 $_size__tile_overlayer_lowered;
	s6 =	simm.s32 $_tile_overlayer_lowered  }
0x9b: {  	s22 =	simm.s32 $0x1BFF;
	s21 =	sshll.u32 s6, $0x1;
	s3 =	sadd.s32 s4, s19  }
0x9c: {  	s7 =	simm.s32 $0x0;
	s20 =	sshll.u32 s5, $0x1;
	s5 =	sadd.s32 s21, s3  }
0x9d: {  	[timem:s7], [sflag:s22] =	dma.local [hbm:s5], s20  }
0x9e: {  	_ =	swait.ge [sflag:s22], s20  }
0x9f: {  	s4 =	ssub.s32 $0x0, s20;
	[sflag:s22] =	ssyncset.done $0x0  }
0xa0: {  	[sflag:s22] =	ssyncadd.s32 s4;
	_ =	sdelay $0x1  }
0xa1: {  	s23 =	simm.s32 $0x1B8B  }
0xa2: {  	_ =	swait.ge [sflag:s23], $0x1  }
0xa3: {  	[sflag:s23] =	ssyncset.done $0x0  }
0xa4: {  	s25 =	simm.s32 $0x1B8E;
	s24 =	sld [smem:$0x3FFE];
	[sflag:s23] =	ssyncadd.s32 $0xFFFFFFFF  }
0xa5: {  	s26 =	simm.s32 $execute0_lowered;
	[smem:$0x3FD2] =	sst s25  }
0xa6: {  	s5 =	sshll.u32 s26, $0x1;
	_ =	strace $0x80000046;
	[dreg:$0x1] =	wrdreg $0xFFFFFFFF  }
0xa7: {  	s28 =	simm.s32 $_size_execute0_lowered;
	s3 =	sadd.s32 s3, s5;
	[dreg:$0x0] =	wrdreg $0x0  }
0xa8: {  	s5 =	sshll.u32 s28, $0x1;
	[dreg:$0x2] =	wrdreg s3  }
0xa9: {  	[dreg:$0x3] =	wrdreg s5  }
0xaa: {  	[dreg:$0x4] =	wrdreg $0xC0  }
0xab: {  	_ =	task [dreg:s7], $0x5FFFF  }
0xac: {  	[dreg:$0x1] =	wrdreg $0xFFFFFFFF  }
0xad: {  	[dreg:$0x0] =	wrdreg $0x60  }
0xae: {  	[dreg:$0x2] =	wrdreg s2  }
0xaf: {  	[dreg:$0x3] =	wrdreg s24  }
0xb0: {  	[dreg:$0x4] =	wrdreg $0x9  }
0xb1: {  	_ =	task.clear_ibuf [dreg:s7], $0x5FFFF;
	_ =	strace $0x90000046  }
0xb2: {  	s29 =	simm.s32 $0x9;
	_ =	strace $0x80000048  }
0xb3: {  	_ =	swait.ge [sflag:s29], $0x1  }
0xb4: {  	[sflag:s29] =	ssyncadd.s32 $0xFFFFFFFF  }
0xb5: {  	_ =	strace $0x90000048  }
0xb6: {  	_ =	sfence  }
0xb7: {  	s30 =	sld [smem:$0x0];
	_ =	sdelay $0x2  }
0xb8: {  	s31 =	sshll.u32 s1, $0xD;
	s1 =	sshrl.u32 s1, $0x2  }
0xb9: {  	s3 =	sand.u32 $0x4000, s31;
	s1 =	sadd.s32 s1, s30  }
0xba: {  	s0 =	sor.u32 s3, s0;
	s1 =	sshll.u32 s1, $0x11  }
0xbb: {  	s0 =	sor.u32 s1, s0  }
0xbc: {  	s0 =	sadd.s32 $0x8F2B, s0  }
0xbd: {  	[sflag:s0] =	ssyncadd.remote.s32 $0x1  }
0xbe: {  	_ =	sfence.sel $0xFFFF  }
0xbf: {  	[dreg:$0x0] =	wrdreg $0xFFFFFFFF;
	(pc) =	sbr.abs _section_cstart, $3  }
0xc0: {  	[dreg:$0x1] =	wrdreg $0xFFFFFFFF  }
0xc1: {  	_ =	task.clear_ibuf [dreg:s7], $0x2FFFF;
	_ =	strace $0x9FFFFFFF  }
0xc2: {  	(tm) =	ssettm $0x7FFFFFFF  }
0xc3: {  	_ =	shalt  }
tec
execute0_lowered:
.L_overlay_start_1:
0x0: {  	(tag) =	ssettag $0x1  }
0x1: {  	s5 =	rddreg [dreg:$0x0]  }
0x2: {  	s0 =	rddreg [dreg:$0x1];
	s1 =	simm.s32 $0x0;
	s23 =	srdreg.scid  }
0x3: {  	s3 =	stileid.u32;
	[smem:$0x7FF] =	sst s1  }
0x4: {  	s2 =	sadd.s32 $0xE00, s0;
	s1 =	sand.u32 $0x1, s23;
	s3 =	sshll.u32 s3, $0xF  }
0x5: {  	s4 =	sadd.s32 $0xF43200, s0;
	_ =	strace $0x80000047;
	[dreg:$0x3] =	wrdreg s2  }
0x6: {  	v0 =	vimm.s32 $0xECA86420;
	vm0 =	vcmask $0xB08;
	vm1 =	vcmask $0x1310;
	s26 =	sadd.s32 $0x1000, s0;
	s0 =	sadd.s32 $0x1002, s0;
	[dreg:$0x4] =	wrdreg s4  }
0x7: {  	vm2 =	vcmask $0x1B18;
	vm3 =	vcmask $0x300;
	vm4 =	vcmask $0x2320;
	s24 =	ssub.s32 $0x2, s1;
	s1 =	sshll.u32 s1, $0xE;
	[dreg:$0x6] =	wrdreg s26  }
0x8: {  	vm5 =	vcmask $0x2B28;
	vm6 =	vcmask $0x3330;
	vm7 =	vcmask $0x3B38;
	[dreg:$0x9] =	wrdreg s0;
	s25 =	sshrl.u32 s24, $0x1;
	s3 =	sor.u32 s1, s3  }
0x9: {  	v1 =	vlaneseq.u32;
	vm8 =	vmmov $0xff;
	vm9 =	vcmask $0x704;
	s29 =	sshrl.u32 s3, $0x3;
	[dreg:$0x5] =	wrdreg s3;
	s30 =	sshll.u32 s3, $0x4  }
0xa: {  	vm10 =	vcmask $0xF0C;
	vm11 =	vcmask $0x1714;
	v0 =	vunpack.c.l.s4.s8 v0;
	s28 =	ssub.s32 s24, s25;
	s2 =	sadd.s32 s5, s29;
	[dreg:$0x8] =	wrdreg s30  }
0xb: {  	vm12 =	vcmask $0x1F1C;
	vm13 =	vcmask $0x2724;
	vm14 =	vcmask $0x2F2C;
	s31 =	smax.u32 s28, $0x1;
	[dreg:$0x7] =	wrdreg s2  }
0xc: {  	vm15 =	vcmask $0x3734;
	v1 =	vmul.u32 $0x2, v1;
	v0 =	vunpack.c.0.s8.s32 v0;
	[dreg:$0xa] =	wrdreg s31;
	s2 =	simm.s32 $0x0  }
.LBB2_1:
0xd: {  	[dreg:$0xb] =	wrdreg s2  }
0xe: {  	s0 =	simm.s32 $0x0;
	s1 =	rddreg [dreg:$0x3];
	s29 =	simm.s32 $0x3  }
0xf: {  	[tilespmem:s0], [sflag:$0x3] =	stream.linear.gather [hbm4b:s1+s0], $0x20, $0x38;
	[tilespmem:$0x11820] =	vst v63  }
0x10: {  	_ =	swait.ge [sflag:s29], $0x20  }
0x11: {  	[sflag:s29] =	ssyncset.done $0x0  }
0x12: {  	[sflag:s29] =	ssyncadd.s32 $0xFFFFFFE0  }
0x13: {  	s3 =	simm.s32 $0x20;
	s30 =	rddreg [dreg:$0x7];
	v2 =	vld [tilespmem:$0x0]  }
0x14: {  	v3 =	vld [tilespmem:$0x10];
	[tilespmem:s3], [sflag:$0x3] =	stream.linear.gather [hbm4b:s30+s0], $0x400, $0x38  }
0x15: {  	_ =	swait.ge [sflag:s29], $0x400  }
0x16: {  	s31 =	simm.s32 $0xC20;
	s1 =	simm.s32 $0x40;
	[sflag:s29] =	ssyncset.done $0x0  }
0x17: {  	s0 =	simm.s32 $0xFFFFFFFC;
	[dreg:$0x13] =	wrdreg s31;
	[sflag:s29] =	ssyncadd.s32 $0xFFFFFC00  }
.LBB2_2:
0x18: {  	v4 =	vld [tilespmem:s1+$0xFFFFFFE0];
	_ =	sdelay $0x4  }
0x19: {  	v4 =	vmul.u32 $0x9E3779B1, v4;
	_ =	sdelay $0x1  }
0x1a: {  	v5 =	vshrl.u32 v4, $0x10  }
0x1b: {  	v4 =	vxor.u32 v4, v5  }
0x1c: {  	v4 =	vmul.u32 $0x45D9F3B, v4;
	_ =	sdelay $0x1  }
0x1d: {  	v5 =	vshrl.u32 v4, $0x10  }
0x1e: {  	v4 =	vxor.u32 v4, v5  }
0x1f: {  	v5 =	vmulhi.u32 $0x431BDE83, v4;
	_ =	sdelay $0x1  }
0x20: {  	v5 =	vshrl.u32 v5, $0x13  }
0x21: {  	v5 =	vmul.u32 $0x1E8480, v5;
	_ =	sdelay $0x1  }
0x22: {  	v4 =	vsub.s32 v4, v5  }
0x23: {  	v5 =	vadd.s32 $0xFFF0BDC0, v4  }
0x24: {  	v5 =	vmin.u32 v4, v5  }
0x25: {  	v4 =	vadd.s32 v2, v5  }
0x26: {  	(v2sf) =	vpush v4, $0xD;
	_ =	sdelay $0x1  }
0x27: {  	(v2sf) =	vpush v4, $0xC;
	_ =	sdelay $0x1  }
0x28: {  	(v2sf) =	vpush v4, $0xE;
	_ =	sdelay $0x1  }
0x29: {  	(v2sf) =	vpush v4, $0xF;
	_ =	sdelay $0x1  }
0x2a: {  	(v2sf) =	vpush v4, $0x9;
	_ =	sdelay $0x1  }
0x2b: {  	(v2sf) =	vpush v4, $0x8;
	_ =	sdelay $0x1  }
0x2c: {  	(v2sf) =	vpush v4, $0xA;
	_ =	sdelay $0x1  }
0x2d: {  	(v2sf) =	vpush v4, $0xB  }
0x2e: {  	[dreg:$0x14] =	wrdreg s1;
	s30 =	spop (v2sf)  }
0x2f: {  	[dreg:$0x12] =	wrdreg s0;
	(v2sf) =	vpush v4, $0x0;
	s0 =	smulhi.u32 $0x431BDE83, s30;
	s1 =	sshra.s32 s30, $0x1F  }
0x30: {  	s3 =	spop (v2sf);
	s12 =	smul.u32 $0x431BDE83, s1  }
0x31: {  	(v2sf) =	vpush v4, $0x1;
	s4 =	smulhi.u32 $0x431BDE83, s3;
	s3 =	sshra.s32 s3, $0x1F  }
0x32: {  	s5 =	spop (v2sf);
	s6 =	smul.u32 $0x431BDE83, s3  }
0x33: {  	(v2sf) =	vpush v4, $0x2;
	s3 =	smulhi.u32 $0x431BDE83, s5;
	s5 =	sshra.s32 s5, $0x1F  }
0x34: {  	s31 =	spop (v2sf);
	(v2sf) =	vpush v4, $0x3;
	s7 =	smul.u32 $0x431BDE83, s5  }
0x35: {  	s8 =	smulhi.u32 $0x431BDE83, s31;
	s5 =	sshra.s32 s31, $0x1F  }
0x36: {  	s1 =	spop (v2sf);
	s16 =	smul.u32 $0x431BDE83, s5  }
0x37: {  	(v2sf) =	vpush v4, $0x4;
	s11 =	smulhi.u32 $0x431BDE83, s1;
	s5 =	sshra.s32 s1, $0x1F  }
0x38: {  	s2 =	spop (v2sf);
	s28 =	smul.u32 $0x431BDE83, s5  }
0x39: {  	(v2sf) =	vpush v4, $0x5;
	s13 =	smulhi.u32 $0x431BDE83, s2;
	s5 =	sshra.s32 s2, $0x1F  }
0x3a: {  	s9 =	spop (v2sf);
	s14 =	smul.u32 $0x431BDE83, s5  }
0x3b: {  	(v2sf) =	vpush v4, $0x6;
	s31 =	smulhi.u32 $0x431BDE83, s9;
	s5 =	sshra.s32 s9, $0x1F  }
0x3c: {  	s10 =	spop (v2sf);
	s1 =	smul.u32 $0x431BDE83, s5  }
0x3d: {  	(v2sf) =	vpush v4, $0x7;
	s18 =	smulhi.u32 $0x431BDE83, s10;
	s5 =	sshra.s32 s10, $0x1F  }
0x3e: {  	s30 =	smul.u32 $0x431BDE83, s5;
	s15 =	spop (v2sf)  }
0x3f: {  	s2 =	smulhi.u32 $0x431BDE83, s15;
	s5 =	sshra.s32 s15, $0x1F  }
0x40: {  	s0 =	sadd.s32 s12, s0;
	s17 =	spop (v2sf);
	s29 =	smul.u32 $0x431BDE83, s5  }
0x41: {  	v5 =	vadd.s32 v3, v5;
	[smem:$0x7BE] =	sst s0;
	s19 =	smulhi.u32 $0x431BDE83, s17;
	s5 =	sshra.s32 s17, $0x1F  }
0x42: {  	(v2sf) =	vpush v5, $0xD;
	s20 =	spop (v2sf);
	s15 =	smul.u32 $0x431BDE83, s5  }
0x43: {  	s21 =	smulhi.u32 $0x431BDE83, s20;
	s5 =	sshra.s32 s20, $0x1F;
	s22 =	spop (v2sf)  }
0x44: {  	(v2sf) =	vpush v5, $0xC;
	[smem:$0x7B2] =	sst s19;
	s19 =	smul.u32 $0x431BDE83, s5  }
0x45: {  	(v2sf) =	vpush v5, $0xE;
	[smem:$0x7B1] =	sst s2;
	s23 =	smulhi.u32 $0x431BDE83, s22;
	s5 =	sshra.s32 s22, $0x1F  }
0x46: {  	s24 =	spop (v2sf);
	s10 =	smul.u32 $0x431BDE83, s5  }
0x47: {  	[smem:$0x7B3] =	sst s21;
	s25 =	smulhi.u32 $0x431BDE83, s24;
	s5 =	sshra.s32 s24, $0x1F  }
0x48: {  	(v2sf) =	vpush v5, $0xF;
	s26 =	spop (v2sf);
	s9 =	smul.u32 $0x431BDE83, s5  }
0x49: {  	(v2sf) =	vpush v5, $0x9;
	[smem:$0x7B4] =	sst s23;
	s17 =	smulhi.u32 $0x431BDE83, s26;
	s5 =	sshra.s32 s26, $0x1F  }
0x4a: {  	s20 =	spop (v2sf);
	s2 =	smul.u32 $0x431BDE83, s5  }
0x4b: {  	(v2sf) =	vpush v5, $0x8;
	s5 =	sshra.s32 s20, $0x1F;
	[smem:$0x7B6] =	sst s17;
	s17 =	smulhi.u32 $0x431BDE83, s20  }
0x4c: {  	(v2sf) =	vpush v5, $0xA;
	s21 =	spop (v2sf);
	s26 =	smul.u32 $0x431BDE83, s5  }
0x4d: {  	[smem:$0x7B5] =	sst s25;
	s22 =	smulhi.u32 $0x431BDE83, s21  }
0x4e: {  	s5 =	sshra.s32 s21, $0x1F;
	s21 =	sadd.s32 s7, s3;
	s3 =	sld [smem:$0x7B1]  }
0x4f: {  	(v2sf) =	vpush v5, $0xB;
	[smem:$0x7B7] =	sst s17  }
0x50: {  	s25 =	smul.u32 $0x431BDE83, s5;
	[smem:$0x7B8] =	sst s22;
	s22 =	sadd.s32 s6, s4  }
0x51: {  	s6 =	sld [smem:$0x7B3];
	s29 =	sadd.s32 s29, s3;
	s23 =	spop (v2sf)  }
0x52: {  	s3 =	sld [smem:$0x7B5];
	s24 =	smulhi.u32 $0x431BDE83, s23;
	s5 =	sshra.s32 s23, $0x1F  }
0x53: {  	s12 =	spop (v2sf);
	s5 =	smul.u32 $0x431BDE83, s5  }
0x54: {  	s17 =	smulhi.u32 $0x431BDE83, s12;
	s0 =	sshra.s32 s12, $0x1F;
	s20 =	spop (v2sf)  }
0x55: {  	[smem:$0x7B9] =	sst s24;
	s0 =	smul.u32 $0x431BDE83, s0  }
0x56: {  	s28 =	sadd.s32 s28, s11;
	(v2sf) =	vpush v5, $0x0;
	s23 =	smulhi.u32 $0x431BDE83, s20;
	[smem:$0x7BA] =	sst s5  }
0x57: {  	s14 =	sadd.s32 s14, s13;
	s24 =	spop (v2sf);
	[smem:$0x7BB] =	sst s17  }
0x58: {  	s31 =	sadd.s32 s1, s31;
	s1 =	spop (v2sf);
	[smem:$0x7BC] =	sst s0  }
0x59: {  	[smem:$0x7BD] =	sst s23;
	s0 =	sshra.s32 s20, $0x1F;
	s23 =	smulhi.u32 $0x431BDE83, s24  }
0x5a: {  	s19 =	sadd.s32 s19, s6;
	s4 =	spop (v2sf);
	s20 =	smul.u32 $0x431BDE83, s0  }
0x5b: {  	s0 =	sshra.s32 s24, $0x1F;
	s12 =	smulhi.u32 $0x431BDE83, s4;
	s7 =	spop (v2sf)  }
0x5c: {  	s17 =	sadd.s32 s16, s8;
	s24 =	sld [smem:$0x7B4];
	s16 =	smul.u32 $0x431BDE83, s0  }
0x5d: {  	s5 =	sld [smem:$0x7B2];
	s0 =	sshra.s32 s1, $0x1F;
	s11 =	smulhi.u32 $0x431BDE83, s7  }
0x5e: {  	s13 =	smul.u32 $0x431BDE83, s0;
	s0 =	sshra.s32 s4, $0x1F;
	s4 =	spop (v2sf)  }
0x5f: {  	s8 =	smul.u32 $0x431BDE83, s0;
	s10 =	sadd.s32 s10, s24;
	s24 =	sld [smem:$0x7B7]  }
0x60: {  	(v2sf) =	vpush v5, $0x1;
	s15 =	sadd.s32 s15, s5;
	s0 =	sshra.s32 s7, $0x1F;
	s5 =	smulhi.u32 $0x431BDE83, s4  }
0x61: {  	s7 =	sld [smem:$0x7B6];
	s16 =	sadd.s32 s16, s23;
	s6 =	smul.u32 $0x431BDE83, s0  }
0x62: {  	s0 =	sshra.s32 s4, $0x1F;
	s26 =	sadd.s32 s26, s24;
	s24 =	sld [smem:$0x7B8]  }
0x63: {  	s9 =	sadd.s32 s9, s3;
	(v2sf) =	vpush v5, $0x2;
	[smem:$0x7C1] =	sst s16;
	s4 =	smul.u32 $0x431BDE83, s0  }
0x64: {  	s8 =	sadd.s32 s8, s12;
	s12 =	sld [smem:$0x7BE];
	s7 =	sadd.s32 s2, s7  }
0x65: {  	s2 =	spop (v2sf);
	s25 =	sadd.s32 s25, s24;
	s24 =	sld [smem:$0x7BA]  }
0x66: {  	s3 =	smulhi.u32 $0x431BDE83, s2;
	s0 =	sshra.s32 s2, $0x1F;
	s2 =	sld [smem:$0x7B9]  }
0x67: {  	[smem:$0x7C2] =	sst s8;
	s6 =	sadd.s32 s6, s11  }
0x68: {  	s30 =	sadd.s32 s30, s18;
	[smem:$0x7C3] =	sst s6  }
0x69: {  	s18 =	smulhi.u32 $0x431BDE83, s1;
	s1 =	sadd.s32 s24, s2;
	s24 =	sld [smem:$0x7BC]  }
0x6a: {  	s23 =	sshrl.u32 s28, $0x1F;
	s28 =	sshra.s32 s28, $0x12;
	[dreg:$0x1b] =	wrdreg s1  }
0x6b: {  	s11 =	sshrl.u32 s29, $0x1F;
	s2 =	smul.u32 $0x431BDE83, s0;
	s1 =	sld [smem:$0x7BB]  }
0x6c: {  	s4 =	sadd.s32 s4, s5;
	s5 =	sshra.s32 s22, $0x12;
	s6 =	sshrl.u32 s21, $0x1F  }
0x6d: {  	(v2sf) =	vpush v5, $0x3;
	[smem:$0x7C4] =	sst s4;
	s4 =	sadd.s32 s2, s3;
	s2 =	sshrl.u32 s22, $0x1F  }
0x6e: {  	s22 =	sshra.s32 s14, $0x12;
	s1 =	sadd.s32 s24, s1;
	s24 =	sld [smem:$0x7BD]  }
0x6f: {  	v8 =	vmov s11;
	s11 =	sshrl.u32 s19, $0x1F;
	s0 =	spop (v2sf);
	v11 =	vmov s22;
	s22 =	sld [smem:$0x7C1]  }
0x70: {  	[smem:$0x7BF] =	sst s1;
	s1 =	smulhi.u32 $0x431BDE83, s0;
	s0 =	sshra.s32 s0, $0x1F  }
0x71: {  	(v2sf) =	vpush v5, $0x4;
	v11 =	vsel vm0, s28, v11;
	s28 =	sld [smem:$0x7C2];
	s0 =	smul.u32 $0x431BDE83, s0;
	s20 =	sadd.s32 s20, s24  }
0x72: {  	(v2sf) =	vpush v5, $0x5;
	v7 =	vmov s2;
	s2 =	sshra.s32 s15, $0x1F;
	s24 =	spop (v2sf);
	[smem:$0x7C0] =	sst s20  }
0x73: {  	(v2sf) =	vpush v5, $0x6;
	s16 =	smulhi.u32 $0x431BDE83, s24;
	s24 =	sshra.s32 s24, $0x1F;
	s20 =	sadd.s32 s13, s18  }
0x74: {  	(v2sf) =	vpush v5, $0x7;
	s8 =	sadd.s32 s0, s1;
	s1 =	sshrl.u32 s12, $0x1F;
	s12 =	sshra.s32 s12, $0x12  }
0x75: {  	s18 =	sshra.s32 s21, $0x12;
	s21 =	sshrl.u32 s17, $0x1F;
	s17 =	sshra.s32 s17, $0x12  }
0x76: {  	s13 =	sshra.s32 s25, $0x1F;
	s0 =	sshra.s32 s29, $0x12;
	s24 =	smul.u32 $0x431BDE83, s24  }
0x77: {  	v10 =	vmov s5;
	v6 =	vmov s13;
	s13 =	sshra.s32 s29, $0x1F;
	s29 =	sshrl.u32 s15, $0x1F;
	v7 =	vsel vm0, s1, v7;
	s1 =	sshrl.u32 s10, $0x1F  }
0x78: {  	v8 =	vnsel vm3, $0x0, v8;
	v10 =	vsel vm0, s12, v10;
	v6 =	vsel vm3, s0, v6;
	s0 =	sshra.s32 s15, $0x12;
	s15 =	sshra.s32 s10, $0x12;
	s10 =	sshra.s32 s10, $0x1F  }
0x79: {  	v8 =	vsel vm0, s29, v8;
	s29 =	sshra.s32 s9, $0x12;
	v10 =	vsel vm1, s18, v10;
	s18 =	sshrl.u32 s22, $0x1F;
	s3 =	sadd.s32 s24, s16  }
0x7a: {  	s24 =	sshrl.u32 s14, $0x1F;
	s14 =	sshrl.u32 s31, $0x1F;
	s16 =	sshra.s32 s31, $0x12  }
0x7b: {  	v7 =	vsel vm1, s6, v7;
	s31 =	sshrl.u32 s30, $0x1F;
	s30 =	sshra.s32 s30, $0x12;
	v6 =	vsel vm9, s13, v6;
	s13 =	sshra.s32 s19, $0x12  }
0x7c: {  	v7 =	vsel vm2, s21, v7;
	v8 =	vsel vm1, s11, v8;
	s21 =	spop (v2sf);
	s11 =	sshra.s32 s26, $0x1F;
	v6 =	vsel vm0, s0, v6;
	s0 =	sshra.s32 s19, $0x1F  }
0x7d: {  	s19 =	sshrl.u32 s9, $0x1F;
	s9 =	sshra.s32 s9, $0x1F;
	v8 =	vsel vm2, s1, v8;
	s1 =	sshra.s32 s7, $0x1F  }
0x7e: {  	v9 =	vmov s24;
	s24 =	sshrl.u32 s26, $0x1F;
	s5 =	sshra.s32 s21, $0x1F;
	v11 =	vsel vm1, s16, v11;
	s16 =	sshrl.u32 s28, $0x1F;
	v6 =	vsel vm10, s2, v6  }
0x7f: {  	v9 =	vsel vm0, s23, v9;
	v8 =	vsel vm4, s19, v8;
	s19 =	sshra.s32 s26, $0x12;
	s26 =	sshrl.u32 s25, $0x1F;
	s23 =	sld [smem:$0x7C0];
	v6 =	vsel vm1, s13, v6  }
0x80: {  	s13 =	sshrl.u32 s7, $0x1F;
	v6 =	vsel vm11, s0, v6;
	s0 =	sshra.s32 s7, $0x12;
	s7 =	spop (v2sf)  }
0x81: {  	s5 =	smul.u32 $0x431BDE83, s5;
	v11 =	vsel vm2, s30, v11;
	s30 =	sshrl.u32 s4, $0x1F;
	v6 =	vsel vm2, s15, v6;
	s6 =	spop (v2sf)  }
0x82: {  	v12 =	vmov s30;
	s30 =	sshra.s32 s8, $0x12;
	v8 =	vsel vm5, s13, v8;
	s15 =	smulhi.u32 $0x431BDE83, s21;
	v6 =	vsel vm12, s10, v6;
	s2 =	spop (v2sf)  }
0x83: {  	v9 =	vsel vm1, s14, v9;
	v8 =	vsel vm6, s24, v8;
	s24 =	rddreg [dreg:$0x1b];
	s14 =	sshrl.u32 s23, $0x1F;
	v6 =	vsel vm4, s29, v6;
	s29 =	spop (v2sf)  }
0x84: {  	v9 =	vsel vm2, s31, v9;
	s21 =	sshrl.u32 s20, $0x1F;
	v6 =	vsel vm13, s9, v6;
	s9 =	smulhi.u32 $0x431BDE83, s29;
	s31 =	sshra.s32 s29, $0x1F  }
0x85: {  	v10 =	vsel vm2, s17, v10;
	s10 =	sshra.s32 s25, $0x12;
	s25 =	sld [smem:$0x7BF];
	s13 =	smul.u32 $0x431BDE83, s31  }
0x86: {  	v60 =	vcombine.low v11, v10;
	v8 =	vsel vm7, s26, v8;
	s12 =	sshrl.u32 s24, $0x1F;
	s26 =	smov.u32 s20;
	s20 =	sld [smem:$0x7C4];
	v6 =	vsel vm5, s0, v6  }
0x87: {  	v13 =	vmov s16;
	s5 =	sadd.s32 s5, s15;
	s15 =	sshrl.u32 s3, $0x1F;
	v6 =	vsel vm14, s1, v6;
	s1 =	sadd.s32 s13, s9  }
0x88: {  	v12 =	vnsel vm3, $0x0, v12;
	v7 =	vcombine.low v9, v7;
	v9 =	vperm.xlane v60, v0;
	s16 =	sshra.s32 s5, $0x12;
	s29 =	sshrl.u32 s25, $0x1F;
	s31 =	sshra.s32 s1, $0x1F  }
0x89: {  	v13 =	vsel vm0, s21, v13;
	s0 =	sshrl.u32 s20, $0x1F;
	v61 =	vmov s29;
	s29 =	smulhi.u32 $0x431BDE83, s6;
	s13 =	sshra.s32 s4, $0x12;
	v62 =	vmov s31  }
0x8a: {  	s6 =	sshra.s32 s6, $0x1F;
	v6 =	vsel vm6, s19, v6;
	v10 =	vsel vm0, s12, v61;
	s12 =	smulhi.u32 $0x431BDE83, s7;
	s4 =	sshra.s32 s4, $0x1F;
	v11 =	vsel vm3, s13, v62  }
0x8b: {  	v7 =	vperm.xlane v7, v0;
	s19 =	sld [smem:$0x7C3];
	s7 =	sshra.s32 s7, $0x1F;
	s6 =	smul.u32 $0x431BDE83, s6;
	v6 =	vsel vm15, s11, v6;
	v11 =	vsel vm9, s4, v11  }
0x8c: {  	s7 =	smul.u32 $0x431BDE83, s7;
	v10 =	vsel vm1, s14, v10;
	v6 =	vsel vm7, s10, v6;
	s10 =	sshrl.u32 s8, $0x1F;
	s8 =	sshra.s32 s8, $0x1F;
	v11 =	vsel vm0, s30, v11  }
0x8d: {  	v8 =	vperm.xlane v8, v1;
	s14 =	sshra.s32 s3, $0x12;
	s3 =	sshra.s32 s3, $0x1F;
	s31 =	sshrl.u32 s5, $0x1F;
	v10 =	vsel vm2, s18, v10;
	v11 =	vsel vm10, s8, v11  }
0x8e: {  	s6 =	sadd.s32 s6, s29;
	s18 =	sshra.s32 s5, $0x1F;
	s17 =	sshrl.u32 s19, $0x1F;
	v6 =	vperm.xlane v6, v1;
	v12 =	vsel vm0, s10, v12;
	v11 =	vsel vm1, s14, v11  }
0x8f: {  	s10 =	smulhi.u32 $0x431BDE83, s2;
	s2 =	sshra.s32 s2, $0x1F;
	s7 =	sadd.s32 s7, s12;
	v12 =	vsel vm1, s15, v12;
	v13 =	vsel vm1, s17, v13;
	v11 =	vsel vm11, s3, v11  }
0x90: {  	s2 =	smul.u32 $0x431BDE83, s2;
	s15 =	sshrl.u32 s7, $0x1F;
	s17 =	sshrl.u32 s6, $0x1F;
	v12 =	vsel vm2, s31, v12;
	v13 =	vsel vm2, s0, v13;
	v11 =	vsel vm2, s16, v11  }
0x91: {  	s29 =	sshra.s32 s7, $0x12;
	s30 =	sshra.s32 s25, $0x12;
	s31 =	sshra.s32 s28, $0x12;
	v12 =	vsel vm4, s15, v12;
	v10 =	vcombine.low v13, v10;
	v11 =	vsel vm12, s18, v11  }
0x92: {  	s5 =	sshra.s32 s7, $0x1F;
	s7 =	sshra.s32 s24, $0x12;
	s2 =	sadd.s32 s2, s10;
	v63 =	vmov s30;
	v14 =	vmov s31;
	v11 =	vsel vm4, s29, v11  }
0x93: {  	s9 =	sshra.s32 s6, $0x12;
	s8 =	sshra.s32 s26, $0x12;
	v12 =	vsel vm5, s17, v12;
	s21 =	sshrl.u32 s2, $0x1F;
	v13 =	vsel vm0, s7, v63;
	v11 =	vsel vm13, s5, v11  }
0x94: {  	s11 =	sshra.s32 s19, $0x12;
	s12 =	sshra.s32 s6, $0x1F;
	s10 =	sshra.s32 s23, $0x12;
	v14 =	vsel vm0, s8, v14;
	v12 =	vsel vm6, s21, v12;
	v11 =	vsel vm5, s9, v11  }
0x95: {  	s13 =	sshra.s32 s22, $0x12;
	s14 =	sshra.s32 s20, $0x12;
	s15 =	sshra.s32 s2, $0x12;
	v13 =	vsel vm1, s10, v13;
	v14 =	vsel vm1, s11, v14;
	v11 =	vsel vm14, s12, v11  }
0x96: {  	s17 =	sshra.s32 s2, $0x1F;
	s16 =	sshrl.u32 s1, $0x1F;
	v13 =	vsel vm2, s13, v13;
	v14 =	vsel vm2, s14, v14;
	v11 =	vsel vm6, s15, v11  }
0x97: {  	v12 =	vsel vm7, s16, v12;
	v13 =	vcombine.low v14, v13;
	s18 =	sshra.s32 s1, $0x12;
	v11 =	vsel vm15, s17, v11  }
0x98: {  	v10 =	vperm.xlane v10, v0;
	v12 =	vperm.xlane v12, v1;
	v11 =	vsel vm7, s18, v11  }
0x99: {  	v13 =	vperm.xlane v13, v0;
	v11 =	vperm.xlane v11, v1  }
0x9a: {  	v7 =	vsel vm8, v8, v7;
	v6 =	vsel vm8, v6, v9  }
0x9b: {  	v6 =	vadd.s32 v7, v6;
	v15 =	vsel vm8, v12, v10;
	v16 =	vsel vm8, v11, v13  }
0x9c: {  	v6 =	vmul.u32 $0xF4240, v6;
	v7 =	vadd.s32 v15, v16  }
0x9d: {  	v7 =	vmul.u32 $0xF4240, v7  }
0x9e: {  	s19 =	rddreg [dreg:$0x13];
	v4 =	vsub.s32 v4, v6  }
0x9f: {  	[tilespmem:s19+$0xFFFFFC00] =	vst v4;
	v4 =	vsub.s32 v5, v7  }
0xa0: {  	s20 =	rddreg [dreg:$0x14];
	[tilespmem:s19+$0x0] =	vst v4  }
0xa1: {  	v4 =	vld [tilespmem:s20+$0xFFFFFFF0];
	_ =	sdelay $0x4  }
0xa2: {  	v4 =	vmul.u32 $0x9E3779B1, v4;
	_ =	sdelay $0x1  }
0xa3: {  	v5 =	vshrl.u32 v4, $0x10  }
0xa4: {  	v4 =	vxor.u32 v4, v5  }
0xa5: {  	v4 =	vmul.u32 $0x45D9F3B, v4;
	_ =	sdelay $0x1  }
0xa6: {  	v5 =	vshrl.u32 v4, $0x10  }
0xa7: {  	v4 =	vxor.u32 v4, v5  }
0xa8: {  	v5 =	vmulhi.u32 $0x431BDE83, v4;
	_ =	sdelay $0x1  }
0xa9: {  	v5 =	vshrl.u32 v5, $0x13  }
0xaa: {  	v5 =	vmul.u32 $0x1E8480, v5;
	_ =	sdelay $0x1  }
0xab: {  	v4 =	vsub.s32 v4, v5  }
0xac: {  	v5 =	vadd.s32 $0xFFF0BDC0, v4  }
0xad: {  	v5 =	vmin.u32 v4, v5  }
0xae: {  	v4 =	vadd.s32 v2, v5  }
0xaf: {  	(v2sf) =	vpush v4, $0xD;
	_ =	sdelay $0x1  }
0xb0: {  	(v2sf) =	vpush v4, $0xC;
	_ =	sdelay $0x1  }
0xb1: {  	(v2sf) =	vpush v4, $0xE  }
0xb2: {  	(v2sf) =	vpush v4, $0xF;
	_ =	sdelay $0x1  }
0xb3: {  	(v2sf) =	vpush v4, $0x9;
	_ =	sdelay $0x2  }
0xb4: {  	(v2sf) =	vpush v4, $0x8;
	_ =	sdelay $0x1  }
0xb5: {  	(v2sf) =	vpush v4, $0xA;
	_ =	sdelay $0x1  }
0xb6: {  	(v2sf) =	vpush v4, $0xB  }
0xb7: {  	s21 =	spop (v2sf)  }
0xb8: {  	(v2sf) =	vpush v4, $0x0;
	s0 =	smulhi.u32 $0x431BDE83, s21;
	s1 =	sshra.s32 s21, $0x1F  }
0xb9: {  	s22 =	spop (v2sf);
	s12 =	smul.u32 $0x431BDE83, s1  }
0xba: {  	(v2sf) =	vpush v4, $0x1;
	s2 =	smulhi.u32 $0x431BDE83, s22;
	s3 =	sshra.s32 s22, $0x1F  }
0xbb: {  	s23 =	spop (v2sf);
	(v2sf) =	vpush v4, $0x2;
	s4 =	smul.u32 $0x431BDE83, s3  }
0xbc: {  	s3 =	smulhi.u32 $0x431BDE83, s23;
	s5 =	sshra.s32 s23, $0x1F;
	s24 =	spop (v2sf);
	(v2sf) =	vpush v4, $0x3  }
0xbd: {  	s7 =	smul.u32 $0x431BDE83, s5  }
0xbe: {  	s6 =	smulhi.u32 $0x431BDE83, s24;
	s5 =	sshra.s32 s24, $0x1F;
	s25 =	spop (v2sf);
	(v2sf) =	vpush v4, $0x4  }
0xbf: {  	s16 =	smul.u32 $0x431BDE83, s5  }
0xc0: {  	s8 =	smulhi.u32 $0x431BDE83, s25;
	s5 =	sshra.s32 s25, $0x1F  }
0xc1: {  	s26 =	spop (v2sf);
	(v2sf) =	vpush v4, $0x5;
	s28 =	smul.u32 $0x431BDE83, s5  }
0xc2: {  	s11 =	smulhi.u32 $0x431BDE83, s26;
	s5 =	sshra.s32 s26, $0x1F  }
0xc3: {  	s29 =	spop (v2sf);
	(v2sf) =	vpush v4, $0x6;
	s14 =	smul.u32 $0x431BDE83, s5  }
0xc4: {  	s13 =	smulhi.u32 $0x431BDE83, s29;
	s5 =	sshra.s32 s29, $0x1F  }
0xc5: {  	s30 =	spop (v2sf);
	(v2sf) =	vpush v4, $0x7;
	s22 =	smul.u32 $0x431BDE83, s5  }
0xc6: {  	[dreg:$0x13] =	wrdreg s19;
	s18 =	smulhi.u32 $0x431BDE83, s30;
	s5 =	sshra.s32 s30, $0x1F  }
0xc7: {  	v5 =	vadd.s32 v3, v5;
	s0 =	sadd.s32 s12, s0;
	s30 =	smul.u32 $0x431BDE83, s5;
	s31 =	spop (v2sf)  }
0xc8: {  	[smem:$0x7D2] =	sst s0;
	(v2sf) =	vpush v5, $0xD;
	s9 =	smulhi.u32 $0x431BDE83, s31;
	s5 =	sshra.s32 s31, $0x1F  }
0xc9: {  	s10 =	spop (v2sf);
	s29 =	smul.u32 $0x431BDE83, s5  }
0xca: {  	(v2sf) =	vpush v5, $0xC;
	s15 =	smulhi.u32 $0x431BDE83, s10;
	s17 =	spop (v2sf)  }
0xcb: {  	s5 =	sshra.s32 s10, $0x1F;
	s19 =	smulhi.u32 $0x431BDE83, s17;
	s20 =	spop (v2sf)  }
0xcc: {  	(v2sf) =	vpush v5, $0xE;
	[smem:$0x7C6] =	sst s15;
	s15 =	smul.u32 $0x431BDE83, s5  }
0xcd: {  	s5 =	sshra.s32 s17, $0x1F;
	s21 =	smulhi.u32 $0x431BDE83, s20;
	s23 =	spop (v2sf)  }
0xce: {  	[smem:$0x7C7] =	sst s19;
	s19 =	smul.u32 $0x431BDE83, s5  }
0xcf: {  	[smem:$0x7C5] =	sst s9;
	(v2sf) =	vpush v5, $0xF;
	s5 =	sshra.s32 s20, $0x1F;
	s24 =	smulhi.u32 $0x431BDE83, s23  }
0xd0: {  	(v2sf) =	vpush v5, $0x9;
	s25 =	spop (v2sf);
	s10 =	smul.u32 $0x431BDE83, s5  }
0xd1: {  	[smem:$0x7C8] =	sst s21;
	s5 =	sshra.s32 s23, $0x1F;
	s26 =	smulhi.u32 $0x431BDE83, s25  }
0xd2: {  	s31 =	spop (v2sf);
	s9 =	smul.u32 $0x431BDE83, s5  }
0xd3: {  	(v2sf) =	vpush v5, $0x8;
	[smem:$0x7C9] =	sst s24;
	s5 =	sshra.s32 s25, $0x1F;
	s20 =	smulhi.u32 $0x431BDE83, s31  }
0xd4: {  	(v2sf) =	vpush v5, $0xA;
	s21 =	spop (v2sf);
	s1 =	smul.u32 $0x431BDE83, s5  }
0xd5: {  	[smem:$0x7CA] =	sst s26;
	s5 =	sshra.s32 s31, $0x1F;
	s23 =	smulhi.u32 $0x431BDE83, s21  }
0xd6: {  	[smem:$0x7CB] =	sst s20;
	s26 =	smul.u32 $0x431BDE83, s5;
	s5 =	sshra.s32 s21, $0x1F  }
0xd7: {  	s31 =	smul.u32 $0x431BDE83, s5;
	s24 =	spop (v2sf)  }
0xd8: {  	(v2sf) =	vpush v5, $0xB;
	[smem:$0x7CC] =	sst s23;
	s25 =	smulhi.u32 $0x431BDE83, s24;
	s5 =	sshra.s32 s24, $0x1F  }
0xd9: {  	s17 =	spop (v2sf);
	s12 =	smul.u32 $0x431BDE83, s5  }
0xda: {  	s20 =	smulhi.u32 $0x431BDE83, s17;
	s0 =	sshra.s32 s17, $0x1F;
	s5 =	sld [smem:$0x7C6]  }
0xdb: {  	s21 =	spop (v2sf);
	s17 =	sadd.s32 s16, s6;
	s6 =	sld [smem:$0x7C7]  }
0xdc: {  	[smem:$0x7CD] =	sst s25;
	s0 =	smul.u32 $0x431BDE83, s0  }
0xdd: {  	s28 =	sadd.s32 s28, s8;
	s23 =	smulhi.u32 $0x431BDE83, s21;
	[smem:$0x7CE] =	sst s12  }
0xde: {  	s24 =	sadd.s32 s4, s2;
	s25 =	spop (v2sf);
	[smem:$0x7CF] =	sst s20  }
0xdf: {  	(v2sf) =	vpush v5, $0x0;
	s20 =	sadd.s32 s7, s3;
	s2 =	spop (v2sf);
	s3 =	sld [smem:$0x7C5]  }
0xe0: {  	s30 =	sadd.s32 s30, s18;
	[smem:$0x7D1] =	sst s23;
	s23 =	smulhi.u32 $0x431BDE83, s25  }
0xe1: {  	[smem:$0x7D0] =	sst s0;
	s0 =	sshra.s32 s21, $0x1F;
	s18 =	smulhi.u32 $0x431BDE83, s2  }
0xe2: {  	s14 =	sadd.s32 s14, s11;
	s4 =	spop (v2sf);
	s21 =	smul.u32 $0x431BDE83, s0  }
0xe3: {  	s0 =	sshra.s32 s25, $0x1F;
	s12 =	smulhi.u32 $0x431BDE83, s4;
	s7 =	spop (v2sf)  }
0xe4: {  	s22 =	sadd.s32 s22, s13;
	s25 =	sld [smem:$0x7C8];
	s16 =	smul.u32 $0x431BDE83, s0  }
0xe5: {  	s0 =	sshra.s32 s2, $0x1F;
	s29 =	sadd.s32 s29, s3;
	s11 =	smulhi.u32 $0x431BDE83, s7  }
0xe6: {  	s3 =	sld [smem:$0x7C9];
	s13 =	smul.u32 $0x431BDE83, s0;
	s0 =	sshra.s32 s4, $0x1F  }
0xe7: {  	(v2sf) =	vpush v5, $0x1;
	s15 =	sadd.s32 s15, s5;
	s4 =	spop (v2sf);
	s8 =	smul.u32 $0x431BDE83, s0  }
0xe8: {  	s10 =	sadd.s32 s10, s25;
	s0 =	sshra.s32 s7, $0x1F;
	s25 =	sld [smem:$0x7CB]  }
0xe9: {  	s7 =	sld [smem:$0x7CA];
	s5 =	smulhi.u32 $0x431BDE83, s4;
	s16 =	sadd.s32 s16, s23  }
0xea: {  	s19 =	sadd.s32 s19, s6;
	s6 =	smul.u32 $0x431BDE83, s0;
	[smem:$0x7D5] =	sst s16  }
0xeb: {  	(v2sf) =	vpush v5, $0x2;
	s8 =	sadd.s32 s8, s12;
	s26 =	sadd.s32 s26, s25;
	s25 =	sld [smem:$0x7CC]  }
0xec: {  	s0 =	sshra.s32 s4, $0x1F;
	[smem:$0x7D6] =	sst s8;
	s6 =	sadd.s32 s6, s11  }
0xed: {  	s9 =	sadd.s32 s9, s3;
	s4 =	smul.u32 $0x431BDE83, s0;
	[smem:$0x7D7] =	sst s6  }
0xee: {  	s2 =	spop (v2sf);
	s31 =	sadd.s32 s31, s25;
	s25 =	sld [smem:$0x7CE]  }
0xef: {  	s3 =	smulhi.u32 $0x431BDE83, s2;
	s0 =	sshra.s32 s2, $0x1F;
	s2 =	sld [smem:$0x7CD]  }
0xf0: {  	s4 =	sadd.s32 s4, s5;
	s6 =	sld [smem:$0x7D2]  }
0xf1: {  	s18 =	sadd.s32 s13, s18;
	s13 =	sshra.s32 s20, $0x12;
	[smem:$0x7D8] =	sst s4  }
0xf2: {  	s7 =	sadd.s32 s1, s7;
	s1 =	sadd.s32 s25, s2;
	s25 =	sld [smem:$0x7D0]  }
0xf3: {  	s5 =	sshra.s32 s24, $0x12;
	s4 =	sshrl.u32 s29, $0x1F;
	[dreg:$0x1c] =	wrdreg s1  }
0xf4: {  	(v2sf) =	vpush v5, $0x3;
	s11 =	sshra.s32 s31, $0x1F;
	s2 =	smul.u32 $0x431BDE83, s0;
	s1 =	sld [smem:$0x7CF]  }
0xf5: {  	(v2sf) =	vpush v5, $0x4;
	v19 =	vmov s4;
	s4 =	sshra.s32 s15, $0x1F;
	s12 =	sshra.s32 s6, $0x12;
	v17 =	vmov s11;
	s11 =	sshra.s32 s29, $0x1F  }
0xf6: {  	s0 =	spop (v2sf);
	s3 =	sadd.s32 s2, s3;
	s2 =	sshrl.u32 s6, $0x1F  }
0xf7: {  	(v2sf) =	vpush v5, $0x5;
	s6 =	sshrl.u32 s24, $0x1F;
	s1 =	sadd.s32 s25, s1;
	s25 =	sld [smem:$0x7D1]  }
0xf8: {  	s24 =	sshrl.u32 s28, $0x1F;
	s28 =	sshra.s32 s28, $0x12;
	v18 =	vmov s6;
	s6 =	sshrl.u32 s19, $0x1F  }
0xf9: {  	(v2sf) =	vpush v5, $0x6;
	[smem:$0x7D3] =	sst s1;
	s1 =	smulhi.u32 $0x431BDE83, s0;
	s0 =	sshra.s32 s0, $0x1F  }
0xfa: {  	s0 =	smul.u32 $0x431BDE83, s0;
	s21 =	sadd.s32 s21, s25;
	s25 =	spop (v2sf)  }
0xfb: {  	(v2sf) =	vpush v5, $0x7;
	v7 =	vsel vm0, s2, v18;
	s2 =	sshrl.u32 s10, $0x1F;
	[smem:$0x7D4] =	sst s21;
	s16 =	smulhi.u32 $0x431BDE83, s25  }
0xfc: {  	s21 =	sshra.s32 s25, $0x1F;
	s23 =	sadd.s32 s0, s1;
	s1 =	sshra.s32 s14, $0x12  }
0xfd: {  	v21 =	vmov s5;
	s0 =	sshra.s32 s29, $0x12;
	s29 =	sshrl.u32 s15, $0x1F;
	s25 =	smul.u32 $0x431BDE83, s21  }
0xfe: {  	v8 =	vnsel vm3, $0x0, v19;
	v10 =	vsel vm0, s12, v21;
	s21 =	sshrl.u32 s20, $0x1F;
	s20 =	sshrl.u32 s17, $0x1F;
	s17 =	sshra.s32 s17, $0x12;
	v22 =	vmov s1  }
0xff: {  	v10 =	vsel vm1, s13, v10;
	v6 =	vsel vm3, s0, v17;
	s0 =	sshra.s32 s15, $0x12;
	s15 =	sshra.s32 s10, $0x12;
	v11 =	vsel vm0, s28, v22;
	s28 =	sld [smem:$0x7D6]  }
0x100: {  	v8 =	vsel vm0, s29, v8;
	s29 =	sshrl.u32 s9, $0x1F;
	v6 =	vsel vm9, s11, v6;
	s11 =	sshra.s32 s19, $0x12;
	v10 =	vsel vm2, s17, v10;
	s17 =	sld [smem:$0x7D7]  }
0x101: {  	s8 =	sadd.s32 s25, s16;
	s25 =	sshrl.u32 s14, $0x1F;
	s14 =	sshrl.u32 s22, $0x1F  }
0x102: {  	v7 =	vsel vm1, s21, v7;
	s16 =	sshra.s32 s22, $0x12;
	s22 =	sshrl.u32 s30, $0x1F;
	s30 =	sshra.s32 s30, $0x12  }
0x103: {  	v8 =	vsel vm1, s6, v8;
	v6 =	vsel vm0, s0, v6;
	s0 =	sshra.s32 s19, $0x1F;
	s19 =	sshra.s32 s9, $0x12;
	v7 =	vsel vm2, s20, v7;
	s20 =	spop (v2sf)  }
0x104: {  	s9 =	sshra.s32 s9, $0x1F;
	v8 =	vsel vm2, s2, v8;
	v6 =	vsel vm10, s4, v6;
	s4 =	sshra.s32 s10, $0x1F;
	s21 =	spop (v2sf)  }
0x105: {  	v20 =	vmov s25;
	v8 =	vsel vm4, s29, v8;
	s29 =	sshrl.u32 s26, $0x1F;
	s10 =	sshra.s32 s31, $0x12;
	s5 =	sshra.s32 s20, $0x1F  }
0x106: {  	v11 =	vsel vm1, s16, v11;
	v6 =	vsel vm1, s11, v6;
	s11 =	sshrl.u32 s7, $0x1F;
	v9 =	vsel vm0, s24, v20;
	s6 =	spop (v2sf);
	s24 =	sshrl.u32 s31, $0x1F  }
0x107: {  	s5 =	smul.u32 $0x431BDE83, s5;
	s16 =	sshrl.u32 s17, $0x1F;
	v11 =	vsel vm2, s30, v11;
	s30 =	sshra.s32 s21, $0x1F  }
0x108: {  	v6 =	vsel vm11, s0, v6;
	s0 =	sshra.s32 s7, $0x12;
	v9 =	vsel vm1, s14, v9;
	s2 =	spop (v2sf);
	s14 =	smulhi.u32 $0x431BDE83, s20  }
0x109: {  	s7 =	sshra.s32 s7, $0x1F;
	s20 =	sld [smem:$0x7D5];
	s12 =	smul.u32 $0x431BDE83, s30  }
0x10a: {  	v8 =	vsel vm5, s11, v8;
	v6 =	vsel vm2, s15, v6;
	s15 =	sshra.s32 s26, $0x12;
	v9 =	vsel vm2, s22, v9;
	s25 =	spop (v2sf);
	s22 =	sld [smem:$0x7D4]  }
0x10b: {  	v8 =	vsel vm6, s29, v8;
	s30 =	smulhi.u32 $0x431BDE83, s2;
	v6 =	vsel vm12, s4, v6;
	s4 =	sshra.s32 s26, $0x1F;
	s26 =	sshra.s32 s25, $0x1F  }
0x10c: {  	s2 =	sshra.s32 s2, $0x1F;
	v8 =	vsel vm7, s24, v8;
	s24 =	rddreg [dreg:$0x1c];
	v6 =	vsel vm4, s19, v6;
	s29 =	smul.u32 $0x431BDE83, s26  }
0x10d: {  	v23 =	vcombine.low v11, v10;
	s5 =	sadd.s32 s5, s14;
	v6 =	vsel vm13, s9, v6;
	s9 =	smulhi.u32 $0x431BDE83, s25;
	s25 =	sld [smem:$0x7D3]  }
0x10e: {  	v7 =	vcombine.low v9, v7;
	s14 =	sshra.s32 s23, $0x12;
	s2 =	smul.u32 $0x431BDE83, s2;
	s26 =	smov.u32 s18;
	v6 =	vsel vm5, s0, v6  }
0x10f: {  	v9 =	vperm.xlane v23, v0;
	s19 =	sshrl.u32 s18, $0x1F;
	s18 =	sld [smem:$0x7D8];
	v6 =	vsel vm14, s7, v6;
	s1 =	sadd.s32 s29, s9  }
0x110: {  	v8 =	vperm.xlane v8, v1;
	v7 =	vperm.xlane v7, v0;
	s2 =	sadd.s32 s2, s30;
	s31 =	sshrl.u32 s25, $0x1F;
	v6 =	vsel vm6, s15, v6;
	s29 =	sshra.s32 s1, $0x1F  }
0x111: {  	s15 =	sshrl.u32 s28, $0x1F;
	s30 =	sshra.s32 s25, $0x12;
	v6 =	vsel vm15, s4, v6;
	v24 =	vmov s31;
	v25 =	vmov s29;
	s31 =	sshra.s32 s3, $0x12  }
0x112: {  	s11 =	sshrl.u32 s24, $0x1F;
	s4 =	sshrl.u32 s3, $0x1F;
	s3 =	sshra.s32 s3, $0x1F;
	v27 =	vmov s15;
	v28 =	vmov s30;
	v11 =	vsel vm3, s31, v25  }
0x113: {  	s13 =	sshrl.u32 s20, $0x1F;
	s7 =	sshrl.u32 s22, $0x1F;
	s0 =	sshrl.u32 s18, $0x1F;
	v6 =	vsel vm7, s10, v6;
	v10 =	vsel vm0, s11, v24;
	v11 =	vsel vm9, s3, v11  }
0x114: {  	s9 =	sshrl.u32 s23, $0x1F;
	s29 =	sshra.s32 s23, $0x1F;
	s11 =	smulhi.u32 $0x431BDE83, s21;
	v26 =	vmov s4;
	v13 =	vsel vm0, s19, v27;
	v11 =	vsel vm0, s14, v11  }
0x115: {  	s4 =	smulhi.u32 $0x431BDE83, s6;
	s6 =	sshra.s32 s6, $0x1F;
	s31 =	sshra.s32 s8, $0x12;
	v6 =	vperm.xlane v6, v1;
	v12 =	vnsel vm3, $0x0, v26;
	v11 =	vsel vm10, s29, v11  }
0x116: {  	s10 =	sshrl.u32 s8, $0x1F;
	v10 =	vsel vm1, s7, v10;
	s6 =	smul.u32 $0x431BDE83, s6;
	v12 =	vsel vm0, s9, v12;
	s14 =	sshra.s32 s8, $0x1F;
	v11 =	vsel vm1, s31, v11  }
0x117: {  	s21 =	sshrl.u32 s5, $0x1F;
	s19 =	sshra.s32 s5, $0x12;
	v10 =	vsel vm2, s13, v10;
	s13 =	sadd.s32 s12, s11;
	v12 =	vsel vm1, s10, v12;
	v11 =	vsel vm11, s14, v11  }
0x118: {  	v13 =	vsel vm1, s16, v13;
	s15 =	sshrl.u32 s13, $0x1F;
	s4 =	sadd.s32 s6, s4;
	v12 =	vsel vm2, s21, v12;
	s21 =	sshra.s32 s5, $0x1F;
	v11 =	vsel vm2, s19, v11  }
0x119: {  	v13 =	vsel vm2, s0, v13;
	s29 =	sshra.s32 s13, $0x12;
	s6 =	sshrl.u32 s4, $0x1F;
	v12 =	vsel vm4, s15, v12;
	v11 =	vsel vm12, s21, v11  }
0x11a: {  	s7 =	sshra.s32 s24, $0x12;
	v10 =	vcombine.low v13, v10;
	s31 =	sshra.s32 s28, $0x12;
	v12 =	vsel vm5, s6, v12;
	s6 =	sshra.s32 s13, $0x1F;
	v11 =	vsel vm4, s29, v11  }
0x11b: {  	s8 =	sshra.s32 s26, $0x12;
	v13 =	vsel vm0, s7, v28;
	s10 =	sshra.s32 s22, $0x12;
	s9 =	sshra.s32 s4, $0x12;
	v29 =	vmov s31;
	v11 =	vsel vm13, s6, v11  }
0x11c: {  	s23 =	sshrl.u32 s2, $0x1F;
	s11 =	sshra.s32 s17, $0x12;
	s12 =	sshra.s32 s4, $0x1F;
	v13 =	vsel vm1, s10, v13;
	v14 =	vsel vm0, s8, v29;
	v11 =	vsel vm5, s9, v11  }
0x11d: {  	s14 =	sshra.s32 s18, $0x12;
	s15 =	sshra.s32 s2, $0x12;
	s13 =	sshra.s32 s20, $0x12;
	v12 =	vsel vm6, s23, v12;
	v14 =	vsel vm1, s11, v14;
	v11 =	vsel vm14, s12, v11  }
0x11e: {  	s16 =	sshrl.u32 s1, $0x1F;
	s17 =	sshra.s32 s2, $0x1F;
	v13 =	vsel vm2, s13, v13;
	v14 =	vsel vm2, s14, v14;
	v11 =	vsel vm6, s15, v11  }
0x11f: {  	s18 =	sshra.s32 s1, $0x12;
	v12 =	vsel vm7, s16, v12;
	v13 =	vcombine.low v14, v13;
	v11 =	vsel vm15, s17, v11  }
0x120: {  	v10 =	vperm.xlane v10, v0;
	v12 =	vperm.xlane v12, v1;
	v11 =	vsel vm7, s18, v11  }
0x121: {  	v13 =	vperm.xlane v13, v0;
	v11 =	vperm.xlane v11, v1  }
0x122: {  	v7 =	vsel vm8, v8, v7;
	v6 =	vsel vm8, v6, v9  }
0x123: {  	v6 =	vadd.s32 v7, v6;
	v30 =	vsel vm8, v12, v10;
	v31 =	vsel vm8, v11, v13  }
0x124: {  	v6 =	vmul.u32 $0xF4240, v6;
	v7 =	vadd.s32 v30, v31  }
0x125: {  	v7 =	vmul.u32 $0xF4240, v7  }
0x126: {  	s19 =	rddreg [dreg:$0x13];
	v4 =	vsub.s32 v4, v6  }
0x127: {  	[tilespmem:s19+$0xFFFFFC10] =	vst v4;
	v4 =	vsub.s32 v5, v7  }
0x128: {  	s20 =	rddreg [dreg:$0x14];
	[tilespmem:s19+$0x10] =	vst v4  }
0x129: {  	v4 =	vld [tilespmem:s20+$0x0];
	_ =	sdelay $0x4  }
0x12a: {  	v4 =	vmul.u32 $0x9E3779B1, v4;
	_ =	sdelay $0x1  }
0x12b: {  	v5 =	vshrl.u32 v4, $0x10  }
0x12c: {  	v4 =	vxor.u32 v4, v5  }
0x12d: {  	v4 =	vmul.u32 $0x45D9F3B, v4;
	_ =	sdelay $0x1  }
0x12e: {  	v5 =	vshrl.u32 v4, $0x10  }
0x12f: {  	v4 =	vxor.u32 v4, v5  }
0x130: {  	v5 =	vmulhi.u32 $0x431BDE83, v4;
	_ =	sdelay $0x1  }
0x131: {  	v5 =	vshrl.u32 v5, $0x13  }
0x132: {  	v5 =	vmul.u32 $0x1E8480, v5;
	_ =	sdelay $0x1  }
0x133: {  	v4 =	vsub.s32 v4, v5  }
0x134: {  	v5 =	vadd.s32 $0xFFF0BDC0, v4  }
0x135: {  	v5 =	vmin.u32 v4, v5  }
0x136: {  	v4 =	vadd.s32 v2, v5  }
0x137: {  	(v2sf) =	vpush v4, $0xD;
	_ =	sdelay $0x1  }
0x138: {  	(v2sf) =	vpush v4, $0xC;
	_ =	sdelay $0x1  }
0x139: {  	(v2sf) =	vpush v4, $0xE  }
0x13a: {  	(v2sf) =	vpush v4, $0xF;
	_ =	sdelay $0x1  }
0x13b: {  	(v2sf) =	vpush v4, $0x9;
	_ =	sdelay $0x2  }
0x13c: {  	(v2sf) =	vpush v4, $0x8;
	_ =	sdelay $0x1  }
0x13d: {  	(v2sf) =	vpush v4, $0xA;
	_ =	sdelay $0x1  }
0x13e: {  	(v2sf) =	vpush v4, $0xB  }
0x13f: {  	s21 =	spop (v2sf)  }
0x140: {  	(v2sf) =	vpush v4, $0x0;
	s0 =	smulhi.u32 $0x431BDE83, s21;
	s1 =	sshra.s32 s21, $0x1F  }
0x141: {  	s22 =	spop (v2sf);
	s12 =	smul.u32 $0x431BDE83, s1  }
0x142: {  	(v2sf) =	vpush v4, $0x1;
	s2 =	smulhi.u32 $0x431BDE83, s22;
	s3 =	sshra.s32 s22, $0x1F  }
0x143: {  	s23 =	spop (v2sf);
	(v2sf) =	vpush v4, $0x2;
	s4 =	smul.u32 $0x431BDE83, s3  }
0x144: {  	s3 =	smulhi.u32 $0x431BDE83, s23;
	s5 =	sshra.s32 s23, $0x1F;
	s24 =	spop (v2sf);
	(v2sf) =	vpush v4, $0x3  }
0x145: {  	s7 =	smul.u32 $0x431BDE83, s5  }
0x146: {  	s6 =	smulhi.u32 $0x431BDE83, s24;
	s5 =	sshra.s32 s24, $0x1F;
	s25 =	spop (v2sf);
	(v2sf) =	vpush v4, $0x4  }
0x147: {  	s16 =	smul.u32 $0x431BDE83, s5  }
0x148: {  	s8 =	smulhi.u32 $0x431BDE83, s25;
	s5 =	sshra.s32 s25, $0x1F  }
0x149: {  	s26 =	spop (v2sf);
	(v2sf) =	vpush v4, $0x5;
	s28 =	smul.u32 $0x431BDE83, s5  }
0x14a: {  	s11 =	smulhi.u32 $0x431BDE83, s26;
	s5 =	sshra.s32 s26, $0x1F  }
0x14b: {  	s29 =	spop (v2sf);
	(v2sf) =	vpush v4, $0x6;
	s14 =	smul.u32 $0x431BDE83, s5  }
0x14c: {  	s13 =	smulhi.u32 $0x431BDE83, s29;
	s5 =	sshra.s32 s29, $0x1F  }
0x14d: {  	s30 =	spop (v2sf);
	(v2sf) =	vpush v4, $0x7;
	s22 =	smul.u32 $0x431BDE83, s5  }
0x14e: {  	s18 =	smulhi.u32 $0x431BDE83, s30;
	s5 =	sshra.s32 s30, $0x1F  }
0x14f: {  	v5 =	vadd.s32 v3, v5;
	s0 =	sadd.s32 s12, s0;
	s30 =	smul.u32 $0x431BDE83, s5;
	s31 =	spop (v2sf)  }
0x150: {  	[smem:$0x7E6] =	sst s0;
	(v2sf) =	vpush v5, $0xD;
	s9 =	smulhi.u32 $0x431BDE83, s31;
	s5 =	sshra.s32 s31, $0x1F  }
0x151: {  	s10 =	spop (v2sf);
	s29 =	smul.u32 $0x431BDE83, s5  }
0x152: {  	(v2sf) =	vpush v5, $0xC;
	s15 =	smulhi.u32 $0x431BDE83, s10;
	s17 =	spop (v2sf)  }
0x153: {  	s5 =	sshra.s32 s10, $0x1F;
	s19 =	smulhi.u32 $0x431BDE83, s17;
	s20 =	spop (v2sf)  }
0x154: {  	(v2sf) =	vpush v5, $0xE;
	[smem:$0x7DA] =	sst s15;
	s15 =	smul.u32 $0x431BDE83, s5  }
0x155: {  	s5 =	sshra.s32 s17, $0x1F;
	s21 =	smulhi.u32 $0x431BDE83, s20;
	s23 =	spop (v2sf)  }
0x156: {  	[smem:$0x7DB] =	sst s19;
	s19 =	smul.u32 $0x431BDE83, s5  }
0x157: {  	[smem:$0x7D9] =	sst s9;
	(v2sf) =	vpush v5, $0xF;
	s5 =	sshra.s32 s20, $0x1F;
	s24 =	smulhi.u32 $0x431BDE83, s23  }
0x158: {  	(v2sf) =	vpush v5, $0x9;
	s25 =	spop (v2sf);
	s10 =	smul.u32 $0x431BDE83, s5  }
0x159: {  	[smem:$0x7DC] =	sst s21;
	s5 =	sshra.s32 s23, $0x1F;
	s26 =	smulhi.u32 $0x431BDE83, s25  }
0x15a: {  	s31 =	spop (v2sf);
	s9 =	smul.u32 $0x431BDE83, s5  }
0x15b: {  	(v2sf) =	vpush v5, $0x8;
	[smem:$0x7DD] =	sst s24;
	s5 =	sshra.s32 s25, $0x1F;
	s20 =	smulhi.u32 $0x431BDE83, s31  }
0x15c: {  	(v2sf) =	vpush v5, $0xA;
	s21 =	spop (v2sf);
	s1 =	smul.u32 $0x431BDE83, s5  }
0x15d: {  	[smem:$0x7DE] =	sst s26;
	s5 =	sshra.s32 s31, $0x1F;
	s23 =	smulhi.u32 $0x431BDE83, s21  }
0x15e: {  	[smem:$0x7DF] =	sst s20;
	s26 =	smul.u32 $0x431BDE83, s5;
	s5 =	sshra.s32 s21, $0x1F  }
0x15f: {  	s31 =	smul.u32 $0x431BDE83, s5;
	s24 =	spop (v2sf)  }
0x160: {  	(v2sf) =	vpush v5, $0xB;
	[smem:$0x7E0] =	sst s23;
	s25 =	smulhi.u32 $0x431BDE83, s24;
	s5 =	sshra.s32 s24, $0x1F  }
0x161: {  	s17 =	spop (v2sf);
	s12 =	smul.u32 $0x431BDE83, s5  }
0x162: {  	s20 =	smulhi.u32 $0x431BDE83, s17;
	s0 =	sshra.s32 s17, $0x1F;
	s5 =	sld [smem:$0x7DA]  }
0x163: {  	s21 =	spop (v2sf);
	s17 =	sadd.s32 s16, s6;
	s6 =	sld [smem:$0x7DB]  }
0x164: {  	[smem:$0x7E1] =	sst s25;
	s0 =	smul.u32 $0x431BDE83, s0  }
0x165: {  	s28 =	sadd.s32 s28, s8;
	s23 =	smulhi.u32 $0x431BDE83, s21;
	[smem:$0x7E2] =	sst s12  }
0x166: {  	s24 =	sadd.s32 s4, s2;
	s25 =	spop (v2sf);
	[smem:$0x7E3] =	sst s20  }
0x167: {  	(v2sf) =	vpush v5, $0x0;
	s20 =	sadd.s32 s7, s3;
	s2 =	spop (v2sf);
	s3 =	sld [smem:$0x7D9]  }
0x168: {  	s30 =	sadd.s32 s30, s18;
	[smem:$0x7E5] =	sst s23;
	s23 =	smulhi.u32 $0x431BDE83, s25  }
0x169: {  	[smem:$0x7E4] =	sst s0;
	s0 =	sshra.s32 s21, $0x1F;
	s18 =	smulhi.u32 $0x431BDE83, s2  }
0x16a: {  	s14 =	sadd.s32 s14, s11;
	s4 =	spop (v2sf);
	s21 =	smul.u32 $0x431BDE83, s0  }
0x16b: {  	s0 =	sshra.s32 s25, $0x1F;
	s12 =	smulhi.u32 $0x431BDE83, s4;
	s7 =	spop (v2sf)  }
0x16c: {  	s22 =	sadd.s32 s22, s13;
	s25 =	sld [smem:$0x7DC];
	s16 =	smul.u32 $0x431BDE83, s0  }
0x16d: {  	s0 =	sshra.s32 s2, $0x1F;
	s29 =	sadd.s32 s29, s3;
	s11 =	smulhi.u32 $0x431BDE83, s7  }
0x16e: {  	s3 =	sld [smem:$0x7DD];
	s13 =	smul.u32 $0x431BDE83, s0;
	s0 =	sshra.s32 s4, $0x1F  }
0x16f: {  	(v2sf) =	vpush v5, $0x1;
	s15 =	sadd.s32 s15, s5;
	s4 =	spop (v2sf);
	s8 =	smul.u32 $0x431BDE83, s0  }
0x170: {  	s10 =	sadd.s32 s10, s25;
	s0 =	sshra.s32 s7, $0x1F;
	s25 =	sld [smem:$0x7DF]  }
0x171: {  	s7 =	sld [smem:$0x7DE];
	s5 =	smulhi.u32 $0x431BDE83, s4;
	s16 =	sadd.s32 s16, s23  }
0x172: {  	s19 =	sadd.s32 s19, s6;
	s6 =	smul.u32 $0x431BDE83, s0;
	[smem:$0x7E9] =	sst s16  }
0x173: {  	s8 =	sadd.s32 s8, s12;
	s26 =	sadd.s32 s26, s25;
	s25 =	sld [smem:$0x7E0]  }
0x174: {  	(v2sf) =	vpush v5, $0x2;
	s0 =	sshra.s32 s4, $0x1F;
	[smem:$0x7EA] =	sst s8;
	s6 =	sadd.s32 s6, s11  }
0x175: {  	s9 =	sadd.s32 s9, s3;
	s4 =	smul.u32 $0x431BDE83, s0;
	[smem:$0x7EB] =	sst s6  }
0x176: {  	s2 =	spop (v2sf);
	s31 =	sadd.s32 s31, s25;
	s25 =	sld [smem:$0x7E2]  }
0x177: {  	s3 =	smulhi.u32 $0x431BDE83, s2;
	s0 =	sshra.s32 s2, $0x1F;
	s2 =	sld [smem:$0x7E1]  }
0x178: {  	s4 =	sadd.s32 s4, s5;
	s6 =	sld [smem:$0x7E6]  }
0x179: {  	s18 =	sadd.s32 s13, s18;
	[smem:$0x7EC] =	sst s4  }
0x17a: {  	s7 =	sadd.s32 s1, s7;
	s1 =	sadd.s32 s25, s2;
	s25 =	sld [smem:$0x7E4]  }
0x17b: {  	s13 =	sshra.s32 s20, $0x12;
	s5 =	sshra.s32 s24, $0x12;
	[dreg:$0x1d] =	wrdreg s1  }
0x17c: {  	s4 =	sshrl.u32 s29, $0x1F;
	s2 =	smul.u32 $0x431BDE83, s0;
	s1 =	sld [smem:$0x7E3]  }
0x17d: {  	(v2sf) =	vpush v5, $0x3;
	v34 =	vmov s4;
	s4 =	sshra.s32 s15, $0x1F;
	s12 =	sshra.s32 s6, $0x12;
	s11 =	sshra.s32 s31, $0x1F  }
0x17e: {  	(v2sf) =	vpush v5, $0x4;
	v32 =	vmov s11;
	s11 =	sshra.s32 s29, $0x1F;
	s0 =	spop (v2sf);
	s3 =	sadd.s32 s2, s3  }
0x17f: {  	(v2sf) =	vpush v5, $0x5;
	s2 =	sshrl.u32 s6, $0x1F;
	s1 =	sadd.s32 s25, s1;
	s25 =	sld [smem:$0x7E5]  }
0x180: {  	s6 =	sshrl.u32 s24, $0x1F;
	s24 =	sshrl.u32 s28, $0x1F;
	s28 =	sshra.s32 s28, $0x12  }
0x181: {  	(v2sf) =	vpush v5, $0x6;
	[smem:$0x7E7] =	sst s1;
	s1 =	smulhi.u32 $0x431BDE83, s0;
	s0 =	sshra.s32 s0, $0x1F  }
0x182: {  	v33 =	vmov s6;
	s6 =	sshrl.u32 s19, $0x1F;
	s0 =	smul.u32 $0x431BDE83, s0;
	s21 =	sadd.s32 s21, s25  }
0x183: {  	(v2sf) =	vpush v5, $0x7;
	v7 =	vsel vm0, s2, v33;
	s2 =	sshrl.u32 s10, $0x1F;
	s25 =	spop (v2sf);
	[smem:$0x7E8] =	sst s21  }
0x184: {  	s16 =	smulhi.u32 $0x431BDE83, s25;
	s21 =	sshra.s32 s25, $0x1F;
	s23 =	sadd.s32 s0, s1  }
0x185: {  	v36 =	vmov s5;
	s1 =	sshra.s32 s14, $0x12;
	s0 =	sshra.s32 s29, $0x12;
	s29 =	sshrl.u32 s15, $0x1F  }
0x186: {  	v8 =	vnsel vm3, $0x0, v34;
	v10 =	vsel vm0, s12, v36;
	s25 =	smul.u32 $0x431BDE83, s21;
	s21 =	sshrl.u32 s20, $0x1F;
	s20 =	sshrl.u32 s17, $0x1F  }
0x187: {  	v10 =	vsel vm1, s13, v10;
	s17 =	sshra.s32 s17, $0x12;
	v6 =	vsel vm3, s0, v32;
	s0 =	sshra.s32 s15, $0x12;
	s15 =	sshra.s32 s10, $0x12;
	v37 =	vmov s1  }
0x188: {  	v8 =	vsel vm0, s29, v8;
	s29 =	sshrl.u32 s7, $0x1F;
	v6 =	vsel vm9, s11, v6;
	s11 =	sshra.s32 s19, $0x12;
	v11 =	vsel vm0, s28, v37;
	s28 =	sld [smem:$0x7EA]  }
0x189: {  	v10 =	vsel vm2, s17, v10;
	s17 =	sld [smem:$0x7EB];
	s8 =	sadd.s32 s25, s16;
	s25 =	sshrl.u32 s14, $0x1F  }
0x18a: {  	s14 =	sshrl.u32 s22, $0x1F;
	s16 =	sshra.s32 s22, $0x12;
	s22 =	sshrl.u32 s30, $0x1F  }
0x18b: {  	v7 =	vsel vm1, s21, v7;
	s30 =	sshra.s32 s30, $0x12;
	v6 =	vsel vm0, s0, v6;
	s0 =	sshra.s32 s19, $0x1F;
	s19 =	sshra.s32 s9, $0x12  }
0x18c: {  	v8 =	vsel vm1, s6, v8;
	v7 =	vsel vm2, s20, v7;
	s20 =	spop (v2sf);
	v6 =	vsel vm10, s4, v6;
	s4 =	sshra.s32 s10, $0x1F;
	s10 =	sshrl.u32 s9, $0x1F  }
0x18d: {  	v8 =	vsel vm2, s2, v8;
	s9 =	sshra.s32 s9, $0x1F;
	v35 =	vmov s25;
	s21 =	spop (v2sf);
	s25 =	sshrl.u32 s26, $0x1F  }
0x18e: {  	s5 =	sshra.s32 s20, $0x1F;
	v8 =	vsel vm4, s10, v8;
	s6 =	spop (v2sf);
	s10 =	sshra.s32 s31, $0x12  }
0x18f: {  	v11 =	vsel vm1, s16, v11;
	v6 =	vsel vm1, s11, v6;
	v9 =	vsel vm0, s24, v35;
	s24 =	rddreg [dreg:$0x1d];
	s5 =	smul.u32 $0x431BDE83, s5;
	s16 =	sshrl.u32 s17, $0x1F  }
0x190: {  	v6 =	vsel vm11, s0, v6;
	s0 =	sshra.s32 s7, $0x12;
	s7 =	sshra.s32 s7, $0x1F;
	s2 =	spop (v2sf)  }
0x191: {  	v9 =	vsel vm1, s14, v9;
	v8 =	vsel vm5, s29, v8;
	s14 =	smulhi.u32 $0x431BDE83, s20;
	s11 =	sshrl.u32 s24, $0x1F;
	s20 =	sld [smem:$0x7E9]  }
0x192: {  	v6 =	vsel vm2, s15, v6;
	s15 =	sshra.s32 s26, $0x12;
	v8 =	vsel vm6, s25, v8;
	s29 =	spop (v2sf);
	s25 =	sld [smem:$0x7E7]  }
0x193: {  	v11 =	vsel vm2, s30, v11;
	v6 =	vsel vm12, s4, v6;
	s4 =	sshra.s32 s26, $0x1F;
	s26 =	sshrl.u32 s31, $0x1F;
	s31 =	sshra.s32 s29, $0x1F  }
0x194: {  	v38 =	vcombine.low v11, v10;
	v9 =	vsel vm2, s22, v9;
	s22 =	sld [smem:$0x7E8];
	s5 =	sadd.s32 s5, s14;
	v6 =	vsel vm4, s19, v6;
	s12 =	smul.u32 $0x431BDE83, s31  }
0x195: {  	v7 =	vcombine.low v9, v7;
	s14 =	sshra.s32 s21, $0x1F;
	s13 =	sshrl.u32 s20, $0x1F;
	v6 =	vsel vm13, s9, v6;
	s9 =	smulhi.u32 $0x431BDE83, s29  }
0x196: {  	v9 =	vperm.xlane v38, v0;
	v8 =	vsel vm7, s26, v8;
	s26 =	smov.u32 s18;
	s19 =	sshrl.u32 s18, $0x1F;
	s18 =	sld [smem:$0x7EC]  }
0x197: {  	s31 =	sshrl.u32 s3, $0x1F;
	s29 =	sshrl.u32 s25, $0x1F;
	v7 =	vperm.xlane v7, v0;
	v8 =	vperm.xlane v8, v1;
	s1 =	sadd.s32 s12, s9  }
0x198: {  	s30 =	sshrl.u32 s5, $0x1F;
	v41 =	vmov s31;
	s31 =	sshra.s32 s23, $0x1F;
	v6 =	vsel vm5, s0, v6;
	v39 =	vmov s29;
	s12 =	sshra.s32 s1, $0x1F  }
0x199: {  	s29 =	sshra.s32 s23, $0x12;
	v6 =	vsel vm14, s7, v6;
	v10 =	vsel vm0, s11, v39;
	s11 =	smulhi.u32 $0x431BDE83, s21;
	s21 =	sshra.s32 s3, $0x12;
	v40 =	vmov s12  }
0x19a: {  	v12 =	vnsel vm3, $0x0, v41;
	s7 =	sshrl.u32 s22, $0x1F;
	s9 =	sshrl.u32 s23, $0x1F;
	s3 =	sshra.s32 s3, $0x1F;
	v6 =	vsel vm6, s15, v6;
	v11 =	vsel vm3, s21, v40  }
0x19b: {  	s0 =	sshrl.u32 s18, $0x1F;
	s15 =	sshrl.u32 s28, $0x1F;
	v10 =	vsel vm1, s7, v10;
	v12 =	vsel vm0, s9, v12;
	s12 =	smul.u32 $0x431BDE83, s14;
	v11 =	vsel vm9, s3, v11  }
0x19c: {  	s9 =	sshra.s32 s25, $0x12;
	v6 =	vsel vm15, s4, v6;
	s4 =	smulhi.u32 $0x431BDE83, s6;
	s6 =	sshra.s32 s6, $0x1F;
	v10 =	vsel vm2, s13, v10;
	v11 =	vsel vm0, s29, v11  }
0x19d: {  	s14 =	smulhi.u32 $0x431BDE83, s2;
	s2 =	sshra.s32 s2, $0x1F;
	v42 =	vmov s15;
	v43 =	vmov s9;
	s21 =	sshra.s32 s8, $0x12;
	v11 =	vsel vm10, s31, v11  }
0x19e: {  	v6 =	vsel vm7, s10, v6;
	s10 =	sshrl.u32 s8, $0x1F;
	s6 =	smul.u32 $0x431BDE83, s6;
	v13 =	vsel vm0, s19, v42;
	s29 =	sshra.s32 s8, $0x1F;
	v11 =	vsel vm1, s21, v11  }
0x19f: {  	s13 =	sshra.s32 s24, $0x12;
	s2 =	smul.u32 $0x431BDE83, s2;
	v6 =	vperm.xlane v6, v1;
	v12 =	vsel vm1, s10, v12;
	s31 =	sshra.s32 s5, $0x12;
	v11 =	vsel vm11, s29, v11  }
0x1a0: {  	s23 =	sadd.s32 s12, s11;
	v13 =	vsel vm1, s16, v13;
	s11 =	sshra.s32 s28, $0x12;
	v12 =	vsel vm2, s30, v12;
	s5 =	sshra.s32 s5, $0x1F;
	v11 =	vsel vm2, s31, v11  }
0x1a1: {  	s30 =	sshrl.u32 s23, $0x1F;
	s4 =	sadd.s32 s6, s4;
	v13 =	vsel vm2, s0, v13;
	s8 =	sshra.s32 s23, $0x12;
	v44 =	vmov s11;
	v11 =	vsel vm12, s5, v11  }
0x1a2: {  	s2 =	sadd.s32 s2, s14;
	s12 =	sshra.s32 s23, $0x1F;
	s14 =	sshra.s32 s26, $0x12;
	v12 =	vsel vm4, s30, v12;
	v10 =	vcombine.low v13, v10;
	v11 =	vsel vm4, s8, v11  }
0x1a3: {  	s16 =	sshra.s32 s22, $0x12;
	s6 =	sshrl.u32 s4, $0x1F;
	s15 =	sshra.s32 s4, $0x12;
	v13 =	vsel vm0, s13, v43;
	v14 =	vsel vm0, s14, v44;
	v11 =	vsel vm13, s12, v11  }
0x1a4: {  	s17 =	sshra.s32 s17, $0x12;
	s7 =	sshrl.u32 s2, $0x1F;
	s19 =	sshra.s32 s4, $0x1F;
	v12 =	vsel vm5, s6, v12;
	v13 =	vsel vm1, s16, v13;
	v11 =	vsel vm5, s15, v11  }
0x1a5: {  	s22 =	sshra.s32 s18, $0x12;
	s23 =	sshra.s32 s2, $0x12;
	s21 =	sshra.s32 s20, $0x12;
	v14 =	vsel vm1, s17, v14;
	v12 =	vsel vm6, s7, v12;
	v11 =	vsel vm14, s19, v11  }
0x1a6: {  	s24 =	sshrl.u32 s1, $0x1F;
	s25 =	sshra.s32 s2, $0x1F;
	v13 =	vsel vm2, s21, v13;
	v14 =	vsel vm2, s22, v14;
	v11 =	vsel vm6, s23, v11  }
0x1a7: {  	s26 =	sshra.s32 s1, $0x12;
	v12 =	vsel vm7, s24, v12;
	v13 =	vcombine.low v14, v13;
	v11 =	vsel vm15, s25, v11  }
0x1a8: {  	v10 =	vperm.xlane v10, v0;
	v12 =	vperm.xlane v12, v1;
	v11 =	vsel vm7, s26, v11  }
0x1a9: {  	v13 =	vperm.xlane v13, v0;
	v11 =	vperm.xlane v11, v1  }
0x1aa: {  	v7 =	vsel vm8, v8, v7;
	v6 =	vsel vm8, v6, v9  }
0x1ab: {  	v6 =	vadd.s32 v7, v6;
	v45 =	vsel vm8, v12, v10;
	v46 =	vsel vm8, v11, v13  }
0x1ac: {  	v6 =	vmul.u32 $0xF4240, v6;
	v7 =	vadd.s32 v45, v46  }
0x1ad: {  	v7 =	vmul.u32 $0xF4240, v7  }
0x1ae: {  	s28 =	rddreg [dreg:$0x13];
	v4 =	vsub.s32 v4, v6  }
0x1af: {  	[tilespmem:s28+$0xFFFFFC20] =	vst v4;
	v4 =	vsub.s32 v5, v7  }
0x1b0: {  	s29 =	rddreg [dreg:$0x14];
	[tilespmem:s28+$0x20] =	vst v4  }
0x1b1: {  	v4 =	vld [tilespmem:s29+$0x10];
	_ =	sdelay $0x4  }
0x1b2: {  	v4 =	vmul.u32 $0x9E3779B1, v4;
	_ =	sdelay $0x1  }
0x1b3: {  	v5 =	vshrl.u32 v4, $0x10  }
0x1b4: {  	v4 =	vxor.u32 v4, v5  }
0x1b5: {  	v4 =	vmul.u32 $0x45D9F3B, v4;
	_ =	sdelay $0x1  }
0x1b6: {  	v5 =	vshrl.u32 v4, $0x10  }
0x1b7: {  	v4 =	vxor.u32 v4, v5  }
0x1b8: {  	v5 =	vmulhi.u32 $0x431BDE83, v4;
	_ =	sdelay $0x1  }
0x1b9: {  	v5 =	vshrl.u32 v5, $0x13  }
0x1ba: {  	v5 =	vmul.u32 $0x1E8480, v5;
	_ =	sdelay $0x1  }
0x1bb: {  	v4 =	vsub.s32 v4, v5  }
0x1bc: {  	v5 =	vadd.s32 $0xFFF0BDC0, v4  }
0x1bd: {  	v5 =	vmin.u32 v4, v5  }
0x1be: {  	v4 =	vadd.s32 v2, v5  }
0x1bf: {  	(v2sf) =	vpush v4, $0xD;
	_ =	sdelay $0x1  }
0x1c0: {  	(v2sf) =	vpush v4, $0xC;
	_ =	sdelay $0x1  }
0x1c1: {  	(v2sf) =	vpush v4, $0xE;
	_ =	sdelay $0x1  }
0x1c2: {  	(v2sf) =	vpush v4, $0xF;
	_ =	sdelay $0x1  }
0x1c3: {  	(v2sf) =	vpush v4, $0x9;
	_ =	sdelay $0x1  }
0x1c4: {  	(v2sf) =	vpush v4, $0x8;
	_ =	sdelay $0x1  }
0x1c5: {  	(v2sf) =	vpush v4, $0xA;
	_ =	sdelay $0x1  }
0x1c6: {  	(v2sf) =	vpush v4, $0xB  }
0x1c7: {  	s30 =	spop (v2sf)  }
0x1c8: {  	(v2sf) =	vpush v4, $0x0;
	s4 =	smulhi.u32 $0x431BDE83, s30;
	s1 =	sshra.s32 s30, $0x1F  }
0x1c9: {  	s31 =	spop (v2sf);
	s7 =	smul.u32 $0x431BDE83, s1  }
0x1ca: {  	(v2sf) =	vpush v4, $0x1;
	s1 =	smulhi.u32 $0x431BDE83, s31;
	s3 =	sshra.s32 s31, $0x1F  }
0x1cb: {  	s0 =	spop (v2sf);
	s16 =	smul.u32 $0x431BDE83, s3  }
0x1cc: {  	(v2sf) =	vpush v4, $0x2;
	s8 =	smulhi.u32 $0x431BDE83, s0;
	s5 =	sshra.s32 s0, $0x1F  }
0x1cd: {  	s2 =	spop (v2sf);
	s17 =	smul.u32 $0x431BDE83, s5  }
0x1ce: {  	(v2sf) =	vpush v4, $0x3;
	s11 =	smulhi.u32 $0x431BDE83, s2;
	s5 =	sshra.s32 s2, $0x1F  }
0x1cf: {  	s3 =	spop (v2sf);
	s28 =	smul.u32 $0x431BDE83, s5  }
0x1d0: {  	(v2sf) =	vpush v4, $0x4;
	s12 =	smulhi.u32 $0x431BDE83, s3;
	s5 =	sshra.s32 s3, $0x1F  }
0x1d1: {  	s6 =	spop (v2sf);
	s22 =	smul.u32 $0x431BDE83, s5  }
0x1d2: {  	(v2sf) =	vpush v4, $0x5;
	s18 =	smulhi.u32 $0x431BDE83, s6;
	s5 =	sshra.s32 s6, $0x1F  }
0x1d3: {  	s9 =	spop (v2sf);
	s29 =	smul.u32 $0x431BDE83, s5  }
0x1d4: {  	(v2sf) =	vpush v4, $0x6;
	s20 =	smulhi.u32 $0x431BDE83, s9;
	s13 =	sshra.s32 s9, $0x1F  }
0x1d5: {  	s10 =	spop (v2sf);
	s15 =	smul.u32 $0x431BDE83, s13  }
0x1d6: {  	(v2sf) =	vpush v4, $0x7;
	s13 =	smulhi.u32 $0x431BDE83, s10;
	s14 =	sshra.s32 s10, $0x1F  }
0x1d7: {  	s30 =	smul.u32 $0x431BDE83, s14;
	s19 =	spop (v2sf)  }
0x1d8: {  	v5 =	vadd.s32 v3, v5;
	s21 =	smulhi.u32 $0x431BDE83, s19;
	s14 =	sshra.s32 s19, $0x1F  }
0x1d9: {  	(v2sf) =	vpush v5, $0xD;
	s23 =	spop (v2sf);
	s10 =	smul.u32 $0x431BDE83, s14  }
0x1da: {  	s24 =	smulhi.u32 $0x431BDE83, s23;
	s14 =	sshra.s32 s23, $0x1F  }
0x1db: {  	(v2sf) =	vpush v5, $0xC;
	s25 =	spop (v2sf);
	s9 =	smul.u32 $0x431BDE83, s14  }
0x1dc: {  	[smem:$0x7ED] =	sst s21;
	s26 =	smulhi.u32 $0x431BDE83, s25;
	s14 =	sshra.s32 s25, $0x1F  }
0x1dd: {  	(v2sf) =	vpush v5, $0xE;
	s31 =	spop (v2sf);
	s5 =	smul.u32 $0x431BDE83, s14  }
0x1de: {  	[smem:$0x7EE] =	sst s24;
	s2 =	smulhi.u32 $0x431BDE83, s31;
	s14 =	sshra.s32 s31, $0x1F  }
0x1df: {  	(v2sf) =	vpush v5, $0xF;
	s3 =	spop (v2sf);
	s6 =	smul.u32 $0x431BDE83, s14  }
0x1e0: {  	[smem:$0x7EF] =	sst s26;
	s19 =	smulhi.u32 $0x431BDE83, s3;
	s14 =	sshra.s32 s3, $0x1F  }
0x1e1: {  	(v2sf) =	vpush v5, $0x9;
	s21 =	spop (v2sf);
	s3 =	smul.u32 $0x431BDE83, s14  }
0x1e2: {  	[smem:$0x7F0] =	sst s2;
	s23 =	smulhi.u32 $0x431BDE83, s21;
	s14 =	sshra.s32 s21, $0x1F  }
0x1e3: {  	(v2sf) =	vpush v5, $0x8;
	s24 =	spop (v2sf);
	s26 =	smul.u32 $0x431BDE83, s14  }
0x1e4: {  	[smem:$0x7F1] =	sst s19;
	s25 =	smulhi.u32 $0x431BDE83, s24;
	s14 =	sshra.s32 s24, $0x1F  }
0x1e5: {  	(v2sf) =	vpush v5, $0xA;
	s2 =	spop (v2sf);
	s31 =	smul.u32 $0x431BDE83, s14  }
0x1e6: {  	[smem:$0x7F2] =	sst s23;
	s19 =	smulhi.u32 $0x431BDE83, s2;
	s14 =	sshra.s32 s2, $0x1F  }
0x1e7: {  	[smem:$0x7F3] =	sst s25;
	s2 =	smul.u32 $0x431BDE83, s14  }
0x1e8: {  	s17 =	sadd.s32 s17, s8;
	[smem:$0x7F4] =	sst s31;
	s21 =	spop (v2sf)  }
0x1e9: {  	[smem:$0x7F5] =	sst s19;
	s23 =	smulhi.u32 $0x431BDE83, s21;
	s14 =	sshra.s32 s21, $0x1F  }
0x1ea: {  	s28 =	sadd.s32 s28, s11;
	s24 =	spop (v2sf);
	s31 =	smul.u32 $0x431BDE83, s14  }
0x1eb: {  	s19 =	sadd.s32 s16, s1;
	s25 =	smulhi.u32 $0x431BDE83, s24;
	s0 =	sshra.s32 s24, $0x1F  }
0x1ec: {  	s21 =	sadd.s32 s7, s4;
	s7 =	spop (v2sf);
	s1 =	smul.u32 $0x431BDE83, s0  }
0x1ed: {  	[smem:$0x7F6] =	sst s23;
	s8 =	smulhi.u32 $0x431BDE83, s7;
	s0 =	sshra.s32 s7, $0x1F  }
0x1ee: {  	s22 =	sadd.s32 s22, s12;
	s11 =	spop (v2sf);
	s24 =	smul.u32 $0x431BDE83, s0  }
0x1ef: {  	(v2sf) =	vpush v5, $0xB;
	[smem:$0x7F7] =	sst s25;
	s25 =	smulhi.u32 $0x431BDE83, s11;
	s0 =	sshra.s32 s11, $0x1F  }
0x1f0: {  	s15 =	sadd.s32 s15, s20;
	s14 =	spop (v2sf);
	s23 =	smul.u32 $0x431BDE83, s0  }
0x1f1: {  	s12 =	sld [smem:$0x7EF];
	s20 =	smulhi.u32 $0x431BDE83, s14;
	s0 =	sshra.s32 s14, $0x1F  }
0x1f2: {  	s29 =	sadd.s32 s29, s18;
	s16 =	spop (v2sf);
	s18 =	smul.u32 $0x431BDE83, s0  }
0x1f3: {  	s14 =	smulhi.u32 $0x431BDE83, s16;
	s0 =	sshra.s32 s16, $0x1F;
	s16 =	sld [smem:$0x7F0]  }
0x1f4: {  	s30 =	sadd.s32 s30, s13;
	(v2sf) =	vpush v5, $0x0;
	s11 =	spop (v2sf);
	s13 =	smul.u32 $0x431BDE83, s0  }
0x1f5: {  	s5 =	sadd.s32 s5, s12;
	s4 =	sld [smem:$0x7F4];
	s12 =	smulhi.u32 $0x431BDE83, s11  }
0x1f6: {  	s0 =	sshra.s32 s11, $0x1F;
	s11 =	sadd.s32 s6, s16;
	s16 =	sld [smem:$0x7F1]  }
0x1f7: {  	s7 =	sld [smem:$0x7ED]  }
0x1f8: {  	[smem:$0x7F8] =	sst s8  }
0x1f9: {  	(v2sf) =	vpush v5, $0x1;
	s16 =	sadd.s32 s3, s16;
	s3 =	sld [smem:$0x7F3]  }
0x1fa: {  	s8 =	sld [smem:$0x7EE]  }
0x1fb: {  	(v2sf) =	vpush v5, $0x2;
	s10 =	sadd.s32 s10, s7  }
0x1fc: {  	s23 =	sadd.s32 s23, s25;
	s25 =	sshrl.u32 s15, $0x1F;
	s3 =	sadd.s32 s4, s3  }
0x1fd: {  	s9 =	sadd.s32 s9, s8;
	s8 =	smul.u32 $0x431BDE83, s0;
	[smem:$0x7F9] =	sst s3  }
0x1fe: {  	s15 =	sshra.s32 s15, $0x12;
	s6 =	spop (v2sf);
	s3 =	sld [smem:$0x7F5]  }
0x1ff: {  	s7 =	smulhi.u32 $0x431BDE83, s6;
	s0 =	sshra.s32 s6, $0x1F;
	s6 =	sld [smem:$0x7F2]  }
0x200: {  	[smem:$0x7FC] =	sst s23;
	s23 =	sadd.s32 s13, s14;
	s13 =	sshrl.u32 s17, $0x1F  }
0x201: {  	s14 =	sshrl.u32 s28, $0x1F;
	s3 =	sadd.s32 s2, s3;
	s2 =	sld [smem:$0x7F6]  }
0x202: {  	s12 =	sadd.s32 s8, s12;
	s26 =	sadd.s32 s26, s6;
	s6 =	smul.u32 $0x431BDE83, s0  }
0x203: {  	s8 =	sshra.s32 s28, $0x12;
	s28 =	sshrl.u32 s30, $0x1F;
	s0 =	spop (v2sf)  }
0x204: {  	s6 =	sadd.s32 s6, s7;
	s2 =	sadd.s32 s31, s2;
	s31 =	sld [smem:$0x7F7]  }
0x205: {  	s7 =	sshra.s32 s19, $0x12;
	s4 =	smulhi.u32 $0x431BDE83, s0;
	[smem:$0x7FD] =	sst s6  }
0x206: {  	(v2sf) =	vpush v5, $0x3;
	s0 =	sshra.s32 s0, $0x1F;
	s6 =	sshrl.u32 s19, $0x1F;
	[dreg:$0x17] =	wrdreg s3  }
0x207: {  	s3 =	smul.u32 $0x431BDE83, s0;
	s1 =	sadd.s32 s1, s31;
	s31 =	sld [smem:$0x7F8]  }
0x208: {  	s19 =	sshra.s32 s22, $0x12;
	s0 =	spop (v2sf);
	[dreg:$0x19] =	wrdreg s2  }
0x209: {  	s2 =	smulhi.u32 $0x431BDE83, s0;
	s0 =	sshra.s32 s0, $0x1F;
	[smem:$0x7FA] =	sst s1  }
0x20a: {  	(v2sf) =	vpush v5, $0x4;
	s1 =	smul.u32 $0x431BDE83, s0;
	s0 =	spop (v2sf);
	s24 =	sadd.s32 s24, s31  }
0x20b: {  	(v2sf) =	vpush v5, $0x5;
	[smem:$0x7FB] =	sst s24;
	s24 =	smulhi.u32 $0x431BDE83, s0;
	s0 =	sshra.s32 s0, $0x1F  }
0x20c: {  	s3 =	sadd.s32 s3, s4;
	(v2sf) =	vpush v5, $0x6;
	s31 =	sadd.s32 s18, s20;
	s0 =	smul.u32 $0x431BDE83, s0  }
0x20d: {  	(v2sf) =	vpush v5, $0x7;
	s4 =	sadd.s32 s1, s2;
	s2 =	sshrl.u32 s21, $0x1F;
	s18 =	sshrl.u32 s22, $0x1F  }
0x20e: {  	v48 =	vmov s6;
	s22 =	sshra.s32 s29, $0x12;
	s20 =	sadd.s32 s0, s24;
	s0 =	sshrl.u32 s10, $0x1F  }
0x20f: {  	s6 =	sshra.s32 s10, $0x12;
	s1 =	sshra.s32 s17, $0x12;
	s17 =	sshrl.u32 s9, $0x1F;
	v7 =	vsel vm0, s2, v48;
	v52 =	vmov s22;
	v47 =	vmov s0  }
0x210: {  	s2 =	sshra.s32 s9, $0x12;
	s22 =	sld [smem:$0x7FA];
	v7 =	vsel vm1, s13, v7;
	s13 =	sshra.s32 s5, $0x12;
	v11 =	vsel vm0, s19, v52;
	v6 =	vnsel vm3, $0x0, v47  }
0x211: {  	v7 =	vsel vm2, s14, v7;
	s14 =	sshrl.u32 s26, $0x1F;
	v11 =	vsel vm1, s15, v11;
	s15 =	sshrl.u32 s23, $0x1F;
	s0 =	sshrl.u32 s5, $0x1F;
	v6 =	vsel vm0, s17, v6  }
0x212: {  	s24 =	sshra.s32 s21, $0x12;
	s21 =	sshrl.u32 s29, $0x1F;
	s17 =	sshrl.u32 s11, $0x1F;
	v6 =	vsel vm1, s0, v6  }
0x213: {  	v51 =	vmov s7;
	s29 =	sshra.s32 s30, $0x12;
	v54 =	vmov s15;
	s15 =	sld [smem:$0x7FC];
	s0 =	sshrl.u32 s16, $0x1F;
	v6 =	vsel vm2, s17, v6  }
0x214: {  	s10 =	sshra.s32 s10, $0x1F;
	s30 =	sshra.s32 s9, $0x1F;
	v10 =	vsel vm0, s24, v51;
	v6 =	vsel vm4, s0, v6;
	s0 =	rddreg [dreg:$0x17]  }
0x215: {  	s5 =	sshra.s32 s5, $0x1F;
	v49 =	vmov s21;
	s21 =	spop (v2sf);
	v11 =	vsel vm2, s29, v11;
	v10 =	vsel vm1, s1, v10;
	s17 =	sshra.s32 s0, $0x1F  }
0x216: {  	s29 =	sshrl.u32 s31, $0x1F;
	v8 =	vsel vm0, s18, v49;
	v10 =	vsel vm2, s8, v10;
	s8 =	sshrl.u32 s22, $0x1F;
	v50 =	vmov s17;
	s17 =	sld [smem:$0x7F9]  }
0x217: {  	s31 =	sshra.s32 s31, $0x12;
	s18 =	sshra.s32 s11, $0x12;
	v8 =	vsel vm1, s25, v8;
	v53 =	vmov s8;
	s8 =	rddreg [dreg:$0x19]  }
0x218: {  	s11 =	sshra.s32 s11, $0x1F;
	v8 =	vsel vm2, s28, v8;
	s28 =	sshra.s32 s21, $0x1F;
	s24 =	sshrl.u32 s8, $0x1F  }
0x219: {  	v12 =	vsel vm0, s24, v53;
	s24 =	sshra.s32 s22, $0x12;
	v6 =	vsel vm5, s14, v6;
	s14 =	spop (v2sf);
	v9 =	vsel vm3, s6, v50;
	s9 =	sshrl.u32 s17, $0x1F  }
0x21a: {  	s25 =	sshrl.u32 s0, $0x1F;
	v55 =	vmov s24;
	s24 =	sshra.s32 s14, $0x1F;
	v9 =	vsel vm9, s10, v9;
	v6 =	vsel vm6, s9, v6;
	s9 =	spop (v2sf)  }
0x21b: {  	s10 =	sshra.s32 s26, $0x1F;
	v9 =	vsel vm0, s2, v9;
	s2 =	smul.u32 $0x431BDE83, s28;
	s6 =	spop (v2sf)  }
0x21c: {  	s28 =	sshra.s32 s26, $0x12;
	v9 =	vsel vm10, s30, v9;
	v6 =	vsel vm7, s25, v6;
	s25 =	smulhi.u32 $0x431BDE83, s21;
	s0 =	spop (v2sf)  }
0x21d: {  	s30 =	sshrl.u32 s15, $0x1F;
	v9 =	vsel vm1, s13, v9;
	s19 =	smulhi.u32 $0x431BDE83, s0;
	s7 =	sshra.s32 s0, $0x1F  }
0x21e: {  	v56 =	vcombine.low v11, v10;
	s21 =	sshra.s32 s16, $0x12;
	s16 =	sshra.s32 s16, $0x1F;
	v9 =	vsel vm11, s5, v9;
	s13 =	smul.u32 $0x431BDE83, s7  }
0x21f: {  	v7 =	vcombine.low v8, v7;
	v9 =	vsel vm2, s18, v9;
	s18 =	sld [smem:$0x7FB];
	s1 =	sadd.s32 s2, s25;
	s0 =	sshrl.u32 s12, $0x1F  }
0x220: {  	v13 =	vsel vm0, s29, v54;
	v8 =	vperm.xlane v56, v0;
	s25 =	sshra.s32 s8, $0x12;
	s8 =	sshra.s32 s3, $0x12;
	s2 =	sadd.s32 s13, s19  }
0x221: {  	v7 =	vperm.xlane v7, v0;
	v6 =	vperm.xlane v6, v1;
	s12 =	sshra.s32 s12, $0x12;
	s7 =	sshra.s32 s17, $0x12;
	v9 =	vsel vm12, s11, v9;
	s29 =	sshra.s32 s2, $0x1F  }
0x222: {  	v13 =	vsel vm1, s0, v13;
	v14 =	vsel vm0, s25, v55;
	s11 =	sshra.s32 s15, $0x12;
	s15 =	sshra.s32 s3, $0x1F;
	s3 =	sshrl.u32 s3, $0x1F;
	v16 =	vmov s29  }
0x223: {  	s0 =	sld [smem:$0x7FD];
	s25 =	sshra.s32 s20, $0x12;
	v9 =	vsel vm4, s21, v9;
	v60 =	vmov s3;
	s26 =	sshrl.u32 s18, $0x1F;
	v16 =	vsel vm3, s8, v16  }
0x224: {  	s19 =	sshra.s32 s4, $0x12;
	v9 =	vsel vm13, s16, v9;
	s13 =	smulhi.u32 $0x431BDE83, s6;
	v12 =	vsel vm1, s26, v12;
	s26 =	sshra.s32 s23, $0x12;
	v16 =	vsel vm9, s15, v16  }
0x225: {  	v12 =	vsel vm2, s30, v12;
	v15 =	vmov s26;
	s30 =	sshra.s32 s18, $0x12;
	s18 =	sshrl.u32 s4, $0x1F;
	s4 =	sshra.s32 s4, $0x1F;
	v57 =	vsel vm0, s19, v16  }
0x226: {  	s17 =	sshra.s32 s17, $0x1F;
	s21 =	sshrl.u32 s0, $0x1F;
	s23 =	smulhi.u32 $0x431BDE83, s14;
	v9 =	vsel vm5, s28, v9;
	v15 =	vsel vm0, s31, v15;
	v10 =	vsel vm10, s4, v57  }
0x227: {  	s22 =	sshra.s32 s0, $0x12;
	v13 =	vsel vm2, s21, v13;
	s29 =	sshra.s32 s20, $0x1F;
	v15 =	vsel vm1, s12, v15;
	s12 =	smul.u32 $0x431BDE83, s24;
	v10 =	vsel vm1, s25, v10  }
0x228: {  	v9 =	vsel vm14, s10, v9;
	v14 =	vsel vm1, s30, v14;
	s30 =	smulhi.u32 $0x431BDE83, s9;
	s9 =	sshra.s32 s9, $0x1F;
	s31 =	sshra.s32 s1, $0x12;
	v10 =	vsel vm11, s29, v10  }
0x229: {  	v58 =	vcombine.low v13, v12;
	v14 =	vsel vm2, s11, v14;
	s9 =	smul.u32 $0x431BDE83, s9;
	s11 =	sadd.s32 s12, s23;
	s12 =	sshra.s32 s1, $0x1F;
	v10 =	vsel vm2, s31, v10  }
0x22a: {  	s14 =	sshra.s32 s6, $0x1F;
	s21 =	sshrl.u32 s20, $0x1F;
	v13 =	vnsel vm3, $0x0, v60;
	v9 =	vsel vm6, s7, v9;
	s15 =	sshra.s32 s11, $0x12;
	v10 =	vsel vm12, s12, v10  }
0x22b: {  	s5 =	smul.u32 $0x431BDE83, s14;
	v13 =	vsel vm0, s18, v13;
	v9 =	vsel vm15, s17, v9;
	s3 =	sadd.s32 s9, s30;
	s16 =	sshra.s32 s11, $0x1F;
	v10 =	vsel vm4, s15, v10  }
0x22c: {  	s26 =	sshrl.u32 s1, $0x1F;
	v59 =	vsel vm2, s22, v15;
	v13 =	vsel vm1, s21, v13;
	s22 =	rddreg [dreg:$0x17];
	s19 =	sshra.s32 s3, $0x12;
	v10 =	vsel vm13, s16, v10  }
0x22d: {  	v11 =	vperm.xlane v58, v0;
	v13 =	vsel vm2, s26, v13;
	s1 =	sadd.s32 s5, s13;
	s18 =	sshrl.u32 s11, $0x1F;
	s21 =	sshra.s32 s3, $0x1F;
	v10 =	vsel vm5, s19, v10  }
0x22e: {  	v12 =	vcombine.low v59, v14;
	s20 =	sshrl.u32 s3, $0x1F;
	s3 =	sshra.s32 s22, $0x12;
	s24 =	sshra.s32 s1, $0x12;
	v13 =	vsel vm4, s18, v13;
	v10 =	vsel vm14, s21, v10  }
0x22f: {  	s23 =	sshrl.u32 s1, $0x1F;
	s26 =	sshra.s32 s1, $0x1F;
	v9 =	vsel vm7, s3, v9;
	v13 =	vsel vm5, s20, v13;
	v10 =	vsel vm6, s24, v10  }
0x230: {  	s25 =	sshrl.u32 s2, $0x1F;
	s29 =	sshra.s32 s2, $0x12;
	v12 =	vperm.xlane v12, v0;
	v13 =	vsel vm6, s23, v13;
	v10 =	vsel vm15, s26, v10  }
0x231: {  	v9 =	vperm.xlane v9, v1;
	v13 =	vsel vm7, s25, v13;
	v10 =	vsel vm7, s29, v10  }
0x232: {  	s30 =	rddreg [dreg:$0x12];
	v13 =	vperm.xlane v13, v1;
	v10 =	vperm.xlane v10, v1  }
0x233: {  	v6 =	vsel vm8, v6, v7;
	s0 =	sadd.s32 $0x4, s30;
	v61 =	vsel vm8, v9, v8  }
0x234: {  	p0 =	slt.u32 s0, $0x3C;
	v6 =	vadd.s32 v6, v61;
	v62 =	vsel vm8, v13, v11;
	v63 =	vsel vm8, v10, v12  }
.Ltmp0:
0x235: {  	v6 =	vmul.u32 $0xF4240, v6;
	v7 =	vadd.s32 v62, v63;
	(pc) =	sbr.rel @p0 .LBB2_2-.Ltmp0, $4  }
0x236: {  	v7 =	vmul.u32 $0xF4240, v7  }
0x237: {  	s31 =	rddreg [dreg:$0x13];
	v4 =	vsub.s32 v4, v6  }
0x238: {  	s28 =	rddreg [dreg:$0x14];
	s6 =	simm.s32 $0x0;
	s2 =	sadd.s32 $0x40, s31;
	[tilespmem:s31+$0xFFFFFC30] =	vst v4;
	v4 =	vsub.s32 v5, v7  }
0x239: {  	s5 =	simm.s32 $0x1;
	s1 =	sadd.s32 $0x40, s28;
	[dreg:$0x13] =	wrdreg s2;
	[tilespmem:s31+$0x30] =	vst v4  }
.LBB2_3:
0x23a: {  	p0 =	slt.u32 s6, $0x2  }
0x23b: {  	s0 =	simm.s32 @!p0 $0x2  }
0x23c: {  	s1 =	sand.u32 $0x1, s6;
	_ =	swait.ge @!p0 [sflag:s0], $0x4000  }
0x23d: {  	s4 =	simm.s32 $0x400;
	s2 =	sshll.u32 s1, $0xF;
	[sflag:s0] =	ssyncset.done @!p0 $0x0  }
0x23e: {  	s22 =	sadd.s32 $0x1, s6;
	s7 =	sor.u32 $0x1820, s2;
	[sflag:s0] =	ssyncadd.s32 @!p0 $0xFFFFC000  }
0x23f: {  	s2 =	sor.u32 $0x5820, s2;
	_ =	swait.ge @!p0 [sflag:s0], $0x4000;
	[dreg:$0xe] =	wrdreg s7  }
0x240: {  	s25 =	smin.u32 s5, $0xF;
	s28 =	simm.s32 $0x0;
	[dreg:$0xf] =	wrdreg s2  }
0x241: {  	s30 =	simm.s32 $0x3;
	s1 =	sshll.u32 s1, $0xB;
	[dreg:$0xd] =	wrdreg s6  }
0x242: {  	s20 =	sadd.s32 $0x820, s1;
	[dreg:$0x10] =	wrdreg s22;
	[sflag:s0] =	ssyncset.done @!p0 $0x0  }
0x243: {  	s3 =	rddreg [dreg:$0x4];
	[sflag:s0] =	ssyncadd.s32 @!p0 $0xFFFFC000;
	s0 =	smin.u32 s22, $0xF  }
0x244: {  	[tilespmem:s7], [sflag:$0x1] =	stream.indirect.gather [hbm4b:s3+s4], $0x10, s20, s4, $0xb8;
	[tilespmem:$0x11820] =	vst v63  }
0x245: {  	s21 =	sadd.s32 $0xC20, s1;
	s24 =	rddreg [dreg:$0x5];
	s23 =	sshll.u32 s0, $0xA  }
0x246: {  	[dreg:$0xc] =	wrdreg s5;
	s0 =	sand.u32 $0x1, s0;
	s1 =	sor.u32 s24, s23  }
0x247: {  	[tilespmem:s2], [sflag:$0x1] =	stream.indirect.gather [hbm4b:s3+s4], $0x10, s21, s4, $0xb8;
	[tilespmem:$0x11820] =	vst v63  }
0x248: {  	s26 =	rddreg [dreg:$0x0];
	s0 =	sshll.u32 s0, $0xA;
	s1 =	sshrl.u32 s1, $0x3  }
0x249: {  	s2 =	sand.u32 $0x1, s25;
	s0 =	sor.u32 $0x20, s0;
	s1 =	sadd.s32 s26, s1  }
0x24a: {  	[tilespmem:s0], [sflag:$0x3] =	stream.linear.gather [hbm4b:s1+s28], $0x400, $0x38;
	[tilespmem:$0x11820] =	vst v63  }
0x24b: {  	s29 =	sshll.u32 s2, $0xB;
	s31 =	sshll.u32 s2, $0xA;
	_ =	swait.ge [sflag:s30], $0x400  }
0x24c: {  	s0 =	sadd.s32 $0xC20, s29;
	s1 =	simm.s32 $0xFFFFFFFC;
	[sflag:s30] =	ssyncset.done $0x0  }
0x24d: {  	[dreg:$0x11] =	wrdreg s0;
	s0 =	sor.u32 $0x40, s31;
	[sflag:s30] =	ssyncadd.s32 $0xFFFFFC00  }
.LBB2_4:
0x24e: {  	v4 =	vld [tilespmem:s0+$0xFFFFFFE0];
	_ =	sdelay $0x4  }
0x24f: {  	v4 =	vmul.u32 $0x9E3779B1, v4;
	_ =	sdelay $0x1  }
0x250: {  	v5 =	vshrl.u32 v4, $0x10  }
0x251: {  	v4 =	vxor.u32 v4, v5  }
0x252: {  	v4 =	vmul.u32 $0x45D9F3B, v4;
	_ =	sdelay $0x1  }
0x253: {  	v5 =	vshrl.u32 v4, $0x10  }
0x254: {  	v4 =	vxor.u32 v4, v5  }
0x255: {  	v5 =	vmulhi.u32 $0x431BDE83, v4;
	_ =	sdelay $0x1  }
0x256: {  	v5 =	vshrl.u32 v5, $0x13  }
0x257: {  	v5 =	vmul.u32 $0x1E8480, v5;
	_ =	sdelay $0x1  }
0x258: {  	v4 =	vsub.s32 v4, v5  }
0x259: {  	v5 =	vadd.s32 $0xFFF0BDC0, v4  }
0x25a: {  	v5 =	vmin.u32 v4, v5  }
0x25b: {  	v4 =	vadd.s32 v2, v5  }
0x25c: {  	(v2sf) =	vpush v4, $0xD;
	_ =	sdelay $0x1  }
0x25d: {  	(v2sf) =	vpush v4, $0xC;
	_ =	sdelay $0x1  }
0x25e: {  	(v2sf) =	vpush v4, $0xE;
	_ =	sdelay $0x1  }
0x25f: {  	(v2sf) =	vpush v4, $0xF;
	_ =	sdelay $0x1  }
0x260: {  	(v2sf) =	vpush v4, $0x9;
	_ =	sdelay $0x1  }
0x261: {  	(v2sf) =	vpush v4, $0x8;
	_ =	sdelay $0x1  }
0x262: {  	(v2sf) =	vpush v4, $0xA;
	_ =	sdelay $0x1  }
0x263: {  	(v2sf) =	vpush v4, $0xB  }
0x264: {  	s24 =	spop (v2sf)  }
0x265: {  	[dreg:$0x16] =	wrdreg s1;
	(v2sf) =	vpush v4, $0x0;
	s4 =	smulhi.u32 $0x431BDE83, s24;
	s1 =	sshra.s32 s24, $0x1F  }
0x266: {  	s3 =	spop (v2sf);
	s6 =	smul.u32 $0x431BDE83, s1  }
0x267: {  	(v2sf) =	vpush v4, $0x1;
	s1 =	smulhi.u32 $0x431BDE83, s3;
	s3 =	sshra.s32 s3, $0x1F  }
0x268: {  	s5 =	spop (v2sf);
	s14 =	smul.u32 $0x431BDE83, s3  }
0x269: {  	(v2sf) =	vpush v4, $0x2;
	s8 =	smulhi.u32 $0x431BDE83, s5;
	s5 =	sshra.s32 s5, $0x1F  }
0x26a: {  	s25 =	spop (v2sf);
	(v2sf) =	vpush v4, $0x3;
	s7 =	smul.u32 $0x431BDE83, s5  }
0x26b: {  	s13 =	smulhi.u32 $0x431BDE83, s25;
	s5 =	sshra.s32 s25, $0x1F  }
0x26c: {  	s26 =	spop (v2sf);
	(v2sf) =	vpush v4, $0x4;
	s15 =	smul.u32 $0x431BDE83, s5  }
0x26d: {  	s16 =	smulhi.u32 $0x431BDE83, s26;
	s5 =	sshra.s32 s26, $0x1F  }
0x26e: {  	s11 =	spop (v2sf);
	(v2sf) =	vpush v4, $0x5;
	s23 =	smul.u32 $0x431BDE83, s5  }
0x26f: {  	s18 =	smulhi.u32 $0x431BDE83, s11;
	s11 =	sshra.s32 s11, $0x1F  }
0x270: {  	s12 =	spop (v2sf);
	(v2sf) =	vpush v4, $0x6;
	s21 =	smul.u32 $0x431BDE83, s11  }
0x271: {  	s11 =	smulhi.u32 $0x431BDE83, s12;
	s12 =	sshra.s32 s12, $0x1F  }
0x272: {  	s28 =	spop (v2sf);
	s26 =	smul.u32 $0x431BDE83, s12  }
0x273: {  	[dreg:$0x15] =	wrdreg s0;
	s29 =	smulhi.u32 $0x431BDE83, s28;
	s12 =	sshra.s32 s28, $0x1F  }
0x274: {  	s4 =	sadd.s32 s6, s4;
	(v2sf) =	vpush v4, $0x7;
	s28 =	smul.u32 $0x431BDE83, s12;
	s30 =	spop (v2sf)  }
0x275: {  	[smem:$0x76D] =	sst s4;
	s24 =	smulhi.u32 $0x431BDE83, s30;
	s12 =	sshra.s32 s30, $0x1F  }
0x276: {  	s31 =	spop (v2sf);
	s3 =	smul.u32 $0x431BDE83, s12  }
0x277: {  	[smem:$0x75F] =	sst s29;
	s2 =	smulhi.u32 $0x431BDE83, s31;
	s12 =	sshra.s32 s31, $0x1F  }
0x278: {  	v5 =	vadd.s32 v3, v5;
	s5 =	spop (v2sf);
	s22 =	smul.u32 $0x431BDE83, s12  }
0x279: {  	(v2sf) =	vpush v5, $0xD;
	s9 =	smulhi.u32 $0x431BDE83, s5;
	s12 =	sshra.s32 s5, $0x1F;
	s10 =	spop (v2sf)  }
0x27a: {  	(v2sf) =	vpush v5, $0xC;
	[smem:$0x760] =	sst s2;
	s5 =	smul.u32 $0x431BDE83, s12  }
0x27b: {  	s17 =	smulhi.u32 $0x431BDE83, s10;
	s12 =	sshra.s32 s10, $0x1F;
	s19 =	spop (v2sf)  }
0x27c: {  	(v2sf) =	vpush v5, $0xE;
	[smem:$0x761] =	sst s9;
	s10 =	smul.u32 $0x431BDE83, s12  }
0x27d: {  	s20 =	smulhi.u32 $0x431BDE83, s19;
	s12 =	sshra.s32 s19, $0x1F;
	s25 =	spop (v2sf)  }
0x27e: {  	(v2sf) =	vpush v5, $0xF;
	[smem:$0x762] =	sst s17;
	s9 =	smul.u32 $0x431BDE83, s12  }
0x27f: {  	s29 =	smulhi.u32 $0x431BDE83, s25;
	s12 =	sshra.s32 s25, $0x1F;
	s30 =	spop (v2sf)  }
0x280: {  	s26 =	sadd.s32 s26, s11;
	(v2sf) =	vpush v5, $0x9;
	[smem:$0x763] =	sst s20;
	s2 =	smul.u32 $0x431BDE83, s12  }
0x281: {  	(v2sf) =	vpush v5, $0x8;
	s31 =	smulhi.u32 $0x431BDE83, s30;
	s12 =	sshra.s32 s30, $0x1F;
	s11 =	sld [smem:$0x762]  }
0x282: {  	(v2sf) =	vpush v5, $0xA;
	[smem:$0x764] =	sst s29;
	s17 =	smul.u32 $0x431BDE83, s12  }
0x283: {  	s19 =	spop (v2sf);
	[smem:$0x765] =	sst s31  }
0x284: {  	s20 =	smulhi.u32 $0x431BDE83, s19;
	[smem:$0x766] =	sst s17  }
0x285: {  	s17 =	sadd.s32 s15, s13;
	s13 =	sld [smem:$0x763]  }
0x286: {  	s12 =	sshra.s32 s19, $0x1F;
	[smem:$0x767] =	sst s20  }
0x287: {  	(v2sf) =	vpush v5, $0xB;
	s30 =	smul.u32 $0x431BDE83, s12;
	s20 =	sadd.s32 s7, s8;
	s7 =	sld [smem:$0x761]  }
0x288: {  	s9 =	sadd.s32 s9, s13;
	s13 =	sld [smem:$0x765];
	s25 =	spop (v2sf)  }
0x289: {  	s29 =	smulhi.u32 $0x431BDE83, s25;
	s31 =	sshra.s32 s25, $0x1F;
	s6 =	spop (v2sf)  }
0x28a: {  	s25 =	sadd.s32 s14, s1;
	s1 =	sld [smem:$0x75F];
	s0 =	smul.u32 $0x431BDE83, s31  }
0x28b: {  	s12 =	smulhi.u32 $0x431BDE83, s6;
	s14 =	spop (v2sf)  }
0x28c: {  	s23 =	sadd.s32 s23, s16;
	(v2sf) =	vpush v5, $0x0;
	[smem:$0x768] =	sst s29;
	s15 =	smulhi.u32 $0x431BDE83, s14  }
0x28d: {  	s21 =	sadd.s32 s21, s18;
	s16 =	spop (v2sf);
	[smem:$0x769] =	sst s0  }
0x28e: {  	s24 =	sadd.s32 s3, s24;
	[smem:$0x76A] =	sst s12;
	s29 =	smulhi.u32 $0x431BDE83, s16  }
0x28f: {  	s0 =	sshra.s32 s6, $0x1F;
	s31 =	spop (v2sf);
	s6 =	sld [smem:$0x760]  }
0x290: {  	s10 =	sadd.s32 s10, s11;
	s0 =	smul.u32 $0x431BDE83, s0;
	s4 =	spop (v2sf)  }
0x291: {  	s5 =	sadd.s32 s5, s7;
	s18 =	smulhi.u32 $0x431BDE83, s31;
	s8 =	spop (v2sf)  }
0x292: {  	[smem:$0x76B] =	sst s0;
	s0 =	sshra.s32 s14, $0x1F;
	s14 =	smulhi.u32 $0x431BDE83, s4  }
0x293: {  	s28 =	sadd.s32 s28, s1;
	s1 =	sld [smem:$0x764];
	s11 =	smulhi.u32 $0x431BDE83, s8  }
0x294: {  	[smem:$0x76C] =	sst s15;
	s19 =	smul.u32 $0x431BDE83, s0;
	s0 =	sshra.s32 s16, $0x1F  }
0x295: {  	(v2sf) =	vpush v5, $0x1;
	s22 =	sadd.s32 s22, s6;
	s16 =	smul.u32 $0x431BDE83, s0;
	s0 =	sshra.s32 s31, $0x1F  }
0x296: {  	s31 =	spop (v2sf);
	s15 =	smul.u32 $0x431BDE83, s0;
	s0 =	sshra.s32 s4, $0x1F  }
0x297: {  	s6 =	smulhi.u32 $0x431BDE83, s31;
	s4 =	sshra.s32 s31, $0x1F;
	s31 =	sld [smem:$0x766]  }
0x298: {  	(v2sf) =	vpush v5, $0x2;
	s12 =	smul.u32 $0x431BDE83, s0;
	s0 =	sshra.s32 s8, $0x1F;
	s16 =	sadd.s32 s16, s29  }
0x299: {  	s8 =	sadd.s32 s2, s1;
	s4 =	smul.u32 $0x431BDE83, s4;
	[smem:$0x770] =	sst s16  }
0x29a: {  	s7 =	smul.u32 $0x431BDE83, s0;
	s13 =	sadd.s32 s31, s13;
	s31 =	sld [smem:$0x767]  }
0x29b: {  	s4 =	sadd.s32 s4, s6;
	s6 =	sld [smem:$0x76D];
	s1 =	spop (v2sf)  }
0x29c: {  	s3 =	smulhi.u32 $0x431BDE83, s1;
	s0 =	sshra.s32 s1, $0x1F;
	s1 =	sld [smem:$0x768]  }
0x29d: {  	s12 =	sadd.s32 s12, s14;
	s30 =	sadd.s32 s30, s31;
	s31 =	sld [smem:$0x769]  }
0x29e: {  	[smem:$0x771] =	sst s12  }
0x29f: {  	s29 =	sshrl.u32 s25, $0x1F;
	s25 =	sshra.s32 s25, $0x12;
	[smem:$0x773] =	sst s4  }
0x2a0: {  	v7 =	vmov s29;
	s29 =	sshra.s32 s22, $0x1F;
	s2 =	sadd.s32 s31, s1;
	s1 =	sld [smem:$0x76A]  }
0x2a1: {  	s14 =	sshrl.u32 s26, $0x1F;
	s7 =	sadd.s32 s7, s11;
	s31 =	sld [smem:$0x76B]  }
0x2a2: {  	s4 =	sshra.s32 s20, $0x12;
	[smem:$0x772] =	sst s7;
	s12 =	sshra.s32 s30, $0x1F  }
0x2a3: {  	v6 =	vmov s12;
	s12 =	sshra.s32 s24, $0x1F;
	[dreg:$0x1e] =	wrdreg s2;
	s2 =	smul.u32 $0x431BDE83, s0  }
0x2a4: {  	s0 =	spop (v2sf);
	s1 =	sadd.s32 s31, s1;
	s31 =	sld [smem:$0x76C]  }
0x2a5: {  	(v2sf) =	vpush v5, $0x3;
	[smem:$0x76E] =	sst s1;
	s1 =	smulhi.u32 $0x431BDE83, s0;
	s0 =	sshra.s32 s0, $0x1F  }
0x2a6: {  	(v2sf) =	vpush v5, $0x4;
	s11 =	sadd.s32 s2, s3;
	s2 =	sshrl.u32 s6, $0x1F;
	s0 =	smul.u32 $0x431BDE83, s0  }
0x2a7: {  	(v2sf) =	vpush v5, $0x5;
	v10 =	vmov s25;
	s25 =	sld [smem:$0x76E];
	s19 =	sadd.s32 s19, s31;
	s31 =	spop (v2sf)  }
0x2a8: {  	(v2sf) =	vpush v5, $0x6;
	v7 =	vsel vm0, s2, v7;
	s2 =	sshrl.u32 s10, $0x1F;
	[smem:$0x76F] =	sst s19;
	s16 =	smulhi.u32 $0x431BDE83, s31  }
0x2a9: {  	s31 =	sshra.s32 s31, $0x1F;
	s19 =	sadd.s32 s15, s18;
	s3 =	sadd.s32 s0, s1  }
0x2aa: {  	(v2sf) =	vpush v5, $0x7;
	s1 =	sshra.s32 s6, $0x12;
	s18 =	sshra.s32 s17, $0x12;
	s15 =	sshra.s32 s23, $0x12  }
0x2ab: {  	s6 =	sshrl.u32 s24, $0x1F;
	s0 =	sshra.s32 s24, $0x12;
	s31 =	smul.u32 $0x431BDE83, s31  }
0x2ac: {  	s24 =	sshrl.u32 s22, $0x1F;
	v6 =	vsel vm3, s0, v6;
	s0 =	sshra.s32 s22, $0x12;
	s22 =	sshra.s32 s5, $0x12  }
0x2ad: {  	v8 =	vmov s6;
	s6 =	sshra.s32 s10, $0x1F;
	v6 =	vsel vm9, s12, v6;
	s12 =	sshrl.u32 s5, $0x1F;
	s7 =	sadd.s32 s31, s16  }
0x2ae: {  	s31 =	sshrl.u32 s20, $0x1F;
	s20 =	sshrl.u32 s17, $0x1F;
	s17 =	sshrl.u32 s23, $0x1F  }
0x2af: {  	v10 =	vsel vm0, s1, v10;
	s23 =	sshrl.u32 s21, $0x1F;
	s21 =	sshra.s32 s21, $0x12;
	s16 =	sshra.s32 s26, $0x12  }
0x2b0: {  	v8 =	vnsel vm3, $0x0, v8;
	v10 =	vsel vm1, s4, v10;
	s26 =	sshrl.u32 s28, $0x1F;
	s28 =	sshra.s32 s28, $0x12;
	v6 =	vsel vm0, s0, v6;
	s0 =	sshra.s32 s5, $0x1F  }
0x2b1: {  	s5 =	sshra.s32 s10, $0x12;
	v8 =	vsel vm0, s24, v8;
	s24 =	sshra.s32 s9, $0x12;
	s10 =	sshra.s32 s30, $0x12;
	v10 =	vsel vm2, s18, v10;
	v7 =	vsel vm1, s31, v7  }
0x2b2: {  	s18 =	sld [smem:$0x772];
	v6 =	vsel vm10, s29, v6;
	s29 =	sshrl.u32 s9, $0x1F;
	v8 =	vsel vm1, s12, v8;
	s9 =	sshra.s32 s9, $0x1F;
	v9 =	vmov s23  }
0x2b3: {  	s31 =	sshrl.u32 s8, $0x1F;
	s23 =	sshrl.u32 s13, $0x1F;
	v11 =	vmov s21;
	s21 =	sld [smem:$0x770];
	v7 =	vsel vm2, s20, v7;
	v6 =	vsel vm1, s22, v6  }
0x2b4: {  	s20 =	spop (v2sf);
	v8 =	vsel vm2, s2, v8;
	v9 =	vsel vm0, s17, v9;
	s17 =	sshra.s32 s13, $0x12;
	v11 =	vsel vm0, s15, v11;
	s15 =	sshrl.u32 s19, $0x1F  }
0x2b5: {  	v6 =	vsel vm11, s0, v6;
	s0 =	sshra.s32 s8, $0x12;
	s22 =	spop (v2sf);
	v8 =	vsel vm4, s29, v8;
	v9 =	vsel vm1, s14, v9;
	s29 =	sshrl.u32 s30, $0x1F  }
0x2b6: {  	v6 =	vsel vm2, s5, v6;
	s5 =	spop (v2sf);
	v9 =	vsel vm2, s26, v9;
	s26 =	smov.u32 s19;
	s19 =	sld [smem:$0x773]  }
0x2b7: {  	v11 =	vsel vm1, s16, v11;
	v8 =	vsel vm5, s31, v8;
	v6 =	vsel vm12, s6, v6;
	s6 =	sshra.s32 s13, $0x1F;
	s2 =	spop (v2sf);
	s13 =	smulhi.u32 $0x431BDE83, s20  }
0x2b8: {  	v11 =	vsel vm2, s28, v11;
	v8 =	vsel vm6, s23, v8;
	s23 =	sld [smem:$0x76F];
	s28 =	smulhi.u32 $0x431BDE83, s5;
	s5 =	sshra.s32 s5, $0x1F  }
0x2b9: {  	s12 =	sshra.s32 s20, $0x1F;
	s31 =	spop (v2sf);
	s5 =	smul.u32 $0x431BDE83, s5  }
0x2ba: {  	v6 =	vsel vm4, s24, v6;
	s24 =	rddreg [dreg:$0x1e];
	s20 =	smulhi.u32 $0x431BDE83, s31;
	s14 =	sshra.s32 s31, $0x1F  }
0x2bb: {  	s8 =	sshra.s32 s8, $0x1F;
	v7 =	vcombine.low v9, v7;
	v8 =	vsel vm7, s29, v8;
	s29 =	sld [smem:$0x771];
	s30 =	smul.u32 $0x431BDE83, s14  }
0x2bc: {  	v60 =	vcombine.low v11, v10;
	v6 =	vsel vm13, s9, v6;
	s31 =	sshrl.u32 s25, $0x1F;
	s9 =	smul.u32 $0x431BDE83, s12;
	s14 =	sshrl.u32 s24, $0x1F  }
0x2bd: {  	v7 =	vperm.xlane v7, v0;
	v8 =	vperm.xlane v8, v1;
	v6 =	vsel vm5, s0, v6;
	s4 =	sshrl.u32 s23, $0x1F;
	s0 =	sshrl.u32 s19, $0x1F;
	s1 =	sadd.s32 s30, s20  }
0x2be: {  	v9 =	vperm.xlane v60, v0;
	v61 =	vmov s31;
	s31 =	sshra.s32 s22, $0x1F;
	s5 =	sadd.s32 s5, s28;
	v6 =	vsel vm14, s8, v6;
	s12 =	sshra.s32 s1, $0x1F  }
0x2bf: {  	s8 =	sshrl.u32 s21, $0x1F;
	s16 =	sshrl.u32 s29, $0x1F;
	v10 =	vsel vm0, s14, v61;
	v6 =	vsel vm6, s17, v6;
	s20 =	sshra.s32 s11, $0x12;
	v62 =	vmov s12  }
0x2c0: {  	s9 =	sadd.s32 s9, s13;
	s30 =	sshrl.u32 s11, $0x1F;
	s11 =	sshra.s32 s11, $0x1F;
	v10 =	vsel vm1, s4, v10;
	v13 =	vmov s16;
	v11 =	vsel vm3, s20, v62  }
0x2c1: {  	s13 =	smulhi.u32 $0x431BDE83, s22;
	s22 =	sshrl.u32 s7, $0x1F;
	v6 =	vsel vm15, s6, v6;
	v12 =	vmov s30;
	s30 =	sshra.s32 s3, $0x12;
	v11 =	vsel vm9, s11, v11  }
0x2c2: {  	s14 =	smul.u32 $0x431BDE83, s31;
	v10 =	vsel vm2, s8, v10;
	v6 =	vsel vm7, s10, v6;
	s10 =	sshrl.u32 s3, $0x1F;
	s3 =	sshra.s32 s3, $0x1F;
	v11 =	vsel vm0, s30, v11  }
0x2c3: {  	s17 =	sshrl.u32 s18, $0x1F;
	s31 =	sshrl.u32 s9, $0x1F;
	v13 =	vsel vm0, s15, v13;
	v12 =	vnsel vm3, $0x0, v12;
	s11 =	sshra.s32 s7, $0x12;
	v11 =	vsel vm10, s3, v11  }
0x2c4: {  	s28 =	sshra.s32 s9, $0x12;
	s8 =	sshra.s32 s25, $0x12;
	v13 =	vsel vm1, s17, v13;
	v12 =	vsel vm0, s10, v12;
	s20 =	sshra.s32 s7, $0x1F;
	v11 =	vsel vm1, s11, v11  }
0x2c5: {  	s16 =	sadd.s32 s14, s13;
	s13 =	sshra.s32 s26, $0x12;
	s12 =	sshra.s32 s24, $0x12;
	v63 =	vmov s8;
	v12 =	vsel vm1, s22, v12;
	v11 =	vsel vm11, s20, v11  }
0x2c6: {  	s10 =	smulhi.u32 $0x431BDE83, s2;
	s2 =	sshra.s32 s2, $0x1F;
	v13 =	vsel vm2, s0, v13;
	v12 =	vsel vm2, s31, v12;
	s31 =	sshra.s32 s9, $0x1F;
	v11 =	vsel vm2, s28, v11  }
0x2c7: {  	s15 =	sshra.s32 s23, $0x12;
	s2 =	smul.u32 $0x431BDE83, s2;
	s7 =	sshra.s32 s16, $0x12;
	v10 =	vcombine.low v13, v10;
	v13 =	vsel vm0, s12, v63;
	v11 =	vsel vm12, s31, v11  }
0x2c8: {  	v6 =	vperm.xlane v6, v1;
	s22 =	sshrl.u32 s16, $0x1F;
	s9 =	sshra.s32 s29, $0x12;
	v13 =	vsel vm1, s15, v13;
	s11 =	sshra.s32 s16, $0x1F;
	v11 =	vsel vm4, s7, v11  }
0x2c9: {  	s14 =	sshra.s32 s5, $0x12;
	s30 =	sshrl.u32 s5, $0x1F;
	v12 =	vsel vm4, s22, v12;
	s2 =	sadd.s32 s2, s10;
	v14 =	vmov s9;
	v11 =	vsel vm13, s11, v11  }
0x2ca: {  	s17 =	sshra.s32 s5, $0x1F;
	v12 =	vsel vm5, s30, v12;
	s6 =	sshrl.u32 s2, $0x1F;
	v14 =	vsel vm0, s13, v14;
	s16 =	sshra.s32 s18, $0x12;
	v11 =	vsel vm5, s14, v11  }
0x2cb: {  	s19 =	sshra.s32 s19, $0x12;
	s18 =	sshra.s32 s21, $0x12;
	v12 =	vsel vm6, s6, v12;
	v14 =	vsel vm1, s16, v14;
	s20 =	sshra.s32 s2, $0x12;
	v11 =	vsel vm14, s17, v11  }
0x2cc: {  	s21 =	sshrl.u32 s1, $0x1F;
	s22 =	sshra.s32 s2, $0x1F;
	v13 =	vsel vm2, s18, v13;
	v14 =	vsel vm2, s19, v14;
	v11 =	vsel vm6, s20, v11  }
0x2cd: {  	s23 =	sshra.s32 s1, $0x12;
	v12 =	vsel vm7, s21, v12;
	v13 =	vcombine.low v14, v13;
	v11 =	vsel vm15, s22, v11  }
0x2ce: {  	v10 =	vperm.xlane v10, v0;
	v12 =	vperm.xlane v12, v1;
	v11 =	vsel vm7, s23, v11  }
0x2cf: {  	v13 =	vperm.xlane v13, v0;
	v11 =	vperm.xlane v11, v1  }
0x2d0: {  	v7 =	vsel vm8, v8, v7;
	v6 =	vsel vm8, v6, v9  }
0x2d1: {  	v6 =	vadd.s32 v7, v6;
	v15 =	vsel vm8, v12, v10;
	v16 =	vsel vm8, v11, v13  }
0x2d2: {  	v6 =	vmul.u32 $0xF4240, v6;
	v7 =	vadd.s32 v15, v16  }
0x2d3: {  	v7 =	vmul.u32 $0xF4240, v7  }
0x2d4: {  	s24 =	rddreg [dreg:$0x11];
	v4 =	vsub.s32 v4, v6  }
0x2d5: {  	[tilespmem:s24+$0xFFFFFC00] =	vst v4;
	v4 =	vsub.s32 v5, v7  }
0x2d6: {  	s25 =	rddreg [dreg:$0x15];
	[tilespmem:s24+$0x0] =	vst v4  }
0x2d7: {  	v4 =	vld [tilespmem:s25+$0xFFFFFFF0];
	_ =	sdelay $0x4  }
0x2d8: {  	v4 =	vmul.u32 $0x9E3779B1, v4;
	_ =	sdelay $0x1  }
0x2d9: {  	v5 =	vshrl.u32 v4, $0x10  }
0x2da: {  	v4 =	vxor.u32 v4, v5  }
0x2db: {  	v4 =	vmul.u32 $0x45D9F3B, v4;
	_ =	sdelay $0x1  }
0x2dc: {  	v5 =	vshrl.u32 v4, $0x10  }
0x2dd: {  	v4 =	vxor.u32 v4, v5  }
0x2de: {  	v5 =	vmulhi.u32 $0x431BDE83, v4;
	_ =	sdelay $0x1  }
0x2df: {  	v5 =	vshrl.u32 v5, $0x13  }
0x2e0: {  	v5 =	vmul.u32 $0x1E8480, v5;
	_ =	sdelay $0x1  }
0x2e1: {  	v4 =	vsub.s32 v4, v5  }
0x2e2: {  	v5 =	vadd.s32 $0xFFF0BDC0, v4  }
0x2e3: {  	v5 =	vmin.u32 v4, v5  }
0x2e4: {  	v4 =	vadd.s32 v2, v5  }
0x2e5: {  	(v2sf) =	vpush v4, $0xD;
	_ =	sdelay $0x1  }
0x2e6: {  	(v2sf) =	vpush v4, $0xC;
	_ =	sdelay $0x1  }
0x2e7: {  	(v2sf) =	vpush v4, $0xE  }
0x2e8: {  	(v2sf) =	vpush v4, $0xF;
	_ =	sdelay $0x2  }
0x2e9: {  	(v2sf) =	vpush v4, $0x9;
	_ =	sdelay $0x1  }
0x2ea: {  	(v2sf) =	vpush v4, $0x8;
	_ =	sdelay $0x1  }
0x2eb: {  	(v2sf) =	vpush v4, $0xA;
	_ =	sdelay $0x1  }
0x2ec: {  	(v2sf) =	vpush v4, $0xB  }
0x2ed: {  	s26 =	spop (v2sf)  }
0x2ee: {  	(v2sf) =	vpush v4, $0x0;
	s2 =	smulhi.u32 $0x431BDE83, s26;
	s1 =	sshra.s32 s26, $0x1F  }
0x2ef: {  	s28 =	spop (v2sf);
	s6 =	smul.u32 $0x431BDE83, s1  }
0x2f0: {  	(v2sf) =	vpush v4, $0x1;
	s4 =	smulhi.u32 $0x431BDE83, s28;
	s3 =	sshra.s32 s28, $0x1F  }
0x2f1: {  	s29 =	spop (v2sf);
	(v2sf) =	vpush v4, $0x2;
	s12 =	smul.u32 $0x431BDE83, s3  }
0x2f2: {  	s3 =	smulhi.u32 $0x431BDE83, s29;
	s5 =	sshra.s32 s29, $0x1F;
	s30 =	spop (v2sf);
	(v2sf) =	vpush v4, $0x3  }
0x2f3: {  	s7 =	smul.u32 $0x431BDE83, s5  }
0x2f4: {  	s8 =	smulhi.u32 $0x431BDE83, s30;
	s5 =	sshra.s32 s30, $0x1F  }
0x2f5: {  	s31 =	spop (v2sf);
	(v2sf) =	vpush v4, $0x4;
	s16 =	smul.u32 $0x431BDE83, s5  }
0x2f6: {  	s11 =	smulhi.u32 $0x431BDE83, s31;
	s5 =	sshra.s32 s31, $0x1F  }
0x2f7: {  	s0 =	spop (v2sf);
	(v2sf) =	vpush v4, $0x5;
	s20 =	smul.u32 $0x431BDE83, s5  }
0x2f8: {  	s13 =	smulhi.u32 $0x431BDE83, s0;
	s5 =	sshra.s32 s0, $0x1F  }
0x2f9: {  	s1 =	spop (v2sf);
	(v2sf) =	vpush v4, $0x6;
	s14 =	smul.u32 $0x431BDE83, s5  }
0x2fa: {  	s17 =	smulhi.u32 $0x431BDE83, s1;
	s5 =	sshra.s32 s1, $0x1F  }
0x2fb: {  	s9 =	spop (v2sf);
	s26 =	smul.u32 $0x431BDE83, s5  }
0x2fc: {  	[dreg:$0x11] =	wrdreg s24;
	s19 =	smulhi.u32 $0x431BDE83, s9;
	s5 =	sshra.s32 s9, $0x1F  }
0x2fd: {  	s2 =	sadd.s32 s6, s2;
	(v2sf) =	vpush v4, $0x7;
	s21 =	smul.u32 $0x431BDE83, s5;
	s10 =	spop (v2sf)  }
0x2fe: {  	v5 =	vadd.s32 v3, v5;
	[smem:$0x782] =	sst s2;
	s15 =	smulhi.u32 $0x431BDE83, s10;
	s5 =	sshra.s32 s10, $0x1F  }
0x2ff: {  	(v2sf) =	vpush v5, $0xD;
	s18 =	spop (v2sf);
	s23 =	smul.u32 $0x431BDE83, s5  }
0x300: {  	s22 =	smulhi.u32 $0x431BDE83, s18;
	s24 =	spop (v2sf)  }
0x301: {  	(v2sf) =	vpush v5, $0xC;
	s5 =	sshra.s32 s18, $0x1F;
	s25 =	smulhi.u32 $0x431BDE83, s24;
	s28 =	spop (v2sf)  }
0x302: {  	[smem:$0x775] =	sst s22;
	s22 =	smul.u32 $0x431BDE83, s5  }
0x303: {  	(v2sf) =	vpush v5, $0xE;
	[smem:$0x774] =	sst s15;
	s5 =	sshra.s32 s24, $0x1F;
	s29 =	smulhi.u32 $0x431BDE83, s28  }
0x304: {  	s30 =	spop (v2sf);
	s15 =	smul.u32 $0x431BDE83, s5  }
0x305: {  	(v2sf) =	vpush v5, $0xF;
	s6 =	sld [smem:$0x774];
	s5 =	sshra.s32 s28, $0x1F;
	s31 =	smulhi.u32 $0x431BDE83, s30  }
0x306: {  	s1 =	spop (v2sf);
	s10 =	smul.u32 $0x431BDE83, s5  }
0x307: {  	(v2sf) =	vpush v5, $0x9;
	[smem:$0x776] =	sst s25;
	s5 =	sshra.s32 s30, $0x1F;
	s18 =	smulhi.u32 $0x431BDE83, s1  }
0x308: {  	s20 =	sadd.s32 s20, s11;
	(v2sf) =	vpush v5, $0x8;
	s24 =	spop (v2sf);
	s9 =	smul.u32 $0x431BDE83, s5  }
0x309: {  	[smem:$0x777] =	sst s29;
	(v2sf) =	vpush v5, $0xA;
	s5 =	sshra.s32 s1, $0x1F;
	s25 =	smulhi.u32 $0x431BDE83, s24  }
0x30a: {  	s11 =	sld [smem:$0x776];
	s1 =	smul.u32 $0x431BDE83, s5;
	s5 =	sshra.s32 s24, $0x1F  }
0x30b: {  	[smem:$0x778] =	sst s31;
	s28 =	smul.u32 $0x431BDE83, s5  }
0x30c: {  	s29 =	spop (v2sf);
	[smem:$0x779] =	sst s18  }
0x30d: {  	(v2sf) =	vpush v5, $0xB;
	s30 =	smulhi.u32 $0x431BDE83, s29;
	s5 =	sshra.s32 s29, $0x1F;
	[smem:$0x77B] =	sst s28  }
0x30e: {  	s28 =	smul.u32 $0x431BDE83, s5;
	s31 =	spop (v2sf)  }
0x30f: {  	[smem:$0x77A] =	sst s25;
	s18 =	smulhi.u32 $0x431BDE83, s31;
	s24 =	sshra.s32 s31, $0x1F  }
0x310: {  	s25 =	spop (v2sf);
	s0 =	smul.u32 $0x431BDE83, s24  }
0x311: {  	s26 =	sadd.s32 s26, s17;
	[smem:$0x77C] =	sst s30;
	s30 =	smulhi.u32 $0x431BDE83, s25  }
0x312: {  	s24 =	sadd.s32 s7, s3;
	s31 =	spop (v2sf);
	[smem:$0x77D] =	sst s18  }
0x313: {  	(v2sf) =	vpush v5, $0x0;
	s18 =	sadd.s32 s16, s8;
	s3 =	smulhi.u32 $0x431BDE83, s31;
	s8 =	sld [smem:$0x775]  }
0x314: {  	s29 =	sadd.s32 s12, s4;
	s4 =	spop (v2sf);
	[smem:$0x77E] =	sst s0  }
0x315: {  	[smem:$0x77F] =	sst s30;
	s0 =	sshra.s32 s25, $0x1F;
	s30 =	smulhi.u32 $0x431BDE83, s4  }
0x316: {  	s21 =	sadd.s32 s21, s19;
	s5 =	spop (v2sf);
	s0 =	smul.u32 $0x431BDE83, s0  }
0x317: {  	s15 =	sadd.s32 s15, s11;
	s19 =	smulhi.u32 $0x431BDE83, s5;
	s7 =	spop (v2sf)  }
0x318: {  	s16 =	sadd.s32 s14, s13;
	s13 =	smulhi.u32 $0x431BDE83, s7;
	s12 =	spop (v2sf)  }
0x319: {  	[smem:$0x780] =	sst s0;
	s0 =	sshra.s32 s31, $0x1F;
	s11 =	smulhi.u32 $0x431BDE83, s12  }
0x31a: {  	s31 =	sld [smem:$0x777];
	s25 =	smul.u32 $0x431BDE83, s0;
	s0 =	sshra.s32 s4, $0x1F  }
0x31b: {  	[smem:$0x781] =	sst s3;
	s17 =	smul.u32 $0x431BDE83, s0;
	s0 =	sshra.s32 s5, $0x1F  }
0x31c: {  	s22 =	sadd.s32 s22, s8;
	s4 =	spop (v2sf);
	s14 =	smul.u32 $0x431BDE83, s0  }
0x31d: {  	s0 =	sshra.s32 s7, $0x1F;
	s10 =	sadd.s32 s10, s31;
	s31 =	sld [smem:$0x77B]  }
0x31e: {  	(v2sf) =	vpush v5, $0x1;
	s8 =	smul.u32 $0x431BDE83, s0;
	s0 =	sshra.s32 s12, $0x1F;
	s12 =	sld [smem:$0x77A]  }
0x31f: {  	s3 =	sld [smem:$0x778];
	s5 =	smulhi.u32 $0x431BDE83, s4  }
0x320: {  	s23 =	sadd.s32 s23, s6;
	(v2sf) =	vpush v5, $0x2;
	s7 =	sld [smem:$0x779];
	s6 =	smul.u32 $0x431BDE83, s0  }
0x321: {  	s0 =	sshra.s32 s4, $0x1F;
	s12 =	sadd.s32 s31, s12;
	s31 =	sld [smem:$0x77C]  }
0x322: {  	s9 =	sadd.s32 s9, s3;
	s4 =	smul.u32 $0x431BDE83, s0;
	s2 =	spop (v2sf)  }
0x323: {  	s3 =	smulhi.u32 $0x431BDE83, s2;
	s0 =	sshra.s32 s2, $0x1F;
	s2 =	sld [smem:$0x77D]  }
0x324: {  	s28 =	sadd.s32 s28, s31;
	s31 =	sld [smem:$0x77E]  }
0x325: {  	s17 =	sadd.s32 s17, s30  }
0x326: {  	[smem:$0x785] =	sst s17  }
0x327: {  	s7 =	sadd.s32 s1, s7;
	s1 =	sadd.s32 s31, s2;
	s31 =	sld [smem:$0x780]  }
0x328: {  	[dreg:$0x1f] =	wrdreg s1  }
0x329: {  	s8 =	sadd.s32 s8, s13;
	s1 =	sld [smem:$0x77F]  }
0x32a: {  	[smem:$0x786] =	sst s8;
	s6 =	sadd.s32 s6, s11  }
0x32b: {  	s30 =	sshrl.u32 s16, $0x1F;
	s11 =	sshra.s32 s24, $0x12;
	[smem:$0x787] =	sst s6  }
0x32c: {  	s4 =	sadd.s32 s4, s5;
	s1 =	sadd.s32 s31, s1;
	s31 =	sld [smem:$0x781]  }
0x32d: {  	s6 =	sshrl.u32 s29, $0x1F;
	s2 =	smul.u32 $0x431BDE83, s0;
	s0 =	spop (v2sf)  }
0x32e: {  	[smem:$0x783] =	sst s1;
	s1 =	smulhi.u32 $0x431BDE83, s0;
	s0 =	sshra.s32 s0, $0x1F  }
0x32f: {  	(v2sf) =	vpush v5, $0x3;
	s0 =	smul.u32 $0x431BDE83, s0;
	s25 =	sadd.s32 s25, s31;
	s31 =	spop (v2sf)  }
0x330: {  	(v2sf) =	vpush v5, $0x4;
	v20 =	vmov s30;
	s30 =	sshrl.u32 s12, $0x1F;
	s17 =	smulhi.u32 $0x431BDE83, s31;
	s31 =	sshra.s32 s31, $0x1F  }
0x331: {  	[smem:$0x788] =	sst s4;
	v18 =	vmov s6;
	s6 =	sshrl.u32 s9, $0x1F;
	s8 =	smul.u32 $0x431BDE83, s31  }
0x332: {  	(v2sf) =	vpush v5, $0x5;
	s13 =	sadd.s32 s2, s3;
	[smem:$0x784] =	sst s25;
	s25 =	sadd.s32 s14, s19  }
0x333: {  	(v2sf) =	vpush v5, $0x6;
	s5 =	sadd.s32 s0, s1;
	s3 =	sadd.s32 s8, s17;
	s17 =	sld [smem:$0x782]  }
0x334: {  	(v2sf) =	vpush v5, $0x7;
	s1 =	sshra.s32 s20, $0x12;
	s19 =	sshra.s32 s28, $0x1F;
	s14 =	sshra.s32 s21, $0x12  }
0x335: {  	s0 =	sshra.s32 s23, $0x12;
	s31 =	sshrl.u32 s26, $0x1F;
	v17 =	vmov s19;
	s19 =	sshra.s32 s23, $0x1F  }
0x336: {  	v6 =	vsel vm3, s0, v17;
	s0 =	sshra.s32 s22, $0x12;
	s8 =	sshra.s32 s18, $0x12;
	s2 =	sshrl.u32 s17, $0x1F  }
0x337: {  	s4 =	sshra.s32 s17, $0x12;
	s17 =	sshra.s32 s29, $0x12;
	s29 =	sshrl.u32 s24, $0x1F  }
0x338: {  	s24 =	sshrl.u32 s18, $0x1F;
	s18 =	sshrl.u32 s20, $0x1F;
	s20 =	sshra.s32 s16, $0x12  }
0x339: {  	v6 =	vsel vm9, s19, v6;
	s16 =	sshra.s32 s26, $0x12;
	s26 =	sshrl.u32 s21, $0x1F;
	s21 =	sshrl.u32 s23, $0x1F  }
0x33a: {  	s19 =	sshrl.u32 s15, $0x1F;
	v6 =	vsel vm0, s0, v6;
	s23 =	sshrl.u32 s22, $0x1F;
	s22 =	sshra.s32 s22, $0x1F;
	v19 =	vmov s21  }
0x33b: {  	s0 =	sshra.s32 s15, $0x1F;
	s21 =	sshra.s32 s15, $0x12;
	v7 =	vsel vm0, s2, v18;
	s2 =	sshrl.u32 s10, $0x1F;
	v6 =	vsel vm10, s22, v6;
	v9 =	vsel vm0, s18, v20  }
0x33c: {  	s15 =	sshra.s32 s10, $0x12;
	s10 =	sshra.s32 s10, $0x1F;
	s22 =	sshra.s32 s9, $0x12;
	v21 =	vmov s17;
	v22 =	vmov s20;
	v8 =	vnsel vm3, $0x0, v19  }
0x33d: {  	s9 =	sshra.s32 s9, $0x1F;
	s18 =	sshra.s32 s12, $0x12;
	s20 =	sshrl.u32 s25, $0x1F;
	v7 =	vsel vm1, s29, v7;
	v6 =	vsel vm1, s21, v6;
	v9 =	vsel vm1, s31, v9  }
0x33e: {  	s29 =	spop (v2sf);
	v11 =	vsel vm0, s1, v22;
	s21 =	sld [smem:$0x785];
	v8 =	vsel vm0, s23, v8;
	v7 =	vsel vm2, s24, v7;
	s24 =	sshrl.u32 s7, $0x1F  }
0x33f: {  	v6 =	vsel vm11, s0, v6;
	s0 =	sshra.s32 s7, $0x12;
	s7 =	sshra.s32 s7, $0x1F;
	s23 =	spop (v2sf);
	v9 =	vsel vm2, s26, v9;
	v8 =	vsel vm1, s19, v8  }
0x340: {  	s26 =	sld [smem:$0x783];
	v11 =	vsel vm1, s16, v11;
	v6 =	vsel vm2, s15, v6;
	s15 =	sshra.s32 s28, $0x12;
	s19 =	smulhi.u32 $0x431BDE83, s29;
	v8 =	vsel vm2, s2, v8  }
0x341: {  	s29 =	sshra.s32 s29, $0x1F;
	v11 =	vsel vm2, s14, v11;
	s14 =	sshrl.u32 s3, $0x1F;
	v6 =	vsel vm12, s10, v6;
	v8 =	vsel vm4, s6, v8;
	s6 =	spop (v2sf)  }
0x342: {  	v10 =	vsel vm0, s4, v21;
	s10 =	sshra.s32 s12, $0x1F;
	v6 =	vsel vm4, s22, v6;
	s22 =	sld [smem:$0x784];
	s2 =	spop (v2sf)  }
0x343: {  	v10 =	vsel vm1, s11, v10;
	s17 =	sshrl.u32 s26, $0x1F;
	v8 =	vsel vm5, s24, v8;
	s24 =	sshrl.u32 s28, $0x1F;
	v6 =	vsel vm13, s9, v6;
	s28 =	spop (v2sf)  }
0x344: {  	s11 =	sshrl.u32 s21, $0x1F;
	v24 =	vmov s17;
	s17 =	sshra.s32 s23, $0x1F;
	v8 =	vsel vm6, s30, v8;
	v6 =	vsel vm5, s0, v6;
	s12 =	smulhi.u32 $0x431BDE83, s28  }
0x345: {  	v8 =	vsel vm7, s24, v8;
	s30 =	sshra.s32 s28, $0x1F;
	s24 =	rddreg [dreg:$0x1f];
	v6 =	vsel vm14, s7, v6;
	s7 =	sshrl.u32 s22, $0x1F  }
0x346: {  	s28 =	smov.u32 s25;
	s25 =	sld [smem:$0x788];
	s31 =	smul.u32 $0x431BDE83, s30  }
0x347: {  	v10 =	vsel vm2, s8, v10;
	v7 =	vcombine.low v9, v7;
	s4 =	sshrl.u32 s24, $0x1F;
	v6 =	vsel vm6, s18, v6;
	s30 =	smul.u32 $0x431BDE83, s29;
	s29 =	sld [smem:$0x786]  }
0x348: {  	v23 =	vcombine.low v11, v10;
	s18 =	sld [smem:$0x787];
	v6 =	vsel vm15, s10, v6;
	v10 =	vsel vm0, s4, v24;
	s4 =	smulhi.u32 $0x431BDE83, s23;
	s1 =	sadd.s32 s31, s12  }
0x349: {  	s23 =	smulhi.u32 $0x431BDE83, s6;
	s6 =	sshra.s32 s6, $0x1F;
	v6 =	vsel vm7, s15, v6;
	s15 =	sshra.s32 s1, $0x1F  }
0x34a: {  	v7 =	vperm.xlane v7, v0;
	s0 =	sshrl.u32 s25, $0x1F;
	s8 =	sadd.s32 s30, s19;
	s19 =	sshra.s32 s13, $0x12;
	v25 =	vmov s15  }
0x34b: {  	v9 =	vperm.xlane v23, v0;
	v8 =	vperm.xlane v8, v1;
	s31 =	sshrl.u32 s13, $0x1F;
	s12 =	sshrl.u32 s5, $0x1F;
	s13 =	sshra.s32 s13, $0x1F;
	v11 =	vsel vm3, s19, v25  }
0x34c: {  	s30 =	sshra.s32 s5, $0x12;
	v10 =	vsel vm1, s7, v10;
	s6 =	smul.u32 $0x431BDE83, s6;
	s5 =	sshra.s32 s5, $0x1F;
	v6 =	vperm.xlane v6, v1;
	v11 =	vsel vm9, s13, v11  }
0x34d: {  	s9 =	sshrl.u32 s29, $0x1F;
	s16 =	sshrl.u32 s18, $0x1F;
	v26 =	vmov s31;
	s31 =	sshrl.u32 s8, $0x1F;
	v10 =	vsel vm2, s11, v10;
	v11 =	vsel vm0, s30, v11  }
0x34e: {  	s10 =	sshra.s32 s29, $0x12;
	s15 =	smul.u32 $0x431BDE83, s17;
	v12 =	vnsel vm3, $0x0, v26;
	v27 =	vmov s9;
	s19 =	sshra.s32 s3, $0x12;
	v11 =	vsel vm10, s5, v11  }
0x34f: {  	s17 =	smulhi.u32 $0x431BDE83, s2;
	s2 =	sshra.s32 s2, $0x1F;
	v29 =	vmov s10;
	v12 =	vsel vm0, s12, v12;
	s3 =	sshra.s32 s3, $0x1F;
	v11 =	vsel vm1, s19, v11  }
0x350: {  	s6 =	sadd.s32 s6, s23;
	s23 =	sshra.s32 s8, $0x12;
	s9 =	sshra.s32 s26, $0x12;
	v13 =	vsel vm0, s20, v27;
	v12 =	vsel vm1, s14, v12;
	v11 =	vsel vm11, s3, v11  }
0x351: {  	s2 =	smul.u32 $0x431BDE83, s2;
	s4 =	sadd.s32 s15, s4;
	v13 =	vsel vm1, s16, v13;
	v12 =	vsel vm2, s31, v12;
	s31 =	sshra.s32 s8, $0x1F;
	v11 =	vsel vm2, s23, v11  }
0x352: {  	v28 =	vmov s9;
	s13 =	sshra.s32 s28, $0x12;
	s20 =	sshrl.u32 s4, $0x1F;
	v13 =	vsel vm2, s0, v13;
	s8 =	sshra.s32 s4, $0x12;
	v11 =	vsel vm12, s31, v11  }
0x353: {  	s12 =	sshra.s32 s24, $0x12;
	s14 =	sshra.s32 s6, $0x12;
	s11 =	sshra.s32 s4, $0x1F;
	v14 =	vsel vm0, s13, v29;
	v12 =	vsel vm4, s20, v12;
	v11 =	vsel vm4, s8, v11  }
0x354: {  	s16 =	sshra.s32 s18, $0x12;
	s30 =	sshrl.u32 s6, $0x1F;
	s2 =	sadd.s32 s2, s17;
	v10 =	vcombine.low v13, v10;
	v13 =	vsel vm0, s12, v28;
	v11 =	vsel vm13, s11, v11  }
0x355: {  	s15 =	sshra.s32 s22, $0x12;
	s17 =	sshra.s32 s6, $0x1F;
	s7 =	sshrl.u32 s2, $0x1F;
	v14 =	vsel vm1, s16, v14;
	v12 =	vsel vm5, s30, v12;
	v11 =	vsel vm5, s14, v11  }
0x356: {  	s18 =	sshra.s32 s21, $0x12;
	s20 =	sshra.s32 s2, $0x12;
	v13 =	vsel vm1, s15, v13;
	s19 =	sshra.s32 s25, $0x12;
	v12 =	vsel vm6, s7, v12;
	v11 =	vsel vm14, s17, v11  }
0x357: {  	s21 =	sshrl.u32 s1, $0x1F;
	s22 =	sshra.s32 s2, $0x1F;
	v13 =	vsel vm2, s18, v13;
	v14 =	vsel vm2, s19, v14;
	v11 =	vsel vm6, s20, v11  }
0x358: {  	v12 =	vsel vm7, s21, v12;
	v13 =	vcombine.low v14, v13;
	s23 =	sshra.s32 s1, $0x12;
	v11 =	vsel vm15, s22, v11  }
0x359: {  	v10 =	vperm.xlane v10, v0;
	v12 =	vperm.xlane v12, v1;
	v11 =	vsel vm7, s23, v11  }
0x35a: {  	v13 =	vperm.xlane v13, v0;
	v11 =	vperm.xlane v11, v1  }
0x35b: {  	v7 =	vsel vm8, v8, v7;
	v6 =	vsel vm8, v6, v9  }
0x35c: {  	v6 =	vadd.s32 v7, v6;
	v30 =	vsel vm8, v12, v10;
	v31 =	vsel vm8, v11, v13  }
0x35d: {  	v6 =	vmul.u32 $0xF4240, v6;
	v7 =	vadd.s32 v30, v31  }
0x35e: {  	v7 =	vmul.u32 $0xF4240, v7  }
0x35f: {  	s24 =	rddreg [dreg:$0x11];
	v4 =	vsub.s32 v4, v6  }
0x360: {  	[tilespmem:s24+$0xFFFFFC10] =	vst v4;
	v4 =	vsub.s32 v5, v7  }
0x361: {  	s25 =	rddreg [dreg:$0x15];
	[tilespmem:s24+$0x10] =	vst v4  }
0x362: {  	v4 =	vld [tilespmem:s25+$0x0];
	_ =	sdelay $0x4  }
0x363: {  	v4 =	vmul.u32 $0x9E3779B1, v4;
	_ =	sdelay $0x1  }
0x364: {  	v5 =	vshrl.u32 v4, $0x10  }
0x365: {  	v4 =	vxor.u32 v4, v5  }
0x366: {  	v4 =	vmul.u32 $0x45D9F3B, v4;
	_ =	sdelay $0x1  }
0x367: {  	v5 =	vshrl.u32 v4, $0x10  }
0x368: {  	v4 =	vxor.u32 v4, v5  }
0x369: {  	v5 =	vmulhi.u32 $0x431BDE83, v4;
	_ =	sdelay $0x1  }
0x36a: {  	v5 =	vshrl.u32 v5, $0x13  }
0x36b: {  	v5 =	vmul.u32 $0x1E8480, v5;
	_ =	sdelay $0x1  }
0x36c: {  	v4 =	vsub.s32 v4, v5  }
0x36d: {  	v5 =	vadd.s32 $0xFFF0BDC0, v4  }
0x36e: {  	v5 =	vmin.u32 v4, v5  }
0x36f: {  	v4 =	vadd.s32 v2, v5  }
0x370: {  	(v2sf) =	vpush v4, $0xD;
	_ =	sdelay $0x1  }
0x371: {  	(v2sf) =	vpush v4, $0xC;
	_ =	sdelay $0x1  }
0x372: {  	(v2sf) =	vpush v4, $0xE  }
0x373: {  	(v2sf) =	vpush v4, $0xF;
	_ =	sdelay $0x2  }
0x374: {  	(v2sf) =	vpush v4, $0x9;
	_ =	sdelay $0x1  }
0x375: {  	(v2sf) =	vpush v4, $0x8;
	_ =	sdelay $0x1  }
0x376: {  	(v2sf) =	vpush v4, $0xA;
	_ =	sdelay $0x1  }
0x377: {  	(v2sf) =	vpush v4, $0xB  }
0x378: {  	s26 =	spop (v2sf)  }
0x379: {  	(v2sf) =	vpush v4, $0x0;
	s2 =	smulhi.u32 $0x431BDE83, s26;
	s1 =	sshra.s32 s26, $0x1F  }
0x37a: {  	s28 =	spop (v2sf);
	s6 =	smul.u32 $0x431BDE83, s1  }
0x37b: {  	(v2sf) =	vpush v4, $0x1;
	s4 =	smulhi.u32 $0x431BDE83, s28;
	s3 =	sshra.s32 s28, $0x1F  }
0x37c: {  	s29 =	spop (v2sf);
	(v2sf) =	vpush v4, $0x2;
	s12 =	smul.u32 $0x431BDE83, s3  }
0x37d: {  	s3 =	smulhi.u32 $0x431BDE83, s29;
	s5 =	sshra.s32 s29, $0x1F;
	s30 =	spop (v2sf);
	(v2sf) =	vpush v4, $0x3  }
0x37e: {  	s7 =	smul.u32 $0x431BDE83, s5  }
0x37f: {  	s8 =	smulhi.u32 $0x431BDE83, s30;
	s5 =	sshra.s32 s30, $0x1F  }
0x380: {  	s31 =	spop (v2sf);
	(v2sf) =	vpush v4, $0x4;
	s16 =	smul.u32 $0x431BDE83, s5  }
0x381: {  	s11 =	smulhi.u32 $0x431BDE83, s31;
	s5 =	sshra.s32 s31, $0x1F  }
0x382: {  	s0 =	spop (v2sf);
	(v2sf) =	vpush v4, $0x5;
	s20 =	smul.u32 $0x431BDE83, s5  }
0x383: {  	s13 =	smulhi.u32 $0x431BDE83, s0;
	s5 =	sshra.s32 s0, $0x1F  }
0x384: {  	s1 =	spop (v2sf);
	(v2sf) =	vpush v4, $0x6;
	s14 =	smul.u32 $0x431BDE83, s5  }
0x385: {  	s17 =	smulhi.u32 $0x431BDE83, s1;
	s5 =	sshra.s32 s1, $0x1F  }
0x386: {  	s9 =	spop (v2sf);
	s26 =	smul.u32 $0x431BDE83, s5  }
0x387: {  	s19 =	smulhi.u32 $0x431BDE83, s9;
	s5 =	sshra.s32 s9, $0x1F  }
0x388: {  	s2 =	sadd.s32 s6, s2;
	(v2sf) =	vpush v4, $0x7;
	s21 =	smul.u32 $0x431BDE83, s5;
	s10 =	spop (v2sf)  }
0x389: {  	v5 =	vadd.s32 v3, v5;
	[smem:$0x797] =	sst s2;
	s15 =	smulhi.u32 $0x431BDE83, s10;
	s5 =	sshra.s32 s10, $0x1F  }
0x38a: {  	(v2sf) =	vpush v5, $0xD;
	s18 =	spop (v2sf);
	s23 =	smul.u32 $0x431BDE83, s5  }
0x38b: {  	s22 =	smulhi.u32 $0x431BDE83, s18;
	s24 =	spop (v2sf)  }
0x38c: {  	(v2sf) =	vpush v5, $0xC;
	s5 =	sshra.s32 s18, $0x1F;
	s25 =	smulhi.u32 $0x431BDE83, s24;
	s28 =	spop (v2sf)  }
0x38d: {  	[smem:$0x78A] =	sst s22;
	s22 =	smul.u32 $0x431BDE83, s5  }
0x38e: {  	(v2sf) =	vpush v5, $0xE;
	[smem:$0x789] =	sst s15;
	s5 =	sshra.s32 s24, $0x1F;
	s29 =	smulhi.u32 $0x431BDE83, s28  }
0x38f: {  	s30 =	spop (v2sf);
	s15 =	smul.u32 $0x431BDE83, s5  }
0x390: {  	(v2sf) =	vpush v5, $0xF;
	s6 =	sld [smem:$0x789];
	s5 =	sshra.s32 s28, $0x1F;
	s31 =	smulhi.u32 $0x431BDE83, s30  }
0x391: {  	s1 =	spop (v2sf);
	s10 =	smul.u32 $0x431BDE83, s5  }
0x392: {  	(v2sf) =	vpush v5, $0x9;
	[smem:$0x78B] =	sst s25;
	s5 =	sshra.s32 s30, $0x1F;
	s18 =	smulhi.u32 $0x431BDE83, s1  }
0x393: {  	s20 =	sadd.s32 s20, s11;
	(v2sf) =	vpush v5, $0x8;
	s24 =	spop (v2sf);
	s9 =	smul.u32 $0x431BDE83, s5  }
0x394: {  	[smem:$0x78C] =	sst s29;
	(v2sf) =	vpush v5, $0xA;
	s5 =	sshra.s32 s1, $0x1F;
	s25 =	smulhi.u32 $0x431BDE83, s24  }
0x395: {  	s11 =	sld [smem:$0x78B];
	s1 =	smul.u32 $0x431BDE83, s5;
	s5 =	sshra.s32 s24, $0x1F  }
0x396: {  	[smem:$0x78D] =	sst s31;
	s28 =	smul.u32 $0x431BDE83, s5  }
0x397: {  	s29 =	spop (v2sf);
	[smem:$0x78E] =	sst s18  }
0x398: {  	(v2sf) =	vpush v5, $0xB;
	s30 =	smulhi.u32 $0x431BDE83, s29;
	s5 =	sshra.s32 s29, $0x1F;
	[smem:$0x790] =	sst s28  }
0x399: {  	s28 =	smul.u32 $0x431BDE83, s5;
	s31 =	spop (v2sf)  }
0x39a: {  	[smem:$0x78F] =	sst s25;
	s18 =	smulhi.u32 $0x431BDE83, s31;
	s24 =	sshra.s32 s31, $0x1F  }
0x39b: {  	s25 =	spop (v2sf);
	s0 =	smul.u32 $0x431BDE83, s24  }
0x39c: {  	s26 =	sadd.s32 s26, s17;
	[smem:$0x791] =	sst s30;
	s30 =	smulhi.u32 $0x431BDE83, s25  }
0x39d: {  	s24 =	sadd.s32 s7, s3;
	s31 =	spop (v2sf);
	[smem:$0x792] =	sst s18  }
0x39e: {  	(v2sf) =	vpush v5, $0x0;
	s18 =	sadd.s32 s16, s8;
	s3 =	smulhi.u32 $0x431BDE83, s31;
	s8 =	sld [smem:$0x78A]  }
0x39f: {  	s29 =	sadd.s32 s12, s4;
	s4 =	spop (v2sf);
	[smem:$0x793] =	sst s0  }
0x3a0: {  	[smem:$0x794] =	sst s30;
	s0 =	sshra.s32 s25, $0x1F;
	s30 =	smulhi.u32 $0x431BDE83, s4  }
0x3a1: {  	s21 =	sadd.s32 s21, s19;
	s5 =	spop (v2sf);
	s0 =	smul.u32 $0x431BDE83, s0  }
0x3a2: {  	s15 =	sadd.s32 s15, s11;
	s19 =	smulhi.u32 $0x431BDE83, s5;
	s7 =	spop (v2sf)  }
0x3a3: {  	s16 =	sadd.s32 s14, s13;
	s13 =	smulhi.u32 $0x431BDE83, s7;
	s12 =	spop (v2sf)  }
0x3a4: {  	[smem:$0x795] =	sst s0;
	s0 =	sshra.s32 s31, $0x1F;
	s11 =	smulhi.u32 $0x431BDE83, s12  }
0x3a5: {  	s31 =	sld [smem:$0x78C];
	s25 =	smul.u32 $0x431BDE83, s0;
	s0 =	sshra.s32 s4, $0x1F  }
0x3a6: {  	[smem:$0x796] =	sst s3;
	s17 =	smul.u32 $0x431BDE83, s0;
	s0 =	sshra.s32 s5, $0x1F  }
0x3a7: {  	s22 =	sadd.s32 s22, s8;
	s4 =	spop (v2sf);
	s14 =	smul.u32 $0x431BDE83, s0  }
0x3a8: {  	s0 =	sshra.s32 s7, $0x1F;
	s10 =	sadd.s32 s10, s31;
	s31 =	sld [smem:$0x790]  }
0x3a9: {  	(v2sf) =	vpush v5, $0x1;
	s8 =	smul.u32 $0x431BDE83, s0;
	s0 =	sshra.s32 s12, $0x1F;
	s12 =	sld [smem:$0x78F]  }
0x3aa: {  	s3 =	sld [smem:$0x78D];
	s5 =	smulhi.u32 $0x431BDE83, s4  }
0x3ab: {  	s23 =	sadd.s32 s23, s6;
	(v2sf) =	vpush v5, $0x2;
	s7 =	sld [smem:$0x78E];
	s6 =	smul.u32 $0x431BDE83, s0  }
0x3ac: {  	s0 =	sshra.s32 s4, $0x1F;
	s12 =	sadd.s32 s31, s12;
	s31 =	sld [smem:$0x791]  }
0x3ad: {  	s9 =	sadd.s32 s9, s3;
	s4 =	smul.u32 $0x431BDE83, s0;
	s2 =	spop (v2sf)  }
0x3ae: {  	s3 =	smulhi.u32 $0x431BDE83, s2;
	s0 =	sshra.s32 s2, $0x1F;
	s2 =	sld [smem:$0x792]  }
0x3af: {  	s17 =	sadd.s32 s17, s30;
	s28 =	sadd.s32 s28, s31;
	s31 =	sld [smem:$0x793]  }
0x3b0: {  	[smem:$0x79B] =	sst s17;
	s8 =	sadd.s32 s8, s13  }
0x3b1: {  	[smem:$0x79C] =	sst s8  }
0x3b2: {  	s7 =	sadd.s32 s1, s7;
	s1 =	sadd.s32 s31, s2;
	s31 =	sld [smem:$0x795]  }
0x3b3: {  	[smem:$0x798] =	sst s1  }
0x3b4: {  	s6 =	sadd.s32 s6, s11;
	s1 =	sld [smem:$0x794]  }
0x3b5: {  	s30 =	sshrl.u32 s16, $0x1F;
	[smem:$0x79D] =	sst s6;
	s4 =	sadd.s32 s4, s5  }
0x3b6: {  	s11 =	sshra.s32 s24, $0x12;
	s6 =	sshrl.u32 s29, $0x1F;
	[smem:$0x79E] =	sst s4  }
0x3b7: {  	v35 =	vmov s30;
	s30 =	sshrl.u32 s12, $0x1F;
	s1 =	sadd.s32 s31, s1;
	s31 =	sld [smem:$0x796]  }
0x3b8: {  	v33 =	vmov s6;
	s6 =	sshrl.u32 s9, $0x1F;
	s2 =	smul.u32 $0x431BDE83, s0;
	s0 =	spop (v2sf)  }
0x3b9: {  	(v2sf) =	vpush v5, $0x3;
	[smem:$0x799] =	sst s1;
	s1 =	smulhi.u32 $0x431BDE83, s0;
	s0 =	sshra.s32 s0, $0x1F  }
0x3ba: {  	(v2sf) =	vpush v5, $0x4;
	s0 =	smul.u32 $0x431BDE83, s0;
	s25 =	sadd.s32 s25, s31;
	s31 =	spop (v2sf)  }
0x3bb: {  	s13 =	sadd.s32 s2, s3;
	s17 =	smulhi.u32 $0x431BDE83, s31;
	s31 =	sshra.s32 s31, $0x1F  }
0x3bc: {  	(v2sf) =	vpush v5, $0x5;
	[smem:$0x79A] =	sst s25;
	s25 =	sadd.s32 s14, s19;
	s8 =	smul.u32 $0x431BDE83, s31  }
0x3bd: {  	(v2sf) =	vpush v5, $0x6;
	s5 =	sadd.s32 s0, s1;
	s1 =	sshra.s32 s20, $0x12;
	s19 =	sshra.s32 s28, $0x1F  }
0x3be: {  	(v2sf) =	vpush v5, $0x7;
	s0 =	sshra.s32 s23, $0x12;
	v32 =	vmov s19;
	s3 =	sadd.s32 s8, s17;
	s17 =	sld [smem:$0x797]  }
0x3bf: {  	s14 =	sshra.s32 s21, $0x12;
	s31 =	sshrl.u32 s26, $0x1F;
	s19 =	sshra.s32 s23, $0x1F;
	v6 =	vsel vm3, s0, v32  }
0x3c0: {  	s0 =	sshra.s32 s22, $0x12;
	s8 =	sshra.s32 s18, $0x12;
	v6 =	vsel vm9, s19, v6;
	s19 =	sshrl.u32 s15, $0x1F  }
0x3c1: {  	v6 =	vsel vm0, s0, v6;
	s0 =	sshra.s32 s15, $0x1F;
	s2 =	sshrl.u32 s17, $0x1F;
	s4 =	sshra.s32 s17, $0x12  }
0x3c2: {  	s17 =	sshra.s32 s29, $0x12;
	s29 =	sshrl.u32 s24, $0x1F;
	s24 =	sshrl.u32 s18, $0x1F  }
0x3c3: {  	s18 =	sshrl.u32 s20, $0x1F;
	s20 =	sshra.s32 s16, $0x12;
	s16 =	sshra.s32 s26, $0x12  }
0x3c4: {  	s26 =	sshrl.u32 s21, $0x1F;
	s21 =	sshrl.u32 s23, $0x1F;
	s23 =	sshrl.u32 s22, $0x1F  }
0x3c5: {  	s22 =	sshra.s32 s22, $0x1F;
	v34 =	vmov s21;
	s21 =	sshra.s32 s15, $0x12;
	v7 =	vsel vm0, s2, v33;
	s2 =	sshrl.u32 s10, $0x1F  }
0x3c6: {  	s15 =	sshra.s32 s10, $0x12;
	v6 =	vsel vm10, s22, v6;
	s10 =	sshra.s32 s10, $0x1F;
	s22 =	sshra.s32 s9, $0x12;
	v9 =	vsel vm0, s18, v35;
	v36 =	vmov s17  }
0x3c7: {  	s9 =	sshra.s32 s9, $0x1F;
	s18 =	sshra.s32 s12, $0x12;
	v37 =	vmov s20;
	s20 =	sshrl.u32 s25, $0x1F;
	v8 =	vnsel vm3, $0x0, v34;
	v7 =	vsel vm1, s29, v7  }
0x3c8: {  	v6 =	vsel vm1, s21, v6;
	s29 =	spop (v2sf);
	s21 =	sld [smem:$0x79B];
	v8 =	vsel vm0, s23, v8;
	v7 =	vsel vm2, s24, v7;
	s24 =	sshrl.u32 s7, $0x1F  }
0x3c9: {  	v9 =	vsel vm1, s31, v9;
	v6 =	vsel vm11, s0, v6;
	s0 =	sshra.s32 s7, $0x12;
	s7 =	sshra.s32 s7, $0x1F;
	s23 =	spop (v2sf);
	v8 =	vsel vm1, s19, v8  }
0x3ca: {  	v9 =	vsel vm2, s26, v9;
	s26 =	sld [smem:$0x799];
	v6 =	vsel vm2, s15, v6;
	s15 =	sshra.s32 s28, $0x12;
	s19 =	smulhi.u32 $0x431BDE83, s29;
	v8 =	vsel vm2, s2, v8  }
0x3cb: {  	v10 =	vsel vm0, s4, v36;
	s29 =	sshra.s32 s29, $0x1F;
	v6 =	vsel vm12, s10, v6;
	s10 =	sshra.s32 s12, $0x1F;
	v8 =	vsel vm4, s6, v8;
	s6 =	spop (v2sf)  }
0x3cc: {  	v10 =	vsel vm1, s11, v10;
	s11 =	sshrl.u32 s21, $0x1F;
	v6 =	vsel vm4, s22, v6;
	s22 =	sld [smem:$0x79A];
	v8 =	vsel vm5, s24, v8;
	s2 =	spop (v2sf)  }
0x3cd: {  	s24 =	sshrl.u32 s28, $0x1F;
	v6 =	vsel vm13, s9, v6;
	v8 =	vsel vm6, s30, v8;
	s28 =	spop (v2sf);
	s30 =	sshrl.u32 s26, $0x1F  }
0x3ce: {  	v6 =	vsel vm5, s0, v6;
	v8 =	vsel vm7, s24, v8;
	s12 =	smulhi.u32 $0x431BDE83, s28;
	s31 =	sshra.s32 s28, $0x1F;
	s24 =	sld [smem:$0x798]  }
0x3cf: {  	v11 =	vsel vm0, s1, v37;
	v6 =	vsel vm14, s7, v6;
	s28 =	smov.u32 s25;
	s25 =	sld [smem:$0x79E];
	s17 =	smul.u32 $0x431BDE83, s31  }
0x3d0: {  	v11 =	vsel vm1, s16, v11;
	v10 =	vsel vm2, s8, v10;
	s26 =	sshra.s32 s26, $0x12;
	v6 =	vsel vm6, s18, v6;
	s31 =	smul.u32 $0x431BDE83, s29;
	s29 =	sld [smem:$0x79C]  }
0x3d1: {  	v11 =	vsel vm2, s14, v11;
	v7 =	vcombine.low v9, v7;
	s7 =	sshrl.u32 s22, $0x1F;
	s18 =	sld [smem:$0x79D];
	v6 =	vsel vm15, s10, v6;
	s10 =	sshrl.u32 s13, $0x1F  }
0x3d2: {  	v38 =	vcombine.low v11, v10;
	s4 =	sshrl.u32 s24, $0x1F;
	s1 =	sadd.s32 s17, s12;
	s12 =	sshrl.u32 s5, $0x1F  }
0x3d3: {  	v7 =	vperm.xlane v7, v0;
	v39 =	vmov s30;
	s8 =	sadd.s32 s31, s19;
	s31 =	sshra.s32 s23, $0x1F;
	s30 =	sshra.s32 s1, $0x1F  }
0x3d4: {  	v9 =	vperm.xlane v38, v0;
	s17 =	sshra.s32 s13, $0x12;
	s19 =	sshrl.u32 s3, $0x1F;
	v10 =	vsel vm0, s4, v39;
	s4 =	smulhi.u32 $0x431BDE83, s23;
	v40 =	vmov s30  }
0x3d5: {  	v43 =	vmov s26;
	v6 =	vsel vm7, s15, v6;
	s13 =	sshra.s32 s13, $0x1F;
	s9 =	sshrl.u32 s29, $0x1F;
	s15 =	smul.u32 $0x431BDE83, s31;
	v11 =	vsel vm3, s17, v40  }
0x3d6: {  	v8 =	vperm.xlane v8, v1;
	v41 =	vmov s10;
	s16 =	sshrl.u32 s18, $0x1F;
	s23 =	smulhi.u32 $0x431BDE83, s6;
	s30 =	sshra.s32 s5, $0x12;
	v11 =	vsel vm9, s13, v11  }
0x3d7: {  	v6 =	vperm.xlane v6, v1;
	s6 =	sshra.s32 s6, $0x1F;
	v12 =	vnsel vm3, $0x0, v41;
	s31 =	sshrl.u32 s8, $0x1F;
	s5 =	sshra.s32 s5, $0x1F;
	v11 =	vsel vm0, s30, v11  }
0x3d8: {  	s29 =	sshra.s32 s29, $0x12;
	v10 =	vsel vm1, s7, v10;
	s6 =	smul.u32 $0x431BDE83, s6;
	v12 =	vsel vm0, s12, v12;
	s13 =	sshra.s32 s3, $0x12;
	v11 =	vsel vm10, s5, v11  }
0x3d9: {  	s12 =	smulhi.u32 $0x431BDE83, s2;
	s2 =	sshra.s32 s2, $0x1F;
	v42 =	vmov s9;
	v44 =	vmov s29;
	s3 =	sshra.s32 s3, $0x1F;
	v11 =	vsel vm1, s13, v11  }
0x3da: {  	s7 =	sshra.s32 s28, $0x12;
	v10 =	vsel vm2, s11, v10;
	v12 =	vsel vm1, s19, v12;
	s4 =	sadd.s32 s15, s4;
	s15 =	sshra.s32 s8, $0x12;
	v11 =	vsel vm11, s3, v11  }
0x3db: {  	s10 =	sshra.s32 s18, $0x12;
	s2 =	smul.u32 $0x431BDE83, s2;
	v13 =	vsel vm0, s20, v42;
	s19 =	sshra.s32 s8, $0x1F;
	v14 =	vsel vm0, s7, v44;
	v11 =	vsel vm2, s15, v11  }
0x3dc: {  	v12 =	vsel vm2, s31, v12;
	s14 =	sshrl.u32 s4, $0x1F;
	s6 =	sadd.s32 s6, s23;
	v13 =	vsel vm1, s16, v13;
	s23 =	sshra.s32 s4, $0x12;
	v11 =	vsel vm12, s19, v11  }
0x3dd: {  	s0 =	sshrl.u32 s25, $0x1F;
	v14 =	vsel vm1, s10, v14;
	v12 =	vsel vm4, s14, v12;
	s17 =	sshrl.u32 s6, $0x1F;
	s30 =	sshra.s32 s4, $0x1F;
	v11 =	vsel vm4, s23, v11  }
0x3de: {  	s31 =	sshra.s32 s24, $0x12;
	s2 =	sadd.s32 s2, s12;
	v13 =	vsel vm2, s0, v13;
	s8 =	sshra.s32 s6, $0x12;
	v12 =	vsel vm5, s17, v12;
	v11 =	vsel vm13, s30, v11  }
0x3df: {  	s9 =	sshra.s32 s22, $0x12;
	s11 =	sshra.s32 s6, $0x1F;
	s20 =	sshrl.u32 s2, $0x1F;
	v10 =	vcombine.low v13, v10;
	v13 =	vsel vm0, s31, v43;
	v11 =	vsel vm5, s8, v11  }
0x3e0: {  	s12 =	sshra.s32 s21, $0x12;
	s14 =	sshra.s32 s2, $0x12;
	v12 =	vsel vm6, s20, v12;
	v13 =	vsel vm1, s9, v13;
	s13 =	sshra.s32 s25, $0x12;
	v11 =	vsel vm14, s11, v11  }
0x3e1: {  	s16 =	sshra.s32 s2, $0x1F;
	v13 =	vsel vm2, s12, v13;
	v14 =	vsel vm2, s13, v14;
	s15 =	sshrl.u32 s1, $0x1F;
	v11 =	vsel vm6, s14, v11  }
0x3e2: {  	s17 =	sshra.s32 s1, $0x12;
	v13 =	vcombine.low v14, v13;
	v12 =	vsel vm7, s15, v12;
	v11 =	vsel vm15, s16, v11  }
0x3e3: {  	v10 =	vperm.xlane v10, v0;
	v12 =	vperm.xlane v12, v1;
	v11 =	vsel vm7, s17, v11  }
0x3e4: {  	v13 =	vperm.xlane v13, v0;
	v11 =	vperm.xlane v11, v1  }
0x3e5: {  	v7 =	vsel vm8, v8, v7;
	v6 =	vsel vm8, v6, v9  }
0x3e6: {  	v6 =	vadd.s32 v7, v6;
	v45 =	vsel vm8, v12, v10;
	v46 =	vsel vm8, v11, v13  }
0x3e7: {  	v6 =	vmul.u32 $0xF4240, v6;
	v7 =	vadd.s32 v45, v46  }
0x3e8: {  	v7 =	vmul.u32 $0xF4240, v7  }
0x3e9: {  	s18 =	rddreg [dreg:$0x11];
	v4 =	vsub.s32 v4, v6  }
0x3ea: {  	[tilespmem:s18+$0xFFFFFC20] =	vst v4;
	v4 =	vsub.s32 v5, v7  }
0x3eb: {  	s19 =	rddreg [dreg:$0x15];
	[tilespmem:s18+$0x20] =	vst v4  }
0x3ec: {  	v4 =	vld [tilespmem:s19+$0x10];
	_ =	sdelay $0x4  }
0x3ed: {  	v4 =	vmul.u32 $0x9E3779B1, v4;
	_ =	sdelay $0x1  }
0x3ee: {  	v5 =	vshrl.u32 v4, $0x10  }
0x3ef: {  	v4 =	vxor.u32 v4, v5  }
0x3f0: {  	v4 =	vmul.u32 $0x45D9F3B, v4;
	_ =	sdelay $0x1  }
0x3f1: {  	v5 =	vshrl.u32 v4, $0x10  }
0x3f2: {  	v4 =	vxor.u32 v4, v5  }
0x3f3: {  	v5 =	vmulhi.u32 $0x431BDE83, v4;
	_ =	sdelay $0x1  }
0x3f4: {  	v5 =	vshrl.u32 v5, $0x13  }
0x3f5: {  	v5 =	vmul.u32 $0x1E8480, v5;
	_ =	sdelay $0x1  }
0x3f6: {  	v4 =	vsub.s32 v4, v5  }
0x3f7: {  	v5 =	vadd.s32 $0xFFF0BDC0, v4  }
0x3f8: {  	v5 =	vmin.u32 v4, v5  }
0x3f9: {  	v4 =	vadd.s32 v2, v5  }
0x3fa: {  	(v2sf) =	vpush v4, $0xD;
	_ =	sdelay $0x1  }
0x3fb: {  	(v2sf) =	vpush v4, $0xC;
	_ =	sdelay $0x1  }
0x3fc: {  	(v2sf) =	vpush v4, $0xE;
	_ =	sdelay $0x1  }
0x3fd: {  	(v2sf) =	vpush v4, $0xF;
	_ =	sdelay $0x1  }
0x3fe: {  	(v2sf) =	vpush v4, $0x9;
	_ =	sdelay $0x1  }
0x3ff: {  	(v2sf) =	vpush v4, $0x8;
	_ =	sdelay $0x1  }
0x400: {  	(v2sf) =	vpush v4, $0xA;
	_ =	sdelay $0x1  }
0x401: {  	(v2sf) =	vpush v4, $0xB  }
0x402: {  	s20 =	spop (v2sf)  }
0x403: {  	(v2sf) =	vpush v4, $0x0;
	s3 =	smulhi.u32 $0x431BDE83, s20;
	s0 =	sshra.s32 s20, $0x1F  }
0x404: {  	s21 =	spop (v2sf);
	s14 =	smul.u32 $0x431BDE83, s0  }
0x405: {  	(v2sf) =	vpush v4, $0x1;
	s4 =	smulhi.u32 $0x431BDE83, s21;
	s0 =	sshra.s32 s21, $0x1F  }
0x406: {  	s22 =	spop (v2sf);
	s16 =	smul.u32 $0x431BDE83, s0  }
0x407: {  	(v2sf) =	vpush v4, $0x2;
	s6 =	smulhi.u32 $0x431BDE83, s22;
	s0 =	sshra.s32 s22, $0x1F  }
0x408: {  	s23 =	spop (v2sf);
	s8 =	smul.u32 $0x431BDE83, s0  }
0x409: {  	(v2sf) =	vpush v4, $0x3;
	s7 =	smulhi.u32 $0x431BDE83, s23;
	s0 =	sshra.s32 s23, $0x1F  }
0x40a: {  	s24 =	spop (v2sf);
	(v2sf) =	vpush v4, $0x4;
	s20 =	smul.u32 $0x431BDE83, s0  }
0x40b: {  	s11 =	smulhi.u32 $0x431BDE83, s24;
	s0 =	sshra.s32 s24, $0x1F  }
0x40c: {  	s25 =	spop (v2sf);
	s23 =	smul.u32 $0x431BDE83, s0  }
0x40d: {  	(v2sf) =	vpush v4, $0x5;
	s13 =	smulhi.u32 $0x431BDE83, s25;
	s0 =	sshra.s32 s25, $0x1F  }
0x40e: {  	s26 =	spop (v2sf);
	s21 =	smul.u32 $0x431BDE83, s0  }
0x40f: {  	(v2sf) =	vpush v4, $0x6;
	s15 =	smulhi.u32 $0x431BDE83, s26;
	s0 =	sshra.s32 s26, $0x1F  }
0x410: {  	s28 =	spop (v2sf);
	s24 =	smul.u32 $0x431BDE83, s0  }
0x411: {  	(v2sf) =	vpush v4, $0x7;
	s19 =	smulhi.u32 $0x431BDE83, s28;
	s0 =	sshra.s32 s28, $0x1F  }
0x412: {  	s26 =	smul.u32 $0x431BDE83, s0;
	s29 =	spop (v2sf)  }
0x413: {  	s30 =	smulhi.u32 $0x431BDE83, s29;
	s0 =	sshra.s32 s29, $0x1F  }
0x414: {  	v5 =	vadd.s32 v3, v5;
	s31 =	spop (v2sf);
	s12 =	smul.u32 $0x431BDE83, s0  }
0x415: {  	(v2sf) =	vpush v5, $0xD;
	s2 =	smulhi.u32 $0x431BDE83, s31;
	s0 =	sshra.s32 s31, $0x1F  }
0x416: {  	s5 =	spop (v2sf);
	s10 =	smul.u32 $0x431BDE83, s0  }
0x417: {  	(v2sf) =	vpush v5, $0xC;
	[smem:$0x79F] =	sst s30;
	s9 =	smulhi.u32 $0x431BDE83, s5;
	s0 =	sshra.s32 s5, $0x1F  }
0x418: {  	s17 =	spop (v2sf);
	s5 =	smul.u32 $0x431BDE83, s0  }
0x419: {  	(v2sf) =	vpush v5, $0xE;
	s18 =	smulhi.u32 $0x431BDE83, s17;
	s0 =	sshra.s32 s17, $0x1F;
	s22 =	spop (v2sf)  }
0x41a: {  	[smem:$0x7A1] =	sst s9;
	s9 =	smul.u32 $0x431BDE83, s0  }
0x41b: {  	(v2sf) =	vpush v5, $0xF;
	[smem:$0x7A0] =	sst s2;
	s25 =	smulhi.u32 $0x431BDE83, s22;
	s17 =	sshra.s32 s22, $0x1F  }
0x41c: {  	s28 =	spop (v2sf);
	s2 =	smul.u32 $0x431BDE83, s17  }
0x41d: {  	s24 =	sadd.s32 s24, s15;
	(v2sf) =	vpush v5, $0x9;
	[smem:$0x7A2] =	sst s18;
	s29 =	smulhi.u32 $0x431BDE83, s28  }
0x41e: {  	s17 =	sshra.s32 s28, $0x1F;
	s31 =	spop (v2sf);
	s15 =	sld [smem:$0x7A1]  }
0x41f: {  	(v2sf) =	vpush v5, $0x8;
	[smem:$0x7A3] =	sst s25;
	s30 =	smul.u32 $0x431BDE83, s17  }
0x420: {  	s1 =	smulhi.u32 $0x431BDE83, s31;
	s17 =	sshra.s32 s31, $0x1F;
	s22 =	spop (v2sf)  }
0x421: {  	[smem:$0x7A4] =	sst s29;
	s18 =	smul.u32 $0x431BDE83, s17  }
0x422: {  	(v2sf) =	vpush v5, $0xA;
	s25 =	smulhi.u32 $0x431BDE83, s22;
	s17 =	sshra.s32 s22, $0x1F;
	[smem:$0x7A5] =	sst s30  }
0x423: {  	[smem:$0x7A6] =	sst s1;
	s1 =	smul.u32 $0x431BDE83, s17  }
0x424: {  	[smem:$0x7A7] =	sst s18;
	s28 =	spop (v2sf)  }
0x425: {  	(v2sf) =	vpush v5, $0xB;
	[smem:$0x7A8] =	sst s25;
	s29 =	smulhi.u32 $0x431BDE83, s28;
	s17 =	sshra.s32 s28, $0x1F  }
0x426: {  	s16 =	sadd.s32 s16, s4;
	s30 =	spop (v2sf);
	s31 =	smul.u32 $0x431BDE83, s17  }
0x427: {  	s18 =	sadd.s32 s14, s3;
	s3 =	smulhi.u32 $0x431BDE83, s30;
	s17 =	sshra.s32 s30, $0x1F  }
0x428: {  	s20 =	sadd.s32 s20, s7;
	s4 =	spop (v2sf);
	s30 =	smul.u32 $0x431BDE83, s17  }
0x429: {  	[smem:$0x7A9] =	sst s29;
	s17 =	sadd.s32 s8, s6;
	s6 =	smulhi.u32 $0x431BDE83, s4  }
0x42a: {  	s0 =	sshra.s32 s4, $0x1F;
	s8 =	spop (v2sf);
	s4 =	sld [smem:$0x79F]  }
0x42b: {  	[smem:$0x7AA] =	sst s3;
	s28 =	smul.u32 $0x431BDE83, s0;
	s0 =	sshra.s32 s8, $0x1F  }
0x42c: {  	s21 =	sadd.s32 s21, s13;
	s14 =	spop (v2sf);
	s25 =	smul.u32 $0x431BDE83, s0  }
0x42d: {  	(v2sf) =	vpush v5, $0x0;
	s3 =	sld [smem:$0x7A7];
	s22 =	smulhi.u32 $0x431BDE83, s14;
	s0 =	sshra.s32 s14, $0x1F  }
0x42e: {  	s26 =	sadd.s32 s26, s19;
	s19 =	spop (v2sf);
	s13 =	smul.u32 $0x431BDE83, s0  }
0x42f: {  	s14 =	smulhi.u32 $0x431BDE83, s19;
	s0 =	sshra.s32 s19, $0x1F;
	s19 =	sld [smem:$0x7A2]  }
0x430: {  	s23 =	sadd.s32 s23, s11;
	s29 =	smulhi.u32 $0x431BDE83, s8;
	[smem:$0x7AB] =	sst s6  }
0x431: {  	s5 =	sadd.s32 s5, s15;
	s6 =	sld [smem:$0x7A0];
	s7 =	spop (v2sf)  }
0x432: {  	(v2sf) =	vpush v5, $0x1;
	s11 =	smul.u32 $0x431BDE83, s0;
	s9 =	sadd.s32 s9, s19;
	s19 =	sld [smem:$0x7A3]  }
0x433: {  	s12 =	sadd.s32 s12, s4;
	s8 =	smulhi.u32 $0x431BDE83, s7;
	s0 =	sshra.s32 s7, $0x1F  }
0x434: {  	s4 =	spop (v2sf);
	s25 =	sadd.s32 s25, s29;
	s10 =	sadd.s32 s10, s6  }
0x435: {  	s7 =	smul.u32 $0x431BDE83, s0;
	s15 =	sadd.s32 s2, s19;
	s2 =	sld [smem:$0x7A6]  }
0x436: {  	(v2sf) =	vpush v5, $0x2;
	s6 =	smulhi.u32 $0x431BDE83, s4;
	s0 =	sshra.s32 s4, $0x1F;
	s4 =	sld [smem:$0x7A4]  }
0x437: {  	[smem:$0x7AF] =	sst s25  }
0x438: {  	s19 =	sld [smem:$0x7A5];
	s2 =	sadd.s32 s3, s2  }
0x439: {  	[smem:$0x7AC] =	sst s2  }
0x43a: {  	s2 =	sld [smem:$0x7A8]  }
0x43b: {  	s25 =	sadd.s32 s13, s22;
	s19 =	sadd.s32 s19, s4;
	s4 =	smul.u32 $0x431BDE83, s0  }
0x43c: {  	s22 =	sshra.s32 s18, $0x12;
	s13 =	sshra.s32 s20, $0x12;
	s0 =	spop (v2sf)  }
0x43d: {  	s4 =	sadd.s32 s4, s6;
	s2 =	sadd.s32 s1, s2;
	s1 =	sld [smem:$0x7A9]  }
0x43e: {  	(v2sf) =	vpush v5, $0x3;
	s3 =	smulhi.u32 $0x431BDE83, s0;
	s0 =	sshra.s32 s0, $0x1F;
	[smem:$0x7B0] =	sst s4  }
0x43f: {  	s6 =	sshrl.u32 s16, $0x1F;
	[dreg:$0x18] =	wrdreg s2;
	s2 =	smul.u32 $0x431BDE83, s0  }
0x440: {  	v48 =	vmov s6;
	s6 =	sshra.s32 s12, $0x12;
	s1 =	sadd.s32 s31, s1;
	s31 =	sld [smem:$0x7AA]  }
0x441: {  	s0 =	spop (v2sf);
	s2 =	sadd.s32 s2, s3;
	s3 =	sshrl.u32 s18, $0x1F  }
0x442: {  	[dreg:$0x1a] =	wrdreg s1;
	s1 =	smulhi.u32 $0x431BDE83, s0;
	s0 =	sshra.s32 s0, $0x1F  }
0x443: {  	s0 =	smul.u32 $0x431BDE83, s0;
	s30 =	sadd.s32 s30, s31;
	s31 =	sld [smem:$0x7AB]  }
0x444: {  	(v2sf) =	vpush v5, $0x4;
	s18 =	sshrl.u32 s10, $0x1F;
	v7 =	vsel vm0, s3, v48;
	s3 =	sshra.s32 s10, $0x12;
	[smem:$0x7AD] =	sst s30  }
0x445: {  	s30 =	spop (v2sf);
	s4 =	sadd.s32 s0, s1;
	s0 =	sshrl.u32 s12, $0x1F  }
0x446: {  	s1 =	sshra.s32 s23, $0x12;
	s12 =	sshra.s32 s12, $0x1F;
	v47 =	vmov s0;
	s0 =	sshrl.u32 s5, $0x1F  }
0x447: {  	(v2sf) =	vpush v5, $0x5;
	s28 =	sadd.s32 s28, s31;
	s31 =	smulhi.u32 $0x431BDE83, s30;
	s30 =	sshra.s32 s30, $0x1F  }
0x448: {  	(v2sf) =	vpush v5, $0x6;
	[smem:$0x7AE] =	sst s28;
	s29 =	smul.u32 $0x431BDE83, s30;
	s30 =	sadd.s32 s11, s14  }
0x449: {  	(v2sf) =	vpush v5, $0x7;
	s28 =	sadd.s32 s7, s8;
	s7 =	sshra.s32 s16, $0x12;
	s11 =	sshrl.u32 s17, $0x1F  }
0x44a: {  	s8 =	sshra.s32 s17, $0x12;
	s16 =	sshrl.u32 s20, $0x1F;
	s17 =	sshrl.u32 s23, $0x1F  }
0x44b: {  	v6 =	vnsel vm3, $0x0, v47;
	s20 =	sshrl.u32 s21, $0x1F;
	s21 =	sshra.s32 s21, $0x12;
	s23 =	sshrl.u32 s24, $0x1F  }
0x44c: {  	s24 =	sshra.s32 s24, $0x12;
	v6 =	vsel vm0, s18, v6;
	s18 =	sshrl.u32 s9, $0x1F;
	v7 =	vsel vm1, s11, v7;
	s11 =	sshra.s32 s5, $0x12  }
0x44d: {  	v6 =	vsel vm1, s0, v6;
	s5 =	sshra.s32 s5, $0x1F;
	s0 =	sshrl.u32 s15, $0x1F;
	v49 =	vmov s20;
	s20 =	spop (v2sf)  }
0x44e: {  	v51 =	vmov s7;
	v52 =	vmov s21;
	s21 =	sshra.s32 s15, $0x12;
	s14 =	sadd.s32 s29, s31;
	s29 =	sshrl.u32 s26, $0x1F  }
0x44f: {  	s26 =	sshra.s32 s26, $0x12;
	s31 =	sshra.s32 s10, $0x1F;
	v6 =	vsel vm2, s18, v6;
	v10 =	vsel vm0, s22, v51;
	s22 =	sld [smem:$0x7AD]  }
0x450: {  	v7 =	vsel vm2, s16, v7;
	s16 =	sshrl.u32 s19, $0x1F;
	v8 =	vsel vm0, s17, v49;
	s17 =	sshra.s32 s9, $0x12;
	v6 =	vsel vm4, s0, v6;
	s0 =	rddreg [dreg:$0x18]  }
0x451: {  	v11 =	vsel vm0, s1, v52;
	s1 =	sshrl.u32 s28, $0x1F;
	v8 =	vsel vm1, s23, v8;
	v10 =	vsel vm1, s8, v10;
	s18 =	sshra.s32 s0, $0x1F;
	s23 =	sshrl.u32 s0, $0x1F  }
0x452: {  	v8 =	vsel vm2, s29, v8;
	s29 =	sshra.s32 s20, $0x1F;
	v10 =	vsel vm2, s13, v10;
	s13 =	sshrl.u32 s30, $0x1F;
	v50 =	vmov s18;
	s18 =	sld [smem:$0x7AC]  }
0x453: {  	v6 =	vsel vm5, s16, v6;
	s8 =	sshrl.u32 s22, $0x1F;
	v54 =	vmov s13;
	s13 =	sld [smem:$0x7AE];
	s16 =	spop (v2sf);
	v9 =	vsel vm3, s6, v50  }
0x454: {  	s6 =	sshra.s32 s9, $0x1F;
	v53 =	vmov s8;
	s8 =	rddreg [dreg:$0x1a];
	v9 =	vsel vm9, s12, v9;
	s12 =	sshra.s32 s19, $0x12  }
0x455: {  	v11 =	vsel vm1, s24, v11;
	s19 =	sshra.s32 s19, $0x1F;
	s24 =	sshrl.u32 s8, $0x1F;
	s10 =	sshrl.u32 s18, $0x1F  }
0x456: {  	v11 =	vsel vm2, s26, v11;
	v9 =	vsel vm0, s3, v9;
	s3 =	sshra.s32 s15, $0x1F;
	s26 =	sshrl.u32 s13, $0x1F;
	v6 =	vsel vm6, s10, v6;
	s10 =	spop (v2sf)  }
0x457: {  	v12 =	vsel vm0, s24, v53;
	s24 =	sshra.s32 s22, $0x12;
	v6 =	vsel vm7, s23, v6;
	s23 =	smulhi.u32 $0x431BDE83, s20;
	s9 =	spop (v2sf)  }
0x458: {  	s22 =	sshrl.u32 s14, $0x1F;
	v9 =	vsel vm10, s31, v9;
	s20 =	smul.u32 $0x431BDE83, s29;
	s0 =	spop (v2sf)  }
0x459: {  	v12 =	vsel vm1, s26, v12;
	s26 =	sshra.s32 s8, $0x12;
	v9 =	vsel vm1, s11, v9;
	s15 =	smulhi.u32 $0x431BDE83, s0;
	s7 =	sshra.s32 s0, $0x1F  }
0x45a: {  	v55 =	vmov s24;
	s8 =	sshra.s32 s2, $0x12;
	s29 =	sshrl.u32 s25, $0x1F;
	v9 =	vsel vm11, s5, v9;
	s11 =	smul.u32 $0x431BDE83, s7  }
0x45b: {  	s24 =	smulhi.u32 $0x431BDE83, s16;
	v14 =	vsel vm0, s26, v55;
	s26 =	sshra.s32 s14, $0x12;
	v13 =	vsel vm0, s29, v54;
	s29 =	sshra.s32 s30, $0x12;
	v9 =	vsel vm2, s17, v9  }
0x45c: {  	v7 =	vcombine.low v8, v7;
	s30 =	sshra.s32 s13, $0x12;
	v13 =	vsel vm1, s1, v13;
	s1 =	sld [smem:$0x7B0];
	v9 =	vsel vm12, s6, v9;
	s6 =	sadd.s32 s11, s15  }
0x45d: {  	v56 =	vcombine.low v11, v10;
	s0 =	sadd.s32 s20, s23;
	s20 =	sld [smem:$0x7AF];
	s15 =	sshra.s32 s6, $0x1F  }
0x45e: {  	v7 =	vperm.xlane v7, v0;
	v14 =	vsel vm1, s30, v14;
	s17 =	sshra.s32 s2, $0x1F;
	s30 =	smulhi.u32 $0x431BDE83, s10;
	s10 =	sshra.s32 s10, $0x1F;
	v16 =	vmov s15  }
0x45f: {  	v8 =	vperm.xlane v56, v0;
	v15 =	vmov s29;
	s2 =	sshrl.u32 s2, $0x1F;
	s29 =	sshra.s32 s14, $0x1F;
	s10 =	smul.u32 $0x431BDE83, s10;
	v16 =	vsel vm3, s8, v16  }
0x460: {  	v6 =	vperm.xlane v6, v1;
	v9 =	vsel vm4, s21, v9;
	s21 =	sshra.s32 s4, $0x12;
	s14 =	smulhi.u32 $0x431BDE83, s9;
	s31 =	sshrl.u32 s20, $0x1F;
	v16 =	vsel vm9, s17, v16  }
0x461: {  	v60 =	vmov s2;
	v9 =	vsel vm13, s3, v9;
	s11 =	sshra.s32 s20, $0x12;
	s20 =	sshrl.u32 s4, $0x1F;
	s4 =	sshra.s32 s4, $0x1F;
	v57 =	vsel vm0, s21, v16  }
0x462: {  	s23 =	sshrl.u32 s1, $0x1F;
	v9 =	vsel vm5, s12, v9;
	v12 =	vsel vm2, s31, v12;
	s31 =	sshra.s32 s25, $0x12;
	s25 =	sshra.s32 s16, $0x1F;
	v10 =	vsel vm10, s4, v57  }
0x463: {  	s7 =	sshra.s32 s18, $0x12;
	v13 =	vsel vm2, s23, v13;
	v9 =	vsel vm14, s19, v9;
	s13 =	smul.u32 $0x431BDE83, s25;
	v10 =	vsel vm1, s26, v10  }
0x464: {  	s23 =	sshra.s32 s1, $0x12;
	v9 =	vsel vm6, s7, v9;
	v15 =	vsel vm0, s31, v15;
	s15 =	sshra.s32 s28, $0x12;
	s31 =	sshra.s32 s0, $0x12;
	v10 =	vsel vm11, s29, v10  }
0x465: {  	v14 =	vsel vm2, s11, v14;
	v58 =	vcombine.low v13, v12;
	s28 =	sshrl.u32 s0, $0x1F;
	s0 =	sshra.s32 s0, $0x1F;
	s11 =	sadd.s32 s13, s24;
	v10 =	vsel vm2, s31, v10  }
0x466: {  	s18 =	sshra.s32 s18, $0x1F;
	v13 =	vnsel vm3, $0x0, v60;
	v15 =	vsel vm1, s15, v15;
	s15 =	sshra.s32 s9, $0x1F;
	s16 =	sshra.s32 s11, $0x12;
	v10 =	vsel vm12, s0, v10  }
0x467: {  	s2 =	sadd.s32 s10, s30;
	v9 =	vsel vm15, s18, v9;
	v13 =	vsel vm0, s20, v13;
	s3 =	smul.u32 $0x431BDE83, s15;
	s17 =	sshra.s32 s11, $0x1F;
	v10 =	vsel vm4, s16, v10  }
0x468: {  	s20 =	sshra.s32 s2, $0x12;
	v59 =	vsel vm2, s23, v15;
	v13 =	vsel vm1, s22, v13;
	s22 =	sshra.s32 s2, $0x1F;
	v10 =	vsel vm13, s17, v10  }
0x469: {  	s23 =	rddreg [dreg:$0x18];
	v11 =	vperm.xlane v58, v0;
	v13 =	vsel vm2, s28, v13;
	s19 =	sshrl.u32 s11, $0x1F;
	s1 =	sadd.s32 s3, s14;
	v10 =	vsel vm5, s20, v10  }
0x46a: {  	v12 =	vcombine.low v59, v14;
	s21 =	sshrl.u32 s2, $0x1F;
	s2 =	sshra.s32 s23, $0x12;
	v13 =	vsel vm4, s19, v13;
	s24 =	sshra.s32 s1, $0x12;
	v10 =	vsel vm14, s22, v10  }
0x46b: {  	v9 =	vsel vm7, s2, v9;
	v13 =	vsel vm5, s21, v13;
	s3 =	sshrl.u32 s1, $0x1F;
	s26 =	sshra.s32 s1, $0x1F;
	v10 =	vsel vm6, s24, v10  }
0x46c: {  	s25 =	sshrl.u32 s6, $0x1F;
	v9 =	vperm.xlane v9, v1;
	v13 =	vsel vm6, s3, v13;
	s29 =	sshra.s32 s6, $0x12;
	v10 =	vsel vm15, s26, v10  }
0x46d: {  	v12 =	vperm.xlane v12, v0;
	v13 =	vsel vm7, s25, v13;
	v10 =	vsel vm7, s29, v10  }
0x46e: {  	s28 =	rddreg [dreg:$0x16];
	v13 =	vperm.xlane v13, v1;
	v10 =	vperm.xlane v10, v1  }
0x46f: {  	v6 =	vsel vm8, v6, v7;
	s1 =	sadd.s32 $0x4, s28;
	v61 =	vsel vm8, v9, v8  }
0x470: {  	p0 =	slt.u32 s1, $0x3C;
	v6 =	vadd.s32 v6, v61;
	v62 =	vsel vm8, v13, v11;
	v63 =	vsel vm8, v10, v12  }
.Ltmp1:
0x471: {  	v6 =	vmul.u32 $0xF4240, v6;
	v7 =	vadd.s32 v62, v63;
	(pc) =	sbr.rel @p0 .LBB2_4-.Ltmp1, $4  }
0x472: {  	v7 =	vmul.u32 $0xF4240, v7  }
0x473: {  	s31 =	rddreg [dreg:$0x11];
	v4 =	vsub.s32 v4, v6  }
0x474: {  	s30 =	rddreg [dreg:$0x15];
	s2 =	sadd.s32 $0x40, s31;
	[tilespmem:s31+$0xFFFFFC30] =	vst v4;
	v4 =	vsub.s32 v5, v7  }
0x475: {  	s0 =	sadd.s32 $0x40, s30;
	[dreg:$0x11] =	wrdreg s2;
	[tilespmem:s31+$0x30] =	vst v4  }
0x476: {  	s2 =	simm.s32 $0x1  }
0x477: {  	_ =	swait.ge [sflag:s2], $0x4000  }
0x478: {  	[sflag:s2] =	ssyncset.done $0x0  }
0x479: {  	[sflag:s2] =	ssyncadd.s32 $0xFFFFC000  }
0x47a: {  	_ =	swait.ge [sflag:s2], $0x4000  }
0x47b: {  	s0 =	rddreg [dreg:$0xd]  }
0x47c: {  	s1 =	rddreg [dreg:$0x8]  }
0x47d: {  	s29 =	simm.s32 $0x10;
	s28 =	rddreg [dreg:$0x6]  }
0x47e: {  	s3 =	simm.s32 $0x80;
	[sflag:s2] =	ssyncset.done $0x0;
	s6 =	rddreg [dreg:$0x10]  }
0x47f: {  	s4 =	rddreg [dreg:$0xe];
	s0 =	sshll.u32 s0, $0xE;
	p0 =	sne.s32 s6, $0x10  }
.Ltmp2:
0x480: {  	s30 =	rddreg [dreg:$0x9];
	s0 =	sadd.s32 s1, s0;
	(pc) =	sbr.rel @p0 .LBB2_3-.Ltmp2, $4  }
0x481: {  	s5 =	rddreg [dreg:$0xc];
	[sflag:s2] =	ssyncadd.s32 $0xFFFFC000;
	s1 =	sadd.s32 s28, s0  }
0x482: {  	[hbm4b:s1+s29] =	stream.strided.scatter [tilespmem:s4], [sflag:$0x2], $0x4000, s3, s29, $0x38;
	[tilespmem:$0x11820] =	vst v63  }
0x483: {  	s31 =	rddreg [dreg:$0xf];
	s5 =	sadd.s32 $0x1, s5;
	s0 =	sadd.s32 s0, s30  }
0x484: {  	[hbm4b:s0+s29] =	stream.strided.scatter [tilespmem:s31], [sflag:$0x2], $0x4000, s3, s29, $0x38;
	[tilespmem:$0x11820] =	vst v63  }
0x485: {  	s1 =	simm.s32 $0x2  }
0x486: {  	_ =	swait.ge [sflag:s1], $0x4000  }
0x487: {  	[sflag:s1] =	ssyncset.done $0x0  }
0x488: {  	[sflag:s1] =	ssyncadd.s32 $0xFFFFC000  }
0x489: {  	_ =	swait.ge [sflag:s1], $0x4000  }
0x48a: {  	[sflag:s1] =	ssyncset.done $0x0  }
0x48b: {  	[sflag:s1] =	ssyncadd.s32 $0xFFFFC000  }
0x48c: {  	_ =	swait.ge [sflag:s1], $0x4000  }
0x48d: {  	[sflag:s1] =	ssyncset.done $0x0  }
0x48e: {  	[sflag:s1] =	ssyncadd.s32 $0xFFFFC000  }
0x48f: {  	_ =	swait.ge [sflag:s1], $0x4000  }
0x490: {  	s2 =	rddreg [dreg:$0xb]  }
0x491: {  	s0 =	rddreg [dreg:$0xa];
	s2 =	sadd.s32 $0x1, s2  }
0x492: {  	p0 =	sne.s32 s2, s0  }
.Ltmp3:
0x493: {  	_ = 	snop;
	(pc) =	sbr.rel @p0 .LBB2_1-.Ltmp3, $3  }
0x494: {  	_ =	sdelay $0x1  }
0x495: {  	[sflag:s1] =	ssyncset.done $0x0  }
0x496: {  	[sflag:s1] =	ssyncadd.s32 $0xFFFFC000  }
0x497: {  	_ =	sfence.sel $0x180000  }
0x498: {  	[bflag:$0x0] =	sbarrier.arrive $0xFFFF  }
0x499: {  	_ =	strace $0x90000047  }
0x49a: {  	s0 =	stileid.u32;
	[bflag:$0x2] =	sbarrier.arrive $0xFFFF  }
0x49b: {  	p0 =	sne.s32 s0, $0x0;
	s0 =	rddreg [dreg:$0x2]  }
0x49c: {  	s0 =	sadd.s32 @!p0 $0x100000, s0  }
0x49d: {  	[sflag:s0] =	ssyncadd.tile.s32 @!p0 $0x1;
	_ =	shalt  }
.Lfunc_end2:
_tile_overlayer_lowered:
.L_overlay_start_2:
0x49e: {  	(tag) =	ssettag $0x2  }
0x49f: {  	s0 =	rddreg [dreg:$0x0];
	s2 =	stileid.u32  }
0x4a0: {  	s1 =	rddreg [dreg:$0x1];
	p0 =	sne.s32 s2, $0x0  }
0x4a1: {  	s3 =	rddreg [dreg:$0x2];
	[bflag:$0x3] =	sbarrier.arrive $0xFFFF;
	s2 =	simm.s32 @!p0 $0x1C03  }
0x4a2: {  	[timem:s3], [sflag:s2] =	dma.local @!p0 [hbm:s0], s1  }
0x4a3: {  	s0 =	simm.s32 @!p0 $0x3  }
0x4a4: {  	_ =	swait.ge @!p0 [sflag:s0], s1  }
0x4a5: {  	s1 =	ssub.s32 @!p0 $0x0, s1;
	[sflag:s0] =	ssyncset.done @!p0 $0x0  }
0x4a6: {  	[sflag:s0] =	ssyncadd.s32 @!p0 s1  }
0x4a7: {  	[bflag:$0x3] =	sbarrier.arrive $0xFFFF  }
0x4a8: {  	_ =	shalt  }

// kernel: sparse-core-data-format-call.cloned.1.call-start
scs
called_computation_lowered:
.L_overlay_start_0:
0x0: {  	s2 =	sld [smem:$0x3FD9]  }
0x1: {  	s3 =	sld [smem:$0x3FFE];
	_ =	sdelay $0x1  }
0x2: {  	s1 =	srdreg.scid  }
0x3: {  	s0 =	sand.u32 $0x1, s1  }
0x4: {  	s18 =	sshll.u32 s0, $0xA;
	s2 =	sadd.s32 s3, s2  }
0x5: {  	s2 =	sadd.s32 s2, s18  }
0x6: {  	[smem:$0x3FC5] =	sst s2  }
0x7: {  	_ = 	snop  }
0x8: {  	s2 =	sld [smem:$0x3FD0];
	(tm) =	ssettm $0x1  }
0x9: {  	s19 =	sld [smem:$0x3FFB];
	_ =	sdelay $0x3  }
0xa: {  	_ =	strace s19  }
0xb: {  	s3 =	sld [smem:$0x3FFC];
	_ =	sdelay $0x3  }
0xc: {  	_ =	strace s3  }
0xd: {  	s3 =	sld [smem:$0x3FFD];
	_ =	sdelay $0x3  }
0xe: {  	_ =	strace s3  }
0xf: {  	_ =	strace $0x8FFFFFFF  }
0x10: {  	s20 =	sld [smem:$0x3FDB];
	_ =	sdelay $0x1  }
0x11: {  	s4 =	simm.s32 $_scs_section_size  }
0x12: {  	s5 =	simm.s32 $_size__tile_overlayer_lowered;
	s6 =	simm.s32 $_tile_overlayer_lowered  }
0x13: {  	s23 =	simm.s32 $0x1BFF;
	s22 =	sshll.u32 s6, $0x1;
	s3 =	sadd.s32 s4, s20  }
0x14: {  	s7 =	simm.s32 $0x0;
	s21 =	sshll.u32 s5, $0x1;
	s5 =	sadd.s32 s22, s3  }
0x15: {  	[timem:s7], [sflag:s23] =	dma.local [hbm:s5], s21  }
0x16: {  	_ =	swait.ge [sflag:s23], s21  }
0x17: {  	s4 =	ssub.s32 $0x0, s21;
	[sflag:s23] =	ssyncset.done $0x0  }
0x18: {  	[sflag:s23] =	ssyncadd.s32 s4;
	_ =	sdelay $0x1  }
0x19: {  	s24 =	simm.s32 $0x1B8B  }
0x1a: {  	_ =	swait.ge [sflag:s24], $0x1  }
0x1b: {  	[sflag:s24] =	ssyncset.done $0x0  }
0x1c: {  	s26 =	simm.s32 $0x1B8E;
	s25 =	sld [smem:$0x3FFE];
	[sflag:s24] =	ssyncadd.s32 $0xFFFFFFFF  }
0x1d: {  	s27 =	simm.s32 $execute0_lowered;
	[smem:$0x3FD2] =	sst s26  }
0x1e: {  	s5 =	sshll.u32 s27, $0x1;
	_ =	strace $0x80000049;
	[dreg:$0x1] =	wrdreg $0xFFFFFFFF  }
0x1f: {  	s28 =	simm.s32 $_size_execute0_lowered;
	s3 =	sadd.s32 s3, s5;
	[dreg:$0x0] =	wrdreg $0x0  }
0x20: {  	s5 =	sshll.u32 s28, $0x1;
	[dreg:$0x2] =	wrdreg s3  }
0x21: {  	[dreg:$0x3] =	wrdreg s5  }
0x22: {  	[dreg:$0x4] =	wrdreg $0xC0  }
0x23: {  	_ =	task [dreg:s7], $0x5FFFF  }
0x24: {  	[dreg:$0x1] =	wrdreg $0xFFFFFFFF  }
0x25: {  	[dreg:$0x0] =	wrdreg $0x60  }
0x26: {  	[dreg:$0x2] =	wrdreg s25  }
0x27: {  	[dreg:$0x3] =	wrdreg s2  }
0x28: {  	[dreg:$0x4] =	wrdreg $0x9  }
0x29: {  	_ =	task.clear_ibuf [dreg:s7], $0x5FFFF;
	_ =	strace $0x90000049  }
0x2a: {  	s29 =	simm.s32 $0x9;
	_ =	strace $0x8000004B  }
0x2b: {  	_ =	swait.ge [sflag:s29], $0x1  }
0x2c: {  	[sflag:s29] =	ssyncadd.s32 $0xFFFFFFFF  }
0x2d: {  	_ =	strace $0x9000004B  }
0x2e: {  	_ =	sfence  }
0x2f: {  	s30 =	sld [smem:$0x0];
	_ =	sdelay $0x2  }
0x30: {  	s31 =	sshll.u32 s1, $0xD;
	s1 =	sshrl.u32 s1, $0x2  }
0x31: {  	s3 =	sand.u32 $0x4000, s31;
	s1 =	sadd.s32 s1, s30  }
0x32: {  	s0 =	sor.u32 s3, s0;
	s1 =	sshll.u32 s1, $0x11  }
0x33: {  	s0 =	sor.u32 s1, s0  }
0x34: {  	s0 =	sadd.s32 $0x8F2B, s0  }
0x35: {  	[sflag:s0] =	ssyncadd.remote.s32 $0x1  }
0x36: {  	_ =	sfence.sel $0xFFFF  }
0x37: {  	[dreg:$0x0] =	wrdreg $0xFFFFFFFF;
	(pc) =	sbr.abs _section_cstart, $3  }
0x38: {  	[dreg:$0x1] =	wrdreg $0xFFFFFFFF  }
0x39: {  	_ =	task.clear_ibuf [dreg:s7], $0x2FFFF;
	_ =	strace $0x9FFFFFFF  }
0x3a: {  	(tm) =	ssettm $0x7FFFFFFF  }
0x3b: {  	_ =	shalt  }
tec
execute0_lowered:
.L_overlay_start_1:
0x0: {  	(tag) =	ssettag $0x1  }
0x1: {  	s0 =	srdreg.scid  }
0x2: {  	s1 =	sshll.u32 s0, $0x4  }
0x3: {  	s0 =	stileid.u32;
	s1 =	sand.u32 $0x10, s1  }
0x4: {  	s1 =	sor.u32 s0, s1  }
0x5: {  	s6 =	rddreg [dreg:$0x0];
	s4 =	simm.s32 $0x1;
	s2 =	sshll.u32 s1, $0x7  }
0x6: {  	s7 =	simm.s32 $0x2;
	s12 =	simm.s32 $0x0;
	s1 =	ssub.s32 $0x4000, s2  }
0x7: {  	s8 =	simm.s32 $0x20000;
	s13 =	simm.s32 $0x0;
	s3 =	sand.u32 $0xF80, s1  }
0x8: {  	s9 =	simm.s32 $0x0;
	s5 =	sshrl.u32 s1, $0xC;
	p0 =	sne.s32 s3, $0x0  }
.Ltmp0:
0x9: {  	s1 =	rddreg [dreg:$0x2];
	s4 =	simm.s32 @!p0 $0x0;
	(pc) =	sbr.rel .LBB1_1-.Ltmp0, $4  }
0xa: {  	s11 =	simm.s32 $0x0;
	s3 =	rddreg [dreg:$0x1];
	s5 =	sadd.s32 s4, s5  }
0xb: {  	_ =	strace $0x8000004A;
	s4 =	simm.s32 $0x1;
	s5 =	smul.u32 $0x1A, s5  }
0xc: {  	s6 =	sadd.s32 $0x1000, s6;
	s10 =	smov.u32 s2;
	[sflag:s4] =	ssyncpa.u1 $0x0  }
0xd: {  	p0 =	por $0x0, $0x0;
	[sflag:s7] =	ssyncpa.u1 $0x0;
	s7 =	sor.u32 $0x1, s5  }
.LBB1_4:
0xe: {  	s16 =	sshll.u32 s13, $0x3;
	s17 =	sand.u32 $0x78, s13  }
0xf: {  	s30 =	sand.u32 $0xF800, s13;
	s12 =	sshll.u32 s12, $0x10;
	s16 =	sand.u32 $0x3C00, s16  }
0x10: {  	s31 =	sand.u32 $0x7, s13;
	s16 =	sor.u32 s17, s16;
	s17 =	sadd.s32 s3, s30  }
0x11: {  	s13 =	sshll.u32 s31, $0x12;
	s16 =	sshrl.u32 s16, $0x3;
	s12 =	sadd.s32 s12, s17  }
0x12: {  	[tilespmem:s15+$0x0 ss:$0x81] =	vst.msk $0xffff, v0;
	s13 =	sor.u32 $0x400, s13;
	s12 =	sadd.s32 s16, s12  }
0x13: {  	[hbm4b:s12+s13] =	stream.strided.scatter [tilespmem:s14], [sflag:$0x2], $0x1000, s8, s13, $0x20;
	[tilespmem:$0x4040] =	vst v63  }
.LBB1_5:
0x14: {  	s14 =	sadd.s32 $0x1, s9  }
0x15: {  	s12 =	sadd.s32 $0x1000, s10;
	s16 =	smov.u32 s10;
	p2 =	sgt.s32 s14, $0x19  }
0x16: {  	s16 =	smov.u32 @p2 s12  }
0x17: {  	s14 =	simm.s32 @p2 $0x0;
	p2 =	sgt.s32 s16, $0x3FFF  }
0x18: {  	s16 =	smov.u32 @p2 s2;
	p2 =	sne.s32 s11, s7  }
.Ltmp1:
0x19: {  	p1 =	slt.u32 s11, $0x2;
	(pc) =	sbr.rel @!p2 .LBB1_6-.Ltmp1, $4  }
0x1a: {  	s15 =	simm.s32 @!p1 $0x2  }
0x1b: {  	s13 =	smov.u32 s10;
	p0 =	por !p0, !p0;
	_ =	swait.ge @!p1 [sflag:s15], $0x1000  }
0x1c: {  	s12 =	smov.u32 s9;
	[sflag:s15] =	ssyncset.done @!p1 $0x0;
	s9 =	smov.u32 s14  }
0x1d: {  	s11 =	sadd.s32 $0x1, s11;
	[sflag:s15] =	ssyncadd.s32 @!p1 $0xFFFFF000;
	s10 =	smov.u32 s16  }
.LBB1_1:
0x1e: {  	p1 =	sge.u32 s11, s5  }
0x1f: {  	s31 =	sadd.s32 $0xFFFFFFFF, s11;
	s14 =	sxor.u32 @!p1 $0xFFFFFFFF, s11  }
0x20: {  	s15 =	sshll.u32 @!p1 s10, $0x9;
	s16 =	sshll.u32 @!p1 s9, $0x4;
	s17 =	simm.s32 @!p1 $0x1000  }
0x21: {  	s14 =	sshll.u32 @!p1 s14, $0xC;
	s16 =	sand.u32 @!p1 $0x1F0, s16;
	s15 =	sadd.s32 @!p1 s6, s15  }
0x22: {  	s14 =	sand.u32 @!p1 $0x1000, s14;
	s15 =	sadd.s32 @!p1 s16, s15;
	s16 =	simm.s32 @!p1 $0x20  }
0x23: {  	[tilespmem:s14], [sflag:$0x1] =	stream.strided.gather @!p1 [hbm4b:s15+s16], $0x1000, s17, s16, $0x38;
	[tilespmem:$0x4040] =	vst v63  }
0x24: {  	p1 =	sge.u32 s31, s5  }
.Ltmp2:
0x25: {  	_ = 	snop;
	(pc) =	sbr.rel @p1 .LBB1_5-.Ltmp2, $1  }
0x26: {  	_ =	sdelay $0x3  }
0x27: {  	s14 =	simm.s32 $0x1  }
0x28: {  	_ =	swait.ge [sflag:s4], $0x1000;
	s14 =	simm.s32 @!p0 $0x0  }
0x29: {  	[sflag:s4] =	ssyncset.done $0x0;
	s15 =	sshll.u32 s14, $0xC  }
0x2a: {  	[sflag:s4] =	ssyncadd.s32 $0xFFFFF000;
	s18 =	sor.u32 $0x10, s15  }
0x2b: {  	s14 =	smul.u32 $0x4080, s14;
	v1 =	vld [tilespmem:s18+$0x0]  }
0x2c: {  	s30 =	sand.u32 $0x1, s11;
	v0 =	vld [tilespmem:s18+$0xFFFFFFF0]  }
0x2d: {  	s15 =	smul.u32 $0x4080, s30;
	s14 =	sshrl.u32 s14, $0x2  }
0x2e: {  	s16 =	sor.u32 $0x2000, s14  }
0x2f: {  	s31 =	sshrl.u32 s15, $0x2;
	s15 =	sadd.s32 $0x0, s16  }
0x30: {  	s17 =	simm.s32 $0x4;
	s18 =	sadd.s32 $0x20, s18;
	s14 =	sor.u32 $0x2000, s31;
	[tilespmem:s15+$0x810 ss:$0x81] =	vst.msk $0xffff, v1  }
.LBB1_3:
0x31: {  	v1 =	vld [tilespmem:s18+$0x0];
	p1 =	sne.s32 s17, $0x1FC;
	[tilespmem:s15+$0x0 ss:$0x81] =	vst.msk $0xffff, v0;
	s15 =	smov.u32 s17;
	s17 =	sadd.s32 $0x4, s17  }
.Ltmp3:
0x32: {  	v0 =	vld [tilespmem:s18+$0xFFFFFFF0];
	(pc) =	sbr.rel @p1 .LBB1_3-.Ltmp3, $4  }
0x33: {  	_ = 	snop  }
0x34: {  	s15 =	sshra.s32 s15, $0x2  }
0x35: {  	s15 =	sadd.s32 s15, s16  }
0x36: {  	s18 =	sadd.s32 $0x20, s18;
	[tilespmem:s15+$0x810 ss:$0x81] =	vst.msk $0xffff, v1  }
.Ltmp4:
0x37: {  	_ = 	snop;
	(pc) =	sbr.rel .LBB1_4-.Ltmp4, $1  }
0x38: {  	_ =	sdelay $0x3  }
.LBB1_6:
0x39: {  	_ =	sfence.sel $0x180000  }
0x3a: {  	s2 =	simm.s32 $0x1;
	[bflag:$0x0] =	sbarrier.arrive $0xFFFF  }
0x3b: {  	s31 =	simm.s32 $0x2;
	[sflag:s2] =	ssyncpa.u1 $0x1  }
0x3c: {  	[sflag:s31] =	ssyncpa.u1 $0x1  }
0x3d: {  	p0 =	sne.s32 s0, $0x0;
	_ =	strace $0x9000004A  }
0x3e: {  	s0 =	sadd.s32 @!p0 $0x100000, s1;
	[bflag:$0x2] =	sbarrier.arrive $0xFFFF  }
0x3f: {  	[sflag:s0] =	ssyncadd.tile.s32 @!p0 $0x1;
	_ =	shalt  }
.Lfunc_end1:
_tile_overlayer_lowered:
.L_overlay_start_2:
0x40: {  	(tag) =	ssettag $0x2  }
0x41: {  	s0 =	rddreg [dreg:$0x0];
	s2 =	stileid.u32  }
0x42: {  	s1 =	rddreg [dreg:$0x1];
	p0 =	sne.s32 s2, $0x0  }
0x43: {  	s3 =	rddreg [dreg:$0x2];
	[bflag:$0x3] =	sbarrier.arrive $0xFFFF;
	s2 =	simm.s32 @!p0 $0x1C01  }
0x44: {  	[timem:s3], [sflag:s2] =	dma.local @!p0 [hbm:s0], s1  }
0x45: {  	s0 =	simm.s32 @!p0 $0x1  }
0x46: {  	_ =	swait.ge @!p0 [sflag:s0], s1  }
0x47: {  	s1 =	ssub.s32 @!p0 $0x0, s1;
	[sflag:s0] =	ssyncset.done @!p0 $0x0  }
0x48: {  	[sflag:s0] =	ssyncadd.s32 @!p0 s1  }
0x49: {  	[bflag:$0x3] =	sbarrier.arrive $0xFFFF  }
0x4a: {  	_ =	shalt  }

</sc_bundles>
